<compile_context>
chip_gen: v7x
topology: tpu7x:2x2x1
jax: 0.10.2.dev20260603
libtpu: 0.0.44.dev20260713+nightly
codegen_flags: <defaults>
</compile_context>

<pallas_src>
import functools

import jax
import jax.numpy as jnp
from jax import lax
from jax.experimental import pallas as pl
from jax.experimental.pallas import tpu as pltpu
from jax.experimental.pallas import tpu_sc as plsc

NUM_USERS = 100000
NUM_ITEMS = 50000
LATENT_DIM = 64
BATCH = 4096

_info = plsc.get_sparse_core_info()
_NC, _NS, _NL = _info.num_cores, _info.num_subcores, _info.num_lanes

_SPAN = 26496
_UBULK = NUM_USERS // 128 * 128
_IBULK = NUM_ITEMS // 128 * 128
_USTAGES = [(0, _SPAN), (_SPAN, _SPAN), (2 * _SPAN, _SPAN),
            (3 * _SPAN, _UBULK + 128 - 3 * _SPAN)]
_ISTAGES = [(0, _SPAN), (_SPAN, _IBULK + 128 - _SPAN)]


def _make_gather_kernel():
    mesh = plsc.VectorSubcoreMesh(core_axis_name="c", subcore_axis_name="s")

    @functools.partial(
        pl.kernel,
        mesh=mesh,
        out_type=[
            jax.ShapeDtypeStruct((LATENT_DIM, BATCH), jnp.float32),
            jax.ShapeDtypeStruct((LATENT_DIM, BATCH), jnp.float32),
        ],
        scratch_types=[
            pltpu.VMEM((2, _SPAN), jnp.float32),
            pltpu.VMEM((2, _SPAN), jnp.float32),
            pltpu.VMEM((BATCH,), jnp.int32),
            pltpu.VMEM((BATCH,), jnp.int32),
            pltpu.VMEM((2, BATCH), jnp.float32),
            pltpu.VMEM((2, BATCH), jnp.float32),
            pltpu.SemaphoreType.DMA,
            pltpu.SemaphoreType.DMA,
            pltpu.SemaphoreType.DMA,
        ],
        compiler_params=pltpu.CompilerParams(needs_layout_passes=False),
    )
    def gather2(u_t, i_t, u_tail, i_tail, u_idx, i_idx, u_out, i_out,
                buf_a, buf_b, u_idx_v, i_idx_v, ob_u, ob_i,
                sem_a, sem_b, sem_out):
        cid = lax.axis_index("c")
        sid = lax.axis_index("s")
        col0 = cid * (LATENT_DIM // 2) + sid * 2

        k0 = jnp.zeros((_NL,), dtype=jnp.int32)
        k1 = jnp.ones((_NL,), dtype=jnp.int32)

        def fire(table, tail, bulk_end, stage, buf, sem):
            s0, ln = stage
            if s0 + ln <= bulk_end:
                return [pltpu.async_copy(
                    table.at[pl.ds(col0, 2), pl.ds(s0, ln)],
                    buf.at[:, pl.ds(0, ln)], sem)]
            return [
                pltpu.async_copy(
                    table.at[pl.ds(col0, 2), pl.ds(s0, ln - 128)],
                    buf.at[:, pl.ds(0, ln - 128)], sem),
                pltpu.async_copy(
                    tail.at[pl.ds(col0, 2), :],
                    buf.at[:, pl.ds(ln - 128, 128)], sem),
            ]

        def gpass(idx_v, ob, buf, stage, first, last):
            s0, ln = stage

            def body(i, carry):
                sl = pl.ds(i * _NL, _NL)
                loc = idx_v[sl] - s0
                if first:
                    m = loc < ln
                elif last:
                    m = loc >= 0
                else:
                    m = (loc >= 0) & (loc < ln)
                v0 = plsc.load_gather(buf, [k0, loc], mask=m)
                v1 = plsc.load_gather(buf, [k1, loc], mask=m)
                if first:
                    ob[0, sl] = v0
                    ob[1, sl] = v1
                else:
                    ob[0, sl] = ob[0, sl] + v0
                    ob[1, sl] = ob[1, sl] + v1
                return carry
            lax.fori_loop(0, BATCH // _NL, body, 0, unroll=8)

        def wait(handles):
            for h in handles:
                h.wait()

        hu1 = fire(u_t, u_tail, _UBULK, _USTAGES[0], buf_a, sem_a)
        hu2 = fire(u_t, u_tail, _UBULK, _USTAGES[1], buf_b, sem_b)
        pltpu.sync_copy(u_idx.at[:], u_idx_v)
        pltpu.sync_copy(i_idx.at[:], i_idx_v)
        wait(hu1)
        gpass(u_idx_v, ob_u, buf_a, _USTAGES[0], True, False)
        hu3 = fire(u_t, u_tail, _UBULK, _USTAGES[2], buf_a, sem_a)
        wait(hu2)
        gpass(u_idx_v, ob_u, buf_b, _USTAGES[1], False, False)
        hu4 = fire(u_t, u_tail, _UBULK, _USTAGES[3], buf_b, sem_b)
        wait(hu3)
        gpass(u_idx_v, ob_u, buf_a, _USTAGES[2], False, False)
        hi1 = fire(i_t, i_tail, _IBULK, _ISTAGES[0], buf_a, sem_a)
        wait(hu4)
        gpass(u_idx_v, ob_u, buf_b, _USTAGES[3], False, True)
        o1 = pltpu.async_copy(ob_u, u_out.at[pl.ds(col0, 2), :], sem_out)
        hi2 = fire(i_t, i_tail, _IBULK, _ISTAGES[1], buf_b, sem_b)
        wait(hi1)
        gpass(i_idx_v, ob_i, buf_a, _ISTAGES[0], True, False)
        wait(hi2)
        gpass(i_idx_v, ob_i, buf_b, _ISTAGES[1], False, True)
        o2 = pltpu.async_copy(ob_i, i_out.at[pl.ds(col0, 2), :], sem_out)
        o1.wait()
        o2.wait()

    return gather2


_gather2 = _make_gather_kernel()


def kernel(user_indices, item_indices, user_embeddings, item_embeddings):
    u_idx = user_indices.astype(jnp.int32)
    i_idx = item_indices.astype(jnp.int32)
    u_tail = jnp.pad(user_embeddings[NUM_USERS // 128 * 128:, :],
                     ((0, 128 - NUM_USERS % 128), (0, 0))).T
    i_tail = jnp.pad(item_embeddings[NUM_ITEMS // 128 * 128:, :],
                     ((0, 128 - NUM_ITEMS % 128), (0, 0))).T
    u_out_t, i_out_t = _gather2(user_embeddings.T, item_embeddings.T,
                                u_tail, i_tail, u_idx, i_idx)
    return (u_out_t.T, i_out_t.T)

# --- scband reference (transcript-rebuilt; emitter-appended) ---
"""Pipeline reference for scband-svdinitializer-87866440942253 (READ-ONLY COPY).

The authoritative reference and input builder live on the scoring server;
editing this copy changes nothing except your own understanding.
"""

import jax, jax.numpy as jnp
import numpy as np

NUM_USERS = 100000
NUM_ITEMS = 50000
LATENT_DIM = 64
BATCH = 4096


def setup_inputs(seed: int = 0) -> dict:
    key = jax.random.key(seed)
    k1, k2, k3, k4 = jax.random.split(key, 4)
    # The torch module initializes these tables via truncated SVD of the
    # interaction matrix; the resulting parameters are dense [N, latent_dim]
    # float matrices, which we materialize directly here.
    user_embeddings = jax.random.normal(k1, (NUM_USERS, LATENT_DIM), dtype=jnp.float32) * 0.01
    item_embeddings = jax.random.normal(k2, (NUM_ITEMS, LATENT_DIM), dtype=jnp.float32) * 0.01
    user_indices = jax.random.randint(k3, (BATCH,), 0, NUM_USERS, dtype=jnp.int64 if jax.config.jax_enable_x64 else jnp.int32)
    item_indices = jax.random.randint(k4, (BATCH,), 0, NUM_ITEMS, dtype=jnp.int64 if jax.config.jax_enable_x64 else jnp.int32)
    return {
        "user_indices": user_indices,
        "item_indices": item_indices,
        "user_embeddings": user_embeddings,
        "item_embeddings": item_embeddings,
    }


def reference(user_indices, item_indices, user_embeddings, item_embeddings):
    # Faithful translation of SVDInitializer.forward with item_indices provided.
    user_embeds = jnp.take(user_embeddings, user_indices, axis=0)
    item_embeds = jnp.take(item_embeddings, item_indices, axis=0)
    return (user_embeds, item_embeds)

if __name__ == "__main__":
    import jax
    _d = setup_inputs()
    print(jax.jit(kernel)(*tuple(_d.values())))

</pallas_src>

<mosaic_0001>
#map = affine_map<(d0, d1) -> (0, 0)>
#map1 = affine_map<(d0, d1) -> (0)>
module attributes {stable_mosaic.version = 14 : i64} {
  func.func @gather2(%arg0: i32, %arg1: i32, %arg2: memref<64x100000xf32, #tpu.memory_space<hbm>>, %arg3: memref<64x50000xf32, #tpu.memory_space<hbm>>, %arg4: memref<64x128xf32, #tpu.memory_space<hbm>>, %arg5: memref<64x128xf32, #tpu.memory_space<hbm>>, %arg6: memref<4096xi32, #tpu.memory_space<hbm>>, %arg7: memref<4096xi32, #tpu.memory_space<hbm>>, %arg8: memref<64x4096xf32, #tpu.memory_space<hbm>>, %arg9: memref<64x4096xf32, #tpu.memory_space<hbm>>, %arg10: memref<2x26496xf32, #tpu.memory_space<vmem>>, %arg11: memref<2x26496xf32, #tpu.memory_space<vmem>>, %arg12: memref<4096xi32, #tpu.memory_space<vmem>>, %arg13: memref<4096xi32, #tpu.memory_space<vmem>>, %arg14: memref<2x4096xf32, #tpu.memory_space<vmem>>, %arg15: memref<2x4096xf32, #tpu.memory_space<vmem>>, %arg16: memref<!tpu.dma_semaphore, #tpu.memory_space<semaphore_mem>>, %arg17: memref<!tpu.dma_semaphore, #tpu.memory_space<semaphore_mem>>, %arg18: memref<!tpu.dma_semaphore, #tpu.memory_space<semaphore_mem>>) attributes {dimension_semantics = [#tpu.dimension_semantics<core_parallel>, #tpu.dimension_semantics<subcore_parallel>], iteration_bounds = array<i64: 2, 16>, scalar_prefetch = 0 : i64, scratch_operands = 9 : i64, tpu.core_type = #tpu.core_type<sc_vector_subcore>, window_params = [{transform_indices = #map}, {transform_indices = #map}, {transform_indices = #map}, {transform_indices = #map}, {transform_indices = #map1}, {transform_indices = #map1}, {transform_indices = #map}, {transform_indices = #map}]} {
    %mul3A = arith.constant 32 : i32
    %mul3A_0 = arith.muli %arg0, %mul3A : i32
    %mul3A_1 = arith.constant 2 : i32
    %mul3A_2 = arith.muli %arg1, %mul3A_1 : i32
    %add3A = arith.addi %mul3A_0, %mul3A_2 : i32
    %broadcast_in_dim3A = arith.constant 0 : i32
    %broadcast_in_dim3A_3 = vector.broadcast %broadcast_in_dim3A : i32 to vector<16xi32>
    %broadcast_in_dim3A_4 = arith.constant 1 : i32
    %broadcast_in_dim3A_5 = vector.broadcast %broadcast_in_dim3A_4 : i32 to vector<16xi32>
    %dma_start3A = arith.constant 0 : i32
    %dma_start3A_6 = arith.constant 0 : i32
    %dma_start3A_7 = tpu.memref_slice %arg10[%dma_start3A, %dma_start3A_6] : memref<2x26496xf32, #tpu.memory_space<vmem>> -> memref<2x26496xf32, #tpu.memory_space<vmem>>
    %dma_start3A_8 = arith.constant 0 : i32
    %dma_start3A_9 = tpu.memref_slice %arg2[%add3A, %dma_start3A_8] : memref<64x100000xf32, #tpu.memory_space<hbm>> -> memref<2x26496xf32, #tpu.memory_space<hbm>>
    %dma_start3A_10 = arith.constant 0 : i32
    %dma_start3A_11 = arith.constant 0 : i32
    %dma_start3A_12 = tpu.memref_slice %arg10[%dma_start3A_10, %dma_start3A_11] : memref<2x26496xf32, #tpu.memory_space<vmem>> -> memref<2x26496xf32, #tpu.memory_space<vmem>>
    %dma_start3A_13 = arith.constant 0 : i32
    %dma_start3A_14 = tpu.memref_slice %arg2[%add3A, %dma_start3A_13] : memref<64x100000xf32, #tpu.memory_space<hbm>> -> memref<2x26496xf32, #tpu.memory_space<hbm>>
    tpu.enqueue_dma source(%dma_start3A_14 : memref<2x26496xf32, #tpu.memory_space<hbm>>) target(%dma_start3A_12 : memref<2x26496xf32, #tpu.memory_space<vmem>>) target_semaphore(%arg16 : memref<!tpu.dma_semaphore, #tpu.memory_space<semaphore_mem>>)
    %dma_start3A_15 = arith.constant 0 : i32
    %dma_start3A_16 = arith.constant 0 : i32
    %dma_start3A_17 = tpu.memref_slice %arg11[%dma_start3A_15, %dma_start3A_16] : memref<2x26496xf32, #tpu.memory_space<vmem>> -> memref<2x26496xf32, #tpu.memory_space<vmem>>
    %dma_start3A_18 = arith.constant 26496 : i32
    %dma_start3A_19 = tpu.memref_slice %arg2[%add3A, %dma_start3A_18] : memref<64x100000xf32, #tpu.memory_space<hbm>> -> memref<2x26496xf32, #tpu.memory_space<hbm>>
    %dma_start3A_20 = arith.constant 0 : i32
    %dma_start3A_21 = arith.constant 0 : i32
    %dma_start3A_22 = tpu.memref_slice %arg11[%dma_start3A_20, %dma_start3A_21] : memref<2x26496xf32, #tpu.memory_space<vmem>> -> memref<2x26496xf32, #tpu.memory_space<vmem>>
    %dma_start3A_23 = arith.constant 26496 : i32
    %dma_start3A_24 = tpu.memref_slice %arg2[%add3A, %dma_start3A_23] : memref<64x100000xf32, #tpu.memory_space<hbm>> -> memref<2x26496xf32, #tpu.memory_space<hbm>>
    tpu.enqueue_dma source(%dma_start3A_24 : memref<2x26496xf32, #tpu.memory_space<hbm>>) target(%dma_start3A_22 : memref<2x26496xf32, #tpu.memory_space<vmem>>) target_semaphore(%arg17 : memref<!tpu.dma_semaphore, #tpu.memory_space<semaphore_mem>>)
    "tpu.region"() ({
      %run_scoped3A = tpu.sem_alloc : memref<!tpu.dma_semaphore, #tpu.memory_space<semaphore_mem>>
      %dma_start3A_215 = arith.constant 0 : i32
      %dma_start3A_216 = tpu.memref_slice %arg6[%dma_start3A_215] : memref<4096xi32, #tpu.memory_space<hbm>> -> memref<4096xi32, #tpu.memory_space<hbm>>
      %dma_start3A_217 = arith.constant 0 : i32
      %dma_start3A_218 = tpu.memref_slice %arg6[%dma_start3A_217] : memref<4096xi32, #tpu.memory_space<hbm>> -> memref<4096xi32, #tpu.memory_space<hbm>>
      tpu.enqueue_dma source(%dma_start3A_218 : memref<4096xi32, #tpu.memory_space<hbm>>) target(%arg12 : memref<4096xi32, #tpu.memory_space<vmem>>) target_semaphore(%run_scoped3A : memref<!tpu.dma_semaphore, #tpu.memory_space<semaphore_mem>>)
      %dma_wait3A_219 = arith.constant 0 : i32
      %dma_wait3A_220 = tpu.memref_slice %arg6[%dma_wait3A_219] : memref<4096xi32, #tpu.memory_space<hbm>> -> memref<4096xi32, #tpu.memory_space<hbm>>
      %dma_wait3A_221 = arith.constant 0 : i32
      %dma_wait3A_222 = tpu.memref_slice %arg6[%dma_wait3A_221] : memref<4096xi32, #tpu.memory_space<hbm>> -> memref<4096xi32, #tpu.memory_space<hbm>>
      tpu.wait_dma2 semaphore(%run_scoped3A : memref<!tpu.dma_semaphore, #tpu.memory_space<semaphore_mem>>) src(%dma_wait3A_222 : memref<4096xi32, #tpu.memory_space<hbm>>) dst(%arg12 : memref<4096xi32, #tpu.memory_space<vmem>>)
      tpu.yield
    }) : () -> ()
    "tpu.region"() ({
      %run_scoped3A = tpu.sem_alloc : memref<!tpu.dma_semaphore, #tpu.memory_space<semaphore_mem>>
      %dma_start3A_215 = arith.constant 0 : i32
      %dma_start3A_216 = tpu.memref_slice %arg7[%dma_start3A_215] : memref<4096xi32, #tpu.memory_space<hbm>> -> memref<4096xi32, #tpu.memory_space<hbm>>
      %dma_start3A_217 = arith.constant 0 : i32
      %dma_start3A_218 = tpu.memref_slice %arg7[%dma_start3A_217] : memref<4096xi32, #tpu.memory_space<hbm>> -> memref<4096xi32, #tpu.memory_space<hbm>>
      tpu.enqueue_dma source(%dma_start3A_218 : memref<4096xi32, #tpu.memory_space<hbm>>) target(%arg13 : memref<4096xi32, #tpu.memory_space<vmem>>) target_semaphore(%run_scoped3A : memref<!tpu.dma_semaphore, #tpu.memory_space<semaphore_mem>>)
      %dma_wait3A_219 = arith.constant 0 : i32
      %dma_wait3A_220 = tpu.memref_slice %arg7[%dma_wait3A_219] : memref<4096xi32, #tpu.memory_space<hbm>> -> memref<4096xi32, #tpu.memory_space<hbm>>
      %dma_wait3A_221 = arith.constant 0 : i32
      %dma_wait3A_222 = tpu.memref_slice %arg7[%dma_wait3A_221] : memref<4096xi32, #tpu.memory_space<hbm>> -> memref<4096xi32, #tpu.memory_space<hbm>>
      tpu.wait_dma2 semaphore(%run_scoped3A : memref<!tpu.dma_semaphore, #tpu.memory_space<semaphore_mem>>) src(%dma_wait3A_222 : memref<4096xi32, #tpu.memory_space<hbm>>) dst(%arg13 : memref<4096xi32, #tpu.memory_space<vmem>>)
      tpu.yield
    }) : () -> ()
    %dma_wait3A = arith.constant 0 : i32
    %dma_wait3A_25 = arith.constant 0 : i32
    %dma_wait3A_26 = tpu.memref_slice %arg10[%dma_wait3A, %dma_wait3A_25] : memref<2x26496xf32, #tpu.memory_space<vmem>> -> memref<2x26496xf32, #tpu.memory_space<vmem>>
    %dma_wait3A_27 = arith.constant 0 : i32
    %dma_wait3A_28 = tpu.memref_slice %arg2[%add3A, %dma_wait3A_27] : memref<64x100000xf32, #tpu.memory_space<hbm>> -> memref<2x26496xf32, #tpu.memory_space<hbm>>
    %dma_wait3A_29 = arith.constant 0 : i32
    %dma_wait3A_30 = arith.constant 0 : i32
    %dma_wait3A_31 = tpu.memref_slice %arg10[%dma_wait3A_29, %dma_wait3A_30] : memref<2x26496xf32, #tpu.memory_space<vmem>> -> memref<2x26496xf32, #tpu.memory_space<vmem>>
    %dma_wait3A_32 = arith.constant 0 : i32
    %dma_wait3A_33 = tpu.memref_slice %arg2[%add3A, %dma_wait3A_32] : memref<64x100000xf32, #tpu.memory_space<hbm>> -> memref<2x26496xf32, #tpu.memory_space<hbm>>
    tpu.wait_dma2 semaphore(%arg16 : memref<!tpu.dma_semaphore, #tpu.memory_space<semaphore_mem>>) src(%dma_wait3A_33 : memref<2x26496xf32, #tpu.memory_space<hbm>>) dst(%dma_wait3A_31 : memref<2x26496xf32, #tpu.memory_space<vmem>>)
    %scan3A = arith.constant 0 : i32
    %scan3A_34 = arith.constant 0 : i32
    %scan3A_35 = arith.constant 256 : i32
    %scan3A_36 = arith.addi %scan3A_34, %scan3A_35 : i32
    %scan3A_37 = arith.constant 8 : i32
    scf.for %scan3A_215 = %scan3A_34 to %scan3A_36 step %scan3A_37  : i32 {
      %mul3A_216 = arith.constant 16 : i32
      %mul3A_217 = arith.muli %scan3A_215, %mul3A_216 : i32
      %get3A = arith.index_cast %mul3A_217 : i32 to index
      %get3A_218 = tpu.vector_load %arg12[%get3A] {strides = array<i32>} : memref<4096xi32, #tpu.memory_space<vmem>>, vector<16xi32>,
      %sub3A = arith.constant 0 : i32
      %sub3A_219 = vector.broadcast %sub3A : i32 to vector<16xi32>
      %sub3A_220 = arith.subi %get3A_218, %sub3A_219 : vector<16xi32>
      %lt3A = arith.constant 26496 : i32
      %lt3A_221 = vector.broadcast %lt3A : i32 to vector<16xi32>
      %lt3A_222 = arith.cmpi slt, %sub3A_220, %lt3A_221 : vector<16xi32>
      %gather3A = tpu.vector_load_idx %arg10[%broadcast_in_dim3A_3, %sub3A_220] masked %lt3A_222 : memref<2x26496xf32, #tpu.memory_space<vmem>>[vector<16xi32>, vector<16xi32>], vector<16xf32>, vector<16xi1>
      %gather3A_223 = tpu.vector_load_idx %arg10[%broadcast_in_dim3A_5, %sub3A_220] masked %lt3A_222 : memref<2x26496xf32, #tpu.memory_space<vmem>>[vector<16xi32>, vector<16xi32>], vector<16xf32>, vector<16xi1>
      %swap3A = arith.constant 0 : i32
      %swap3A_224 = arith.index_cast %swap3A : i32 to index
      %swap3A_225 = arith.index_cast %mul3A_217 : i32 to index
      %swap3A_226 = tpu.vector_load %arg14[%swap3A_224, %swap3A_225] {strides = array<i32>} : memref<2x4096xf32, #tpu.memory_space<vmem>>, vector<16xf32>,
      tpu.vector_store %arg14[%swap3A_224, %swap3A_225], %gather3A {strides = array<i32>} : memref<2x4096xf32, #tpu.memory_space<vmem>>, vector<16xf32>,
      %swap3A_227 = arith.constant 1 : i32
      %swap3A_228 = arith.index_cast %swap3A_227 : i32 to index
      %swap3A_229 = arith.index_cast %mul3A_217 : i32 to index
      %swap3A_230 = tpu.vector_load %arg14[%swap3A_228, %swap3A_229] {strides = array<i32>} : memref<2x4096xf32, #tpu.memory_space<vmem>>, vector<16xf32>,
      tpu.vector_store %arg14[%swap3A_228, %swap3A_229], %gather3A_223 {strides = array<i32>} : memref<2x4096xf32, #tpu.memory_space<vmem>>, vector<16xf32>,
      %scan3A_231 = arith.constant 1 : i32
      %scan3A_232 = arith.addi %scan3A_215, %scan3A_231 : i32
      %mul3A_233 = arith.constant 16 : i32
      %mul3A_234 = arith.muli %scan3A_232, %mul3A_233 : i32
      %get3A_235 = arith.index_cast %mul3A_234 : i32 to index
      %get3A_236 = tpu.vector_load %arg12[%get3A_235] {strides = array<i32>} : memref<4096xi32, #tpu.memory_space<vmem>>, vector<16xi32>,
      %sub3A_237 = arith.constant 0 : i32
      %sub3A_238 = vector.broadcast %sub3A_237 : i32 to vector<16xi32>
      %sub3A_239 = arith.subi %get3A_236, %sub3A_238 : vector<16xi32>
      %lt3A_240 = arith.constant 26496 : i32
      %lt3A_241 = vector.broadcast %lt3A_240 : i32 to vector<16xi32>
      %lt3A_242 = arith.cmpi slt, %sub3A_239, %lt3A_241 : vector<16xi32>
      %gather3A_243 = tpu.vector_load_idx %arg10[%broadcast_in_dim3A_3, %sub3A_239] masked %lt3A_242 : memref<2x26496xf32, #tpu.memory_space<vmem>>[vector<16xi32>, vector<16xi32>], vector<16xf32>, vector<16xi1>
      %gather3A_244 = tpu.vector_load_idx %arg10[%broadcast_in_dim3A_5, %sub3A_239] masked %lt3A_242 : memref<2x26496xf32, #tpu.memory_space<vmem>>[vector<16xi32>, vector<16xi32>], vector<16xf32>, vector<16xi1>
      %swap3A_245 = arith.constant 0 : i32
      %swap3A_246 = arith.index_cast %swap3A_245 : i32 to index
      %swap3A_247 = arith.index_cast %mul3A_234 : i32 to index
      %swap3A_248 = tpu.vector_load %arg14[%swap3A_246, %swap3A_247] {strides = array<i32>} : memref<2x4096xf32, #tpu.memory_space<vmem>>, vector<16xf32>,
      tpu.vector_store %arg14[%swap3A_246, %swap3A_247], %gather3A_243 {strides = array<i32>} : memref<2x4096xf32, #tpu.memory_space<vmem>>, vector<16xf32>,
      %swap3A_249 = arith.constant 1 : i32
      %swap3A_250 = arith.index_cast %swap3A_249 : i32 to index
      %swap3A_251 = arith.index_cast %mul3A_234 : i32 to index
      %swap3A_252 = tpu.vector_load %arg14[%swap3A_250, %swap3A_251] {strides = array<i32>} : memref<2x4096xf32, #tpu.memory_space<vmem>>, vector<16xf32>,
      tpu.vector_store %arg14[%swap3A_250, %swap3A_251], %gather3A_244 {strides = array<i32>} : memref<2x4096xf32, #tpu.memory_space<vmem>>, vector<16xf32>,
      %scan3A_253 = arith.constant 2 : i32
      %scan3A_254 = arith.addi %scan3A_215, %scan3A_253 : i32
      %mul3A_255 = arith.constant 16 : i32
      %mul3A_256 = arith.muli %scan3A_254, %mul3A_255 : i32
      %get3A_257 = arith.index_cast %mul3A_256 : i32 to index
      %get3A_258 = tpu.vector_load %arg12[%get3A_257] {strides = array<i32>} : memref<4096xi32, #tpu.memory_space<vmem>>, vector<16xi32>,
      %sub3A_259 = arith.constant 0 : i32
      %sub3A_260 = vector.broadcast %sub3A_259 : i32 to vector<16xi32>
      %sub3A_261 = arith.subi %get3A_258, %sub3A_260 : vector<16xi32>
      %lt3A_262 = arith.constant 26496 : i32
      %lt3A_263 = vector.broadcast %lt3A_262 : i32 to vector<16xi32>
      %lt3A_264 = arith.cmpi slt, %sub3A_261, %lt3A_263 : vector<16xi32>
      %gather3A_265 = tpu.vector_load_idx %arg10[%broadcast_in_dim3A_3, %sub3A_261] masked %lt3A_264 : memref<2x26496xf32, #tpu.memory_space<vmem>>[vector<16xi32>, vector<16xi32>], vector<16xf32>, vector<16xi1>
      %gather3A_266 = tpu.vector_load_idx %arg10[%broadcast_in_dim3A_5, %sub3A_261] masked %lt3A_264 : memref<2x26496xf32, #tpu.memory_space<vmem>>[vector<16xi32>, vector<16xi32>], vector<16xf32>, vector<16xi1>
      %swap3A_267 = arith.constant 0 : i32
      %swap3A_268 = arith.index_cast %swap3A_267 : i32 to index
      %swap3A_269 = arith.index_cast %mul3A_256 : i32 to index
      %swap3A_270 = tpu.vector_load %arg14[%swap3A_268, %swap3A_269] {strides = array<i32>} : memref<2x4096xf32, #tpu.memory_space<vmem>>, vector<16xf32>,
      tpu.vector_store %arg14[%swap3A_268, %swap3A_269], %gather3A_265 {strides = array<i32>} : memref<2x4096xf32, #tpu.memory_space<vmem>>, vector<16xf32>,
      %swap3A_271 = arith.constant 1 : i32
      %swap3A_272 = arith.index_cast %swap3A_271 : i32 to index
      %swap3A_273 = arith.index_cast %mul3A_256 : i32 to index
      %swap3A_274 = tpu.vector_load %arg14[%swap3A_272, %swap3A_273] {strides = array<i32>} : memref<2x4096xf32, #tpu.memory_space<vmem>>, vector<16xf32>,
      tpu.vector_store %arg14[%swap3A_272, %swap3A_273], %gather3A_266 {strides = array<i32>} : memref<2x4096xf32, #tpu.memory_space<vmem>>, vector<16xf32>,
      %scan3A_275 = arith.constant 3 : i32
      %scan3A_276 = arith.addi %scan3A_215, %scan3A_275 : i32
      %mul3A_277 = arith.constant 16 : i32
      %mul3A_278 = arith.muli %scan3A_276, %mul3A_277 : i32
      %get3A_279 = arith.index_cast %mul3A_278 : i32 to index
      %get3A_280 = tpu.vector_load %arg12[%get3A_279] {strides = array<i32>} : memref<4096xi32, #tpu.memory_space<vmem>>, vector<16xi32>,
      %sub3A_281 = arith.constant 0 : i32
      %sub3A_282 = vector.broadcast %sub3A_281 : i32 to vector<16xi32>
      %sub3A_283 = arith.subi %get3A_280, %sub3A_282 : vector<16xi32>
      %lt3A_284 = arith.constant 26496 : i32
      %lt3A_285 = vector.broadcast %lt3A_284 : i32 to vector<16xi32>
      %lt3A_286 = arith.cmpi slt, %sub3A_283, %lt3A_285 : vector<16xi32>
      %gather3A_287 = tpu.vector_load_idx %arg10[%broadcast_in_dim3A_3, %sub3A_283] masked %lt3A_286 : memref<2x26496xf32, #tpu.memory_space<vmem>>[vector<16xi32>, vector<16xi32>], vector<16xf32>, vector<16xi1>
      %gather3A_288 = tpu.vector_load_idx %arg10[%broadcast_in_dim3A_5, %sub3A_283] masked %lt3A_286 : memref<2x26496xf32, #tpu.memory_space<vmem>>[vector<16xi32>, vector<16xi32>], vector<16xf32>, vector<16xi1>
      %swap3A_289 = arith.constant 0 : i32
      %swap3A_290 = arith.index_cast %swap3A_289 : i32 to index
      %swap3A_291 = arith.index_cast %mul3A_278 : i32 to index
      %swap3A_292 = tpu.vector_load %arg14[%swap3A_290, %swap3A_291] {strides = array<i32>} : memref<2x4096xf32, #tpu.memory_space<vmem>>, vector<16xf32>,
      tpu.vector_store %arg14[%swap3A_290, %swap3A_291], %gather3A_287 {strides = array<i32>} : memref<2x4096xf32, #tpu.memory_space<vmem>>, vector<16xf32>,
      %swap3A_293 = arith.constant 1 : i32
      %swap3A_294 = arith.index_cast %swap3A_293 : i32 to index
      %swap3A_295 = arith.index_cast %mul3A_278 : i32 to index
      %swap3A_296 = tpu.vector_load %arg14[%swap3A_294, %swap3A_295] {strides = array<i32>} : memref<2x4096xf32, #tpu.memory_space<vmem>>, vector<16xf32>,
      tpu.vector_store %arg14[%swap3A_294, %swap3A_295], %gather3A_288 {strides = array<i32>} : memref<2x4096xf32, #tpu.memory_space<vmem>>, vector<16xf32>,
      %scan3A_297 = arith.constant 4 : i32
      %scan3A_298 = arith.addi %scan3A_215, %scan3A_297 : i32
      %mul3A_299 = arith.constant 16 : i32
      %mul3A_300 = arith.muli %scan3A_298, %mul3A_299 : i32
      %get3A_301 = arith.index_cast %mul3A_300 : i32 to index
      %get3A_302 = tpu.vector_load %arg12[%get3A_301] {strides = array<i32>} : memref<4096xi32, #tpu.memory_space<vmem>>, vector<16xi32>,
      %sub3A_303 = arith.constant 0 : i32
      %sub3A_304 = vector.broadcast %sub3A_303 : i32 to vector<16xi32>
      %sub3A_305 = arith.subi %get3A_302, %sub3A_304 : vector<16xi32>
      %lt3A_306 = arith.constant 26496 : i32
      %lt3A_307 = vector.broadcast %lt3A_306 : i32 to vector<16xi32>
      %lt3A_308 = arith.cmpi slt, %sub3A_305, %lt3A_307 : vector<16xi32>
      %gather3A_309 = tpu.vector_load_idx %arg10[%broadcast_in_dim3A_3, %sub3A_305] masked %lt3A_308 : memref<2x26496xf32, #tpu.memory_space<vmem>>[vector<16xi32>, vector<16xi32>], vector<16xf32>, vector<16xi1>
      %gather3A_310 = tpu.vector_load_idx %arg10[%broadcast_in_dim3A_5, %sub3A_305] masked %lt3A_308 : memref<2x26496xf32, #tpu.memory_space<vmem>>[vector<16xi32>, vector<16xi32>], vector<16xf32>, vector<16xi1>
      %swap3A_311 = arith.constant 0 : i32
      %swap3A_312 = arith.index_cast %swap3A_311 : i32 to index
      %swap3A_313 = arith.index_cast %mul3A_300 : i32 to index
      %swap3A_314 = tpu.vector_load %arg14[%swap3A_312, %swap3A_313] {strides = array<i32>} : memref<2x4096xf32, #tpu.memory_space<vmem>>, vector<16xf32>,
      tpu.vector_store %arg14[%swap3A_312, %swap3A_313], %gather3A_309 {strides = array<i32>} : memref<2x4096xf32, #tpu.memory_space<vmem>>, vector<16xf32>,
      %swap3A_315 = arith.constant 1 : i32
      %swap3A_316 = arith.index_cast %swap3A_315 : i32 to index
      %swap3A_317 = arith.index_cast %mul3A_300 : i32 to index
      %swap3A_318 = tpu.vector_load %arg14[%swap3A_316, %swap3A_317] {strides = array<i32>} : memref<2x4096xf32, #tpu.memory_space<vmem>>, vector<16xf32>,
      tpu.vector_store %arg14[%swap3A_316, %swap3A_317], %gather3A_310 {strides = array<i32>} : memref<2x4096xf32, #tpu.memory_space<vmem>>, vector<16xf32>,
      %scan3A_319 = arith.constant 5 : i32
      %scan3A_320 = arith.addi %scan3A_215, %scan3A_319 : i32
      %mul3A_321 = arith.constant 16 : i32
      %mul3A_322 = arith.muli %scan3A_320, %mul3A_321 : i32
      %get3A_323 = arith.index_cast %mul3A_322 : i32 to index
      %get3A_324 = tpu.vector_load %arg12[%get3A_323] {strides = array<i32>} : memref<4096xi32, #tpu.memory_space<vmem>>, vector<16xi32>,
      %sub3A_325 = arith.constant 0 : i32
      %sub3A_326 = vector.broadcast %sub3A_325 : i32 to vector<16xi32>
      %sub3A_327 = arith.subi %get3A_324, %sub3A_326 : vector<16xi32>
      %lt3A_328 = arith.constant 26496 : i32
      %lt3A_329 = vector.broadcast %lt3A_328 : i32 to vector<16xi32>
      %lt3A_330 = arith.cmpi slt, %sub3A_327, %lt3A_329 : vector<16xi32>
      %gather3A_331 = tpu.vector_load_idx %arg10[%broadcast_in_dim3A_3, %sub3A_327] masked %lt3A_330 : memref<2x26496xf32, #tpu.memory_space<vmem>>[vector<16xi32>, vector<16xi32>], vector<16xf32>, vector<16xi1>
      %gather3A_332 = tpu.vector_load_idx %arg10[%broadcast_in_dim3A_5, %sub3A_327] masked %lt3A_330 : memref<2x26496xf32, #tpu.memory_space<vmem>>[vector<16xi32>, vector<16xi32>], vector<16xf32>, vector<16xi1>
      %swap3A_333 = arith.constant 0 : i32
      %swap3A_334 = arith.index_cast %swap3A_333 : i32 to index
      %swap3A_335 = arith.index_cast %mul3A_322 : i32 to index
      %swap3A_336 = tpu.vector_load %arg14[%swap3A_334, %swap3A_335] {strides = array<i32>} : memref<2x4096xf32, #tpu.memory_space<vmem>>, vector<16xf32>,
      tpu.vector_store %arg14[%swap3A_334, %swap3A_335], %gather3A_331 {strides = array<i32>} : memref<2x4096xf32, #tpu.memory_space<vmem>>, vector<16xf32>,
      %swap3A_337 = arith.constant 1 : i32
      %swap3A_338 = arith.index_cast %swap3A_337 : i32 to index
      %swap3A_339 = arith.index_cast %mul3A_322 : i32 to index
      %swap3A_340 = tpu.vector_load %arg14[%swap3A_338, %swap3A_339] {strides = array<i32>} : memref<2x4096xf32, #tpu.memory_space<vmem>>, vector<16xf32>,
      tpu.vector_store %arg14[%swap3A_338, %swap3A_339], %gather3A_332 {strides = array<i32>} : memref<2x4096xf32, #tpu.memory_space<vmem>>, vector<16xf32>,
      %scan3A_341 = arith.constant 6 : i32
      %scan3A_342 = arith.addi %scan3A_215, %scan3A_341 : i32
      %mul3A_343 = arith.constant 16 : i32
      %mul3A_344 = arith.muli %scan3A_342, %mul3A_343 : i32
      %get3A_345 = arith.index_cast %mul3A_344 : i32 to index
      %get3A_346 = tpu.vector_load %arg12[%get3A_345] {strides = array<i32>} : memref<4096xi32, #tpu.memory_space<vmem>>, vector<16xi32>,
      %sub3A_347 = arith.constant 0 : i32
      %sub3A_348 = vector.broadcast %sub3A_347 : i32 to vector<16xi32>
      %sub3A_349 = arith.subi %get3A_346, %sub3A_348 : vector<16xi32>
      %lt3A_350 = arith.constant 26496 : i32
      %lt3A_351 = vector.broadcast %lt3A_350 : i32 to vector<16xi32>
      %lt3A_352 = arith.cmpi slt, %sub3A_349, %lt3A_351 : vector<16xi32>
      %gather3A_353 = tpu.vector_load_idx %arg10[%broadcast_in_dim3A_3, %sub3A_349] masked %lt3A_352 : memref<2x26496xf32, #tpu.memory_space<vmem>>[vector<16xi32>, vector<16xi32>], vector<16xf32>, vector<16xi1>
      %gather3A_354 = tpu.vector_load_idx %arg10[%broadcast_in_dim3A_5, %sub3A_349] masked %lt3A_352 : memref<2x26496xf32, #tpu.memory_space<vmem>>[vector<16xi32>, vector<16xi32>], vector<16xf32>, vector<16xi1>
      %swap3A_355 = arith.constant 0 : i32
      %swap3A_356 = arith.index_cast %swap3A_355 : i32 to index
      %swap3A_357 = arith.index_cast %mul3A_344 : i32 to index
      %swap3A_358 = tpu.vector_load %arg14[%swap3A_356, %swap3A_357] {strides = array<i32>} : memref<2x4096xf32, #tpu.memory_space<vmem>>, vector<16xf32>,
      tpu.vector_store %arg14[%swap3A_356, %swap3A_357], %gather3A_353 {strides = array<i32>} : memref<2x4096xf32, #tpu.memory_space<vmem>>, vector<16xf32>,
      %swap3A_359 = arith.constant 1 : i32
      %swap3A_360 = arith.index_cast %swap3A_359 : i32 to index
      %swap3A_361 = arith.index_cast %mul3A_344 : i32 to index
      %swap3A_362 = tpu.vector_load %arg14[%swap3A_360, %swap3A_361] {strides = array<i32>} : memref<2x4096xf32, #tpu.memory_space<vmem>>, vector<16xf32>,
      tpu.vector_store %arg14[%swap3A_360, %swap3A_361], %gather3A_354 {strides = array<i32>} : memref<2x4096xf32, #tpu.memory_space<vmem>>, vector<16xf32>,
      %scan3A_363 = arith.constant 7 : i32
      %scan3A_364 = arith.addi %scan3A_215, %scan3A_363 : i32
      %mul3A_365 = arith.constant 16 : i32
      %mul3A_366 = arith.muli %scan3A_364, %mul3A_365 : i32
      %get3A_367 = arith.index_cast %mul3A_366 : i32 to index
      %get3A_368 = tpu.vector_load %arg12[%get3A_367] {strides = array<i32>} : memref<4096xi32, #tpu.memory_space<vmem>>, vector<16xi32>,
      %sub3A_369 = arith.constant 0 : i32
      %sub3A_370 = vector.broadcast %sub3A_369 : i32 to vector<16xi32>
      %sub3A_371 = arith.subi %get3A_368, %sub3A_370 : vector<16xi32>
      %lt3A_372 = arith.constant 26496 : i32
      %lt3A_373 = vector.broadcast %lt3A_372 : i32 to vector<16xi32>
      %lt3A_374 = arith.cmpi slt, %sub3A_371, %lt3A_373 : vector<16xi32>
      %gather3A_375 = tpu.vector_load_idx %arg10[%broadcast_in_dim3A_3, %sub3A_371] masked %lt3A_374 : memref<2x26496xf32, #tpu.memory_space<vmem>>[vector<16xi32>, vector<16xi32>], vector<16xf32>, vector<16xi1>
      %gather3A_376 = tpu.vector_load_idx %arg10[%broadcast_in_dim3A_5, %sub3A_371] masked %lt3A_374 : memref<2x26496xf32, #tpu.memory_space<vmem>>[vector<16xi32>, vector<16xi32>], vector<16xf32>, vector<16xi1>
      %swap3A_377 = arith.constant 0 : i32
      %swap3A_378 = arith.index_cast %swap3A_377 : i32 to index
      %swap3A_379 = arith.index_cast %mul3A_366 : i32 to index
      %swap3A_380 = tpu.vector_load %arg14[%swap3A_378, %swap3A_379] {strides = array<i32>} : memref<2x4096xf32, #tpu.memory_space<vmem>>, vector<16xf32>,
      tpu.vector_store %arg14[%swap3A_378, %swap3A_379], %gather3A_375 {strides = array<i32>} : memref<2x4096xf32, #tpu.memory_space<vmem>>, vector<16xf32>,
      %swap3A_381 = arith.constant 1 : i32
      %swap3A_382 = arith.index_cast %swap3A_381 : i32 to index
      %swap3A_383 = arith.index_cast %mul3A_366 : i32 to index
      %swap3A_384 = tpu.vector_load %arg14[%swap3A_382, %swap3A_383] {strides = array<i32>} : memref<2x4096xf32, #tpu.memory_space<vmem>>, vector<16xf32>,
      tpu.vector_store %arg14[%swap3A_382, %swap3A_383], %gather3A_376 {strides = array<i32>} : memref<2x4096xf32, #tpu.memory_space<vmem>>, vector<16xf32>,
    }
    %scan3A_38 = arith.constant 256 : i32
    %dma_start3A_39 = arith.constant 0 : i32
    %dma_start3A_40 = arith.constant 0 : i32
    %dma_start3A_41 = tpu.memref_slice %arg10[%dma_start3A_39, %dma_start3A_40] : memref<2x26496xf32, #tpu.memory_space<vmem>> -> memref<2x26496xf32, #tpu.memory_space<vmem>>
    %dma_start3A_42 = arith.constant 52992 : i32
    %dma_start3A_43 = tpu.memref_slice %arg2[%add3A, %dma_start3A_42] : memref<64x100000xf32, #tpu.memory_space<hbm>> -> memref<2x26496xf32, #tpu.memory_space<hbm>>
    %dma_start3A_44 = arith.constant 0 : i32
    %dma_start3A_45 = arith.constant 0 : i32
    %dma_start3A_46 = tpu.memref_slice %arg10[%dma_start3A_44, %dma_start3A_45] : memref<2x26496xf32, #tpu.memory_space<vmem>> -> memref<2x26496xf32, #tpu.memory_space<vmem>>
    %dma_start3A_47 = arith.constant 52992 : i32
    %dma_start3A_48 = tpu.memref_slice %arg2[%add3A, %dma_start3A_47] : memref<64x100000xf32, #tpu.memory_space<hbm>> -> memref<2x26496xf32, #tpu.memory_space<hbm>>
    tpu.enqueue_dma source(%dma_start3A_48 : memref<2x26496xf32, #tpu.memory_space<hbm>>) target(%dma_start3A_46 : memref<2x26496xf32, #tpu.memory_space<vmem>>) target_semaphore(%arg16 : memref<!tpu.dma_semaphore, #tpu.memory_space<semaphore_mem>>)
    %dma_wait3A_49 = arith.constant 0 : i32
    %dma_wait3A_50 = arith.constant 0 : i32
    %dma_wait3A_51 = tpu.memref_slice %arg11[%dma_wait3A_49, %dma_wait3A_50] : memref<2x26496xf32, #tpu.memory_space<vmem>> -> memref<2x26496xf32, #tpu.memory_space<vmem>>
    %dma_wait3A_52 = arith.constant 26496 : i32
    %dma_wait3A_53 = tpu.memref_slice %arg2[%add3A, %dma_wait3A_52] : memref<64x100000xf32, #tpu.memory_space<hbm>> -> memref<2x26496xf32, #tpu.memory_space<hbm>>
    %dma_wait3A_54 = arith.constant 0 : i32
    %dma_wait3A_55 = arith.constant 0 : i32
    %dma_wait3A_56 = tpu.memref_slice %arg11[%dma_wait3A_54, %dma_wait3A_55] : memref<2x26496xf32, #tpu.memory_space<vmem>> -> memref<2x26496xf32, #tpu.memory_space<vmem>>
    %dma_wait3A_57 = arith.constant 26496 : i32
    %dma_wait3A_58 = tpu.memref_slice %arg2[%add3A, %dma_wait3A_57] : memref<64x100000xf32, #tpu.memory_space<hbm>> -> memref<2x26496xf32, #tpu.memory_space<hbm>>
    tpu.wait_dma2 semaphore(%arg17 : memref<!tpu.dma_semaphore, #tpu.memory_space<semaphore_mem>>) src(%dma_wait3A_58 : memref<2x26496xf32, #tpu.memory_space<hbm>>) dst(%dma_wait3A_56 : memref<2x26496xf32, #tpu.memory_space<vmem>>)
    %scan3A_59 = arith.constant 0 : i32
    %scan3A_60 = arith.constant 0 : i32
    %scan3A_61 = arith.constant 256 : i32
    %scan3A_62 = arith.addi %scan3A_60, %scan3A_61 : i32
    %scan3A_63 = arith.constant 8 : i32
    scf.for %scan3A_215 = %scan3A_60 to %scan3A_62 step %scan3A_63  : i32 {
      %mul3A_216 = arith.constant 16 : i32
      %mul3A_217 = arith.muli %scan3A_215, %mul3A_216 : i32
      %get3A = arith.index_cast %mul3A_217 : i32 to index
      %get3A_218 = tpu.vector_load %arg12[%get3A] {strides = array<i32>} : memref<4096xi32, #tpu.memory_space<vmem>>, vector<16xi32>,
      %sub3A = arith.constant 26496 : i32
      %sub3A_219 = vector.broadcast %sub3A : i32 to vector<16xi32>
      %sub3A_220 = arith.subi %get3A_218, %sub3A_219 : vector<16xi32>
      %ge3A = arith.constant 0 : i32
      %ge3A_221 = vector.broadcast %ge3A : i32 to vector<16xi32>
      %ge3A_222 = arith.cmpi sge, %sub3A_220, %ge3A_221 : vector<16xi32>
      %lt3A = arith.constant 26496 : i32
      %lt3A_223 = vector.broadcast %lt3A : i32 to vector<16xi32>
      %lt3A_224 = arith.cmpi slt, %sub3A_220, %lt3A_223 : vector<16xi32>
      %and3A = arith.andi %ge3A_222, %lt3A_224 : vector<16xi1>
      %gather3A = tpu.vector_load_idx %arg11[%broadcast_in_dim3A_3, %sub3A_220] masked %and3A : memref<2x26496xf32, #tpu.memory_space<vmem>>[vector<16xi32>, vector<16xi32>], vector<16xf32>, vector<16xi1>
      %gather3A_225 = tpu.vector_load_idx %arg11[%broadcast_in_dim3A_5, %sub3A_220] masked %and3A : memref<2x26496xf32, #tpu.memory_space<vmem>>[vector<16xi32>, vector<16xi32>], vector<16xf32>, vector<16xi1>
      %get3A_226 = arith.constant 0 : i32
      %get3A_227 = arith.index_cast %get3A_226 : i32 to index
      %get3A_228 = arith.index_cast %mul3A_217 : i32 to index
      %get3A_229 = tpu.vector_load %arg14[%get3A_227, %get3A_228] {strides = array<i32>} : memref<2x4096xf32, #tpu.memory_space<vmem>>, vector<16xf32>,
      %add3A_230 = arith.addf %get3A_229, %gather3A : vector<16xf32>
      %swap3A = arith.constant 0 : i32
      %swap3A_231 = arith.index_cast %swap3A : i32 to index
      %swap3A_232 = arith.index_cast %mul3A_217 : i32 to index
      %swap3A_233 = tpu.vector_load %arg14[%swap3A_231, %swap3A_232] {strides = array<i32>} : memref<2x4096xf32, #tpu.memory_space<vmem>>, vector<16xf32>,
      tpu.vector_store %arg14[%swap3A_231, %swap3A_232], %add3A_230 {strides = array<i32>} : memref<2x4096xf32, #tpu.memory_space<vmem>>, vector<16xf32>,
      %get3A_234 = arith.constant 1 : i32
      %get3A_235 = arith.index_cast %get3A_234 : i32 to index
      %get3A_236 = arith.index_cast %mul3A_217 : i32 to index
      %get3A_237 = tpu.vector_load %arg14[%get3A_235, %get3A_236] {strides = array<i32>} : memref<2x4096xf32, #tpu.memory_space<vmem>>, vector<16xf32>,
      %add3A_238 = arith.addf %get3A_237, %gather3A_225 : vector<16xf32>
      %swap3A_239 = arith.constant 1 : i32
      %swap3A_240 = arith.index_cast %swap3A_239 : i32 to index
      %swap3A_241 = arith.index_cast %mul3A_217 : i32 to index
      %swap3A_242 = tpu.vector_load %arg14[%swap3A_240, %swap3A_241] {strides = array<i32>} : memref<2x4096xf32, #tpu.memory_space<vmem>>, vector<16xf32>,
      tpu.vector_store %arg14[%swap3A_240, %swap3A_241], %add3A_238 {strides = array<i32>} : memref<2x4096xf32, #tpu.memory_space<vmem>>, vector<16xf32>,
      %scan3A_243 = arith.constant 1 : i32
      %scan3A_244 = arith.addi %scan3A_215, %scan3A_243 : i32
      %mul3A_245 = arith.constant 16 : i32
      %mul3A_246 = arith.muli %scan3A_244, %mul3A_245 : i32
      %get3A_247 = arith.index_cast %mul3A_246 : i32 to index
      %get3A_248 = tpu.vector_load %arg12[%get3A_247] {strides = array<i32>} : memref<4096xi32, #tpu.memory_space<vmem>>, vector<16xi32>,
      %sub3A_249 = arith.constant 26496 : i32
      %sub3A_250 = vector.broadcast %sub3A_249 : i32 to vector<16xi32>
      %sub3A_251 = arith.subi %get3A_248, %sub3A_250 : vector<16xi32>
      %ge3A_252 = arith.constant 0 : i32
      %ge3A_253 = vector.broadcast %ge3A_252 : i32 to vector<16xi32>
      %ge3A_254 = arith.cmpi sge, %sub3A_251, %ge3A_253 : vector<16xi32>
      %lt3A_255 = arith.constant 26496 : i32
      %lt3A_256 = vector.broadcast %lt3A_255 : i32 to vector<16xi32>
      %lt3A_257 = arith.cmpi slt, %sub3A_251, %lt3A_256 : vector<16xi32>
      %and3A_258 = arith.andi %ge3A_254, %lt3A_257 : vector<16xi1>
      %gather3A_259 = tpu.vector_load_idx %arg11[%broadcast_in_dim3A_3, %sub3A_251] masked %and3A_258 : memref<2x26496xf32, #tpu.memory_space<vmem>>[vector<16xi32>, vector<16xi32>], vector<16xf32>, vector<16xi1>
      %gather3A_260 = tpu.vector_load_idx %arg11[%broadcast_in_dim3A_5, %sub3A_251] masked %and3A_258 : memref<2x26496xf32, #tpu.memory_space<vmem>>[vector<16xi32>, vector<16xi32>], vector<16xf32>, vector<16xi1>
      %get3A_261 = arith.constant 0 : i32
      %get3A_262 = arith.index_cast %get3A_261 : i32 to index
      %get3A_263 = arith.index_cast %mul3A_246 : i32 to index
      %get3A_264 = tpu.vector_load %arg14[%get3A_262, %get3A_263] {strides = array<i32>} : memref<2x4096xf32, #tpu.memory_space<vmem>>, vector<16xf32>,
      %add3A_265 = arith.addf %get3A_264, %gather3A_259 : vector<16xf32>
      %swap3A_266 = arith.constant 0 : i32
      %swap3A_267 = arith.index_cast %swap3A_266 : i32 to index
      %swap3A_268 = arith.index_cast %mul3A_246 : i32 to index
      %swap3A_269 = tpu.vector_load %arg14[%swap3A_267, %swap3A_268] {strides = array<i32>} : memref<2x4096xf32, #tpu.memory_space<vmem>>, vector<16xf32>,
      tpu.vector_store %arg14[%swap3A_267, %swap3A_268], %add3A_265 {strides = array<i32>} : memref<2x4096xf32, #tpu.memory_space<vmem>>, vector<16xf32>,
      %get3A_270 = arith.constant 1 : i32
      %get3A_271 = arith.index_cast %get3A_270 : i32 to index
      %get3A_272 = arith.index_cast %mul3A_246 : i32 to index
      %get3A_273 = tpu.vector_load %arg14[%get3A_271, %get3A_272] {strides = array<i32>} : memref<2x4096xf32, #tpu.memory_space<vmem>>, vector<16xf32>,
      %add3A_274 = arith.addf %get3A_273, %gather3A_260 : vector<16xf32>
      %swap3A_275 = arith.constant 1 : i32
      %swap3A_276 = arith.index_cast %swap3A_275 : i32 to index
      %swap3A_277 = arith.index_cast %mul3A_246 : i32 to index
      %swap3A_278 = tpu.vector_load %arg14[%swap3A_276, %swap3A_277] {strides = array<i32>} : memref<2x4096xf32, #tpu.memory_space<vmem>>, vector<16xf32>,
      tpu.vector_store %arg14[%swap3A_276, %swap3A_277], %add3A_274 {strides = array<i32>} : memref<2x4096xf32, #tpu.memory_space<vmem>>, vector<16xf32>,
      %scan3A_279 = arith.constant 2 : i32
      %scan3A_280 = arith.addi %scan3A_215, %scan3A_279 : i32
      %mul3A_281 = arith.constant 16 : i32
      %mul3A_282 = arith.muli %scan3A_280, %mul3A_281 : i32
      %get3A_283 = arith.index_cast %mul3A_282 : i32 to index
      %get3A_284 = tpu.vector_load %arg12[%get3A_283] {strides = array<i32>} : memref<4096xi32, #tpu.memory_space<vmem>>, vector<16xi32>,
      %sub3A_285 = arith.constant 26496 : i32
      %sub3A_286 = vector.broadcast %sub3A_285 : i32 to vector<16xi32>
      %sub3A_287 = arith.subi %get3A_284, %sub3A_286 : vector<16xi32>
      %ge3A_288 = arith.constant 0 : i32
      %ge3A_289 = vector.broadcast %ge3A_288 : i32 to vector<16xi32>
      %ge3A_290 = arith.cmpi sge, %sub3A_287, %ge3A_289 : vector<16xi32>
      %lt3A_291 = arith.constant 26496 : i32
      %lt3A_292 = vector.broadcast %lt3A_291 : i32 to vector<16xi32>
      %lt3A_293 = arith.cmpi slt, %sub3A_287, %lt3A_292 : vector<16xi32>
      %and3A_294 = arith.andi %ge3A_290, %lt3A_293 : vector<16xi1>
      %gather3A_295 = tpu.vector_load_idx %arg11[%broadcast_in_dim3A_3, %sub3A_287] masked %and3A_294 : memref<2x26496xf32, #tpu.memory_space<vmem>>[vector<16xi32>, vector<16xi32>], vector<16xf32>, vector<16xi1>
      %gather3A_296 = tpu.vector_load_idx %arg11[%broadcast_in_dim3A_5, %sub3A_287] masked %and3A_294 : memref<2x26496xf32, #tpu.memory_space<vmem>>[vector<16xi32>, vector<16xi32>], vector<16xf32>, vector<16xi1>
      %get3A_297 = arith.constant 0 : i32
      %get3A_298 = arith.index_cast %get3A_297 : i32 to index
      %get3A_299 = arith.index_cast %mul3A_282 : i32 to index
      %get3A_300 = tpu.vector_load %arg14[%get3A_298, %get3A_299] {strides = array<i32>} : memref<2x4096xf32, #tpu.memory_space<vmem>>, vector<16xf32>,
      %add3A_301 = arith.addf %get3A_300, %gather3A_295 : vector<16xf32>
      %swap3A_302 = arith.constant 0 : i32
      %swap3A_303 = arith.index_cast %swap3A_302 : i32 to index
      %swap3A_304 = arith.index_cast %mul3A_282 : i32 to index
      %swap3A_305 = tpu.vector_load %arg14[%swap3A_303, %swap3A_304] {strides = array<i32>} : memref<2x4096xf32, #tpu.memory_space<vmem>>, vector<16xf32>,
      tpu.vector_store %arg14[%swap3A_303, %swap3A_304], %add3A_301 {strides = array<i32>} : memref<2x4096xf32, #tpu.memory_space<vmem>>, vector<16xf32>,
      %get3A_306 = arith.constant 1 : i32
      %get3A_307 = arith.index_cast %get3A_306 : i32 to index
      %get3A_308 = arith.index_cast %mul3A_282 : i32 to index
      %get3A_309 = tpu.vector_load %arg14[%get3A_307, %get3A_308] {strides = array<i32>} : memref<2x4096xf32, #tpu.memory_space<vmem>>, vector<16xf32>,
      %add3A_310 = arith.addf %get3A_309, %gather3A_296 : vector<16xf32>
      %swap3A_311 = arith.constant 1 : i32
      %swap3A_312 = arith.index_cast %swap3A_311 : i32 to index
      %swap3A_313 = arith.index_cast %mul3A_282 : i32 to index
      %swap3A_314 = tpu.vector_load %arg14[%swap3A_312, %swap3A_313] {strides = array<i32>} : memref<2x4096xf32, #tpu.memory_space<vmem>>, vector<16xf32>,
      tpu.vector_store %arg14[%swap3A_312, %swap3A_313], %add3A_310 {strides = array<i32>} : memref<2x4096xf32, #tpu.memory_space<vmem>>, vector<16xf32>,
      %scan3A_315 = arith.constant 3 : i32
      %scan3A_316 = arith.addi %scan3A_215, %scan3A_315 : i32
      %mul3A_317 = arith.constant 16 : i32
      %mul3A_318 = arith.muli %scan3A_316, %mul3A_317 : i32
      %get3A_319 = arith.index_cast %mul3A_318 : i32 to index
      %get3A_320 = tpu.vector_load %arg12[%get3A_319] {strides = array<i32>} : memref<4096xi32, #tpu.memory_space<vmem>>, vector<16xi32>,
      %sub3A_321 = arith.constant 26496 : i32
      %sub3A_322 = vector.broadcast %sub3A_321 : i32 to vector<16xi32>
      %sub3A_323 = arith.subi %get3A_320, %sub3A_322 : vector<16xi32>
      %ge3A_324 = arith.constant 0 : i32
      %ge3A_325 = vector.broadcast %ge3A_324 : i32 to vector<16xi32>
      %ge3A_326 = arith.cmpi sge, %sub3A_323, %ge3A_325 : vector<16xi32>
      %lt3A_327 = arith.constant 26496 : i32
      %lt3A_328 = vector.broadcast %lt3A_327 : i32 to vector<16xi32>
      %lt3A_329 = arith.cmpi slt, %sub3A_323, %lt3A_328 : vector<16xi32>
      %and3A_330 = arith.andi %ge3A_326, %lt3A_329 : vector<16xi1>
      %gather3A_331 = tpu.vector_load_idx %arg11[%broadcast_in_dim3A_3, %sub3A_323] masked %and3A_330 : memref<2x26496xf32, #tpu.memory_space<vmem>>[vector<16xi32>, vector<16xi32>], vector<16xf32>, vector<16xi1>
      %gather3A_332 = tpu.vector_load_idx %arg11[%broadcast_in_dim3A_5, %sub3A_323] masked %and3A_330 : memref<2x26496xf32, #tpu.memory_space<vmem>>[vector<16xi32>, vector<16xi32>], vector<16xf32>, vector<16xi1>
      %get3A_333 = arith.constant 0 : i32
      %get3A_334 = arith.index_cast %get3A_333 : i32 to index
      %get3A_335 = arith.index_cast %mul3A_318 : i32 to index
      %get3A_336 = tpu.vector_load %arg14[%get3A_334, %get3A_335] {strides = array<i32>} : memref<2x4096xf32, #tpu.memory_space<vmem>>, vector<16xf32>,
      %add3A_337 = arith.addf %get3A_336, %gather3A_331 : vector<16xf32>
      %swap3A_338 = arith.constant 0 : i32
      %swap3A_339 = arith.index_cast %swap3A_338 : i32 to index
      %swap3A_340 = arith.index_cast %mul3A_318 : i32 to index
      %swap3A_341 = tpu.vector_load %arg14[%swap3A_339, %swap3A_340] {strides = array<i32>} : memref<2x4096xf32, #tpu.memory_space<vmem>>, vector<16xf32>,
      tpu.vector_store %arg14[%swap3A_339, %swap3A_340], %add3A_337 {strides = array<i32>} : memref<2x4096xf32, #tpu.memory_space<vmem>>, vector<16xf32>,
      %get3A_342 = arith.constant 1 : i32
      %get3A_343 = arith.index_cast %get3A_342 : i32 to index
      %get3A_344 = arith.index_cast %mul3A_318 : i32 to index
      %get3A_345 = tpu.vector_load %arg14[%get3A_343, %get3A_344] {strides = array<i32>} : memref<2x4096xf32, #tpu.memory_space<vmem>>, vector<16xf32>,
      %add3A_346 = arith.addf %get3A_345, %gather3A_332 : vector<16xf32>
      %swap3A_347 = arith.constant 1 : i32
      %swap3A_348 = arith.index_cast %swap3A_347 : i32 to index
      %swap3A_349 = arith.index_cast %mul3A_318 : i32 to index
      %swap3A_350 = tpu.vector_load %arg14[%swap3A_348, %swap3A_349] {strides = array<i32>} : memref<2x4096xf32, #tpu.memory_space<vmem>>, vector<16xf32>,
      tpu.vector_store %arg14[%swap3A_348, %swap3A_349], %add3A_346 {strides = array<i32>} : memref<2x4096xf32, #tpu.memory_space<vmem>>, vector<16xf32>,
      %scan3A_351 = arith.constant 4 : i32
      %scan3A_352 = arith.addi %scan3A_215, %scan3A_351 : i32
      %mul3A_353 = arith.constant 16 : i32
      %mul3A_354 = arith.muli %scan3A_352, %mul3A_353 : i32
      %get3A_355 = arith.index_cast %mul3A_354 : i32 to index
      %get3A_356 = tpu.vector_load %arg12[%get3A_355] {strides = array<i32>} : memref<4096xi32, #tpu.memory_space<vmem>>, vector<16xi32>,
      %sub3A_357 = arith.constant 26496 : i32
      %sub3A_358 = vector.broadcast %sub3A_357 : i32 to vector<16xi32>
      %sub3A_359 = arith.subi %get3A_356, %sub3A_358 : vector<16xi32>
      %ge3A_360 = arith.constant 0 : i32
      %ge3A_361 = vector.broadcast %ge3A_360 : i32 to vector<16xi32>
      %ge3A_362 = arith.cmpi sge, %sub3A_359, %ge3A_361 : vector<16xi32>
      %lt3A_363 = arith.constant 26496 : i32
      %lt3A_364 = vector.broadcast %lt3A_363 : i32 to vector<16xi32>
      %lt3A_365 = arith.cmpi slt, %sub3A_359, %lt3A_364 : vector<16xi32>
      %and3A_366 = arith.andi %ge3A_362, %lt3A_365 : vector<16xi1>
      %gather3A_367 = tpu.vector_load_idx %arg11[%broadcast_in_dim3A_3, %sub3A_359] masked %and3A_366 : memref<2x26496xf32, #tpu.memory_space<vmem>>[vector<16xi32>, vector<16xi32>], vector<16xf32>, vector<16xi1>
      %gather3A_368 = tpu.vector_load_idx %arg11[%broadcast_in_dim3A_5, %sub3A_359] masked %and3A_366 : memref<2x26496xf32, #tpu.memory_space<vmem>>[vector<16xi32>, vector<16xi32>], vector<16xf32>, vector<16xi1>
      %get3A_369 = arith.constant 0 : i32
      %get3A_370 = arith.index_cast %get3A_369 : i32 to index
      %get3A_371 = arith.index_cast %mul3A_354 : i32 to index
      %get3A_372 = tpu.vector_load %arg14[%get3A_370, %get3A_371] {strides = array<i32>} : memref<2x4096xf32, #tpu.memory_space<vmem>>, vector<16xf32>,
      %add3A_373 = arith.addf %get3A_372, %gather3A_367 : vector<16xf32>
      %swap3A_374 = arith.constant 0 : i32
      %swap3A_375 = arith.index_cast %swap3A_374 : i32 to index
      %swap3A_376 = arith.index_cast %mul3A_354 : i32 to index
      %swap3A_377 = tpu.vector_load %arg14[%swap3A_375, %swap3A_376] {strides = array<i32>} : memref<2x4096xf32, #tpu.memory_space<vmem>>, vector<16xf32>,
      tpu.vector_store %arg14[%swap3A_375, %swap3A_376], %add3A_373 {strides = array<i32>} : memref<2x4096xf32, #tpu.memory_space<vmem>>, vector<16xf32>,
      %get3A_378 = arith.constant 1 : i32
      %get3A_379 = arith.index_cast %get3A_378 : i32 to index
      %get3A_380 = arith.index_cast %mul3A_354 : i32 to index
      %get3A_381 = tpu.vector_load %arg14[%get3A_379, %get3A_380] {strides = array<i32>} : memref<2x4096xf32, #tpu.memory_space<vmem>>, vector<16xf32>,
      %add3A_382 = arith.addf %get3A_381, %gather3A_368 : vector<16xf32>
      %swap3A_383 = arith.constant 1 : i32
      %swap3A_384 = arith.index_cast %swap3A_383 : i32 to index
      %swap3A_385 = arith.index_cast %mul3A_354 : i32 to index
      %swap3A_386 = tpu.vector_load %arg14[%swap3A_384, %swap3A_385] {strides = array<i32>} : memref<2x4096xf32, #tpu.memory_space<vmem>>, vector<16xf32>,
      tpu.vector_store %arg14[%swap3A_384, %swap3A_385], %add3A_382 {strides = array<i32>} : memref<2x4096xf32, #tpu.memory_space<vmem>>, vector<16xf32>,
      %scan3A_387 = arith.constant 5 : i32
      %scan3A_388 = arith.addi %scan3A_215, %scan3A_387 : i32
      %mul3A_389 = arith.constant 16 : i32
      %mul3A_390 = arith.muli %scan3A_388, %mul3A_389 : i32
      %get3A_391 = arith.index_cast %mul3A_390 : i32 to index
      %get3A_392 = tpu.vector_load %arg12[%get3A_391] {strides = array<i32>} : memref<4096xi32, #tpu.memory_space<vmem>>, vector<16xi32>,
      %sub3A_393 = arith.constant 26496 : i32
      %sub3A_394 = vector.broadcast %sub3A_393 : i32 to vector<16xi32>
      %sub3A_395 = arith.subi %get3A_392, %sub3A_394 : vector<16xi32>
      %ge3A_396 = arith.constant 0 : i32
      %ge3A_397 = vector.broadcast %ge3A_396 : i32 to vector<16xi32>
      %ge3A_398 = arith.cmpi sge, %sub3A_395, %ge3A_397 : vector<16xi32>
      %lt3A_399 = arith.constant 26496 : i32
      %lt3A_400 = vector.broadcast %lt3A_399 : i32 to vector<16xi32>
      %lt3A_401 = arith.cmpi slt, %sub3A_395, %lt3A_400 : vector<16xi32>
      %and3A_402 = arith.andi %ge3A_398, %lt3A_401 : vector<16xi1>
      %gather3A_403 = tpu.vector_load_idx %arg11[%broadcast_in_dim3A_3, %sub3A_395] masked %and3A_402 : memref<2x26496xf32, #tpu.memory_space<vmem>>[vector<16xi32>, vector<16xi32>], vector<16xf32>, vector<16xi1>
      %gather3A_404 = tpu.vector_load_idx %arg11[%broadcast_in_dim3A_5, %sub3A_395] masked %and3A_402 : memref<2x26496xf32, #tpu.memory_space<vmem>>[vector<16xi32>, vector<16xi32>], vector<16xf32>, vector<16xi1>
      %get3A_405 = arith.constant 0 : i32
      %get3A_406 = arith.index_cast %get3A_405 : i32 to index
      %get3A_407 = arith.index_cast %mul3A_390 : i32 to index
      %get3A_408 = tpu.vector_load %arg14[%get3A_406, %get3A_407] {strides = array<i32>} : memref<2x4096xf32, #tpu.memory_space<vmem>>, vector<16xf32>,
      %add3A_409 = arith.addf %get3A_408, %gather3A_403 : vector<16xf32>
      %swap3A_410 = arith.constant 0 : i32
      %swap3A_411 = arith.index_cast %swap3A_410 : i32 to index
      %swap3A_412 = arith.index_cast %mul3A_390 : i32 to index
      %swap3A_413 = tpu.vector_load %arg14[%swap3A_411, %swap3A_412] {strides = array<i32>} : memref<2x4096xf32, #tpu.memory_space<vmem>>, vector<16xf32>,
      tpu.vector_store %arg14[%swap3A_411, %swap3A_412], %add3A_409 {strides = array<i32>} : memref<2x4096xf32, #tpu.memory_space<vmem>>, vector<16xf32>,
      %get3A_414 = arith.constant 1 : i32
      %get3A_415 = arith.index_cast %get3A_414 : i32 to index
      %get3A_416 = arith.index_cast %mul3A_390 : i32 to index
      %get3A_417 = tpu.vector_load %arg14[%get3A_415, %get3A_416] {strides = array<i32>} : memref<2x4096xf32, #tpu.memory_space<vmem>>, vector<16xf32>,
      %add3A_418 = arith.addf %get3A_417, %gather3A_404 : vector<16xf32>
      %swap3A_419 = arith.constant 1 : i32
      %swap3A_420 = arith.index_cast %swap3A_419 : i32 to index
      %swap3A_421 = arith.index_cast %mul3A_390 : i32 to index
      %swap3A_422 = tpu.vector_load %arg14[%swap3A_420, %swap3A_421] {strides = array<i32>} : memref<2x4096xf32, #tpu.memory_space<vmem>>, vector<16xf32>,
      tpu.vector_store %arg14[%swap3A_420, %swap3A_421], %add3A_418 {strides = array<i32>} : memref<2x4096xf32, #tpu.memory_space<vmem>>, vector<16xf32>,
      %scan3A_423 = arith.constant 6 : i32
      %scan3A_424 = arith.addi %scan3A_215, %scan3A_423 : i32
      %mul3A_425 = arith.constant 16 : i32
      %mul3A_426 = arith.muli %scan3A_424, %mul3A_425 : i32
      %get3A_427 = arith.index_cast %mul3A_426 : i32 to index
      %get3A_428 = tpu.vector_load %arg12[%get3A_427] {strides = array<i32>} : memref<4096xi32, #tpu.memory_space<vmem>>, vector<16xi32>,
      %sub3A_429 = arith.constant 26496 : i32
      %sub3A_430 = vector.broadcast %sub3A_429 : i32 to vector<16xi32>
      %sub3A_431 = arith.subi %get3A_428, %sub3A_430 : vector<16xi32>
      %ge3A_432 = arith.constant 0 : i32
      %ge3A_433 = vector.broadcast %ge3A_432 : i32 to vector<16xi32>
      %ge3A_434 = arith.cmpi sge, %sub3A_431, %ge3A_433 : vector<16xi32>
      %lt3A_435 = arith.constant 26496 : i32
      %lt3A_436 = vector.broadcast %lt3A_435 : i32 to vector<16xi32>
      %lt3A_437 = arith.cmpi slt, %sub3A_431, %lt3A_436 : vector<16xi32>
      %and3A_438 = arith.andi %ge3A_434, %lt3A_437 : vector<16xi1>
      %gather3A_439 = tpu.vector_load_idx %arg11[%broadcast_in_dim3A_3, %sub3A_431] masked %and3A_438 : memref<2x26496xf32, #tpu.memory_space<vmem>>[vector<16xi32>, vector<16xi32>], vector<16xf32>, vector<16xi1>
      %gather3A_440 = tpu.vector_load_idx %arg11[%broadcast_in_dim3A_5, %sub3A_431] masked %and3A_438 : memref<2x26496xf32, #tpu.memory_space<vmem>>[vector<16xi32>, vector<16xi32>], vector<16xf32>, vector<16xi1>
      %get3A_441 = arith.constant 0 : i32
      %get3A_442 = arith.index_cast %get3A_441 : i32 to index
      %get3A_443 = arith.index_cast %mul3A_426 : i32 to index
      %get3A_444 = tpu.vector_load %arg14[%get3A_442, %get3A_443] {strides = array<i32>} : memref<2x4096xf32, #tpu.memory_space<vmem>>, vector<16xf32>,
      %add3A_445 = arith.addf %get3A_444, %gather3A_439 : vector<16xf32>
      %swap3A_446 = arith.constant 0 : i32
      %swap3A_447 = arith.index_cast %swap3A_446 : i32 to index
      %swap3A_448 = arith.index_cast %mul3A_426 : i32 to index
      %swap3A_449 = tpu.vector_load %arg14[%swap3A_447, %swap3A_448] {strides = array<i32>} : memref<2x4096xf32, #tpu.memory_space<vmem>>, vector<16xf32>,
      tpu.vector_store %arg14[%swap3A_447, %swap3A_448], %add3A_445 {strides = array<i32>} : memref<2x4096xf32, #tpu.memory_space<vmem>>, vector<16xf32>,
      %get3A_450 = arith.constant 1 : i32
      %get3A_451 = arith.index_cast %get3A_450 : i32 to index
      %get3A_452 = arith.index_cast %mul3A_426 : i32 to index
      %get3A_453 = tpu.vector_load %arg14[%get3A_451, %get3A_452] {strides = array<i32>} : memref<2x4096xf32, #tpu.memory_space<vmem>>, vector<16xf32>,
      %add3A_454 = arith.addf %get3A_453, %gather3A_440 : vector<16xf32>
      %swap3A_455 = arith.constant 1 : i32
      %swap3A_456 = arith.index_cast %swap3A_455 : i32 to index
      %swap3A_457 = arith.index_cast %mul3A_426 : i32 to index
      %swap3A_458 = tpu.vector_load %arg14[%swap3A_456, %swap3A_457] {strides = array<i32>} : memref<2x4096xf32, #tpu.memory_space<vmem>>, vector<16xf32>,
      tpu.vector_store %arg14[%swap3A_456, %swap3A_457], %add3A_454 {strides = array<i32>} : memref<2x4096xf32, #tpu.memory_space<vmem>>, vector<16xf32>,
      %scan3A_459 = arith.constant 7 : i32
      %scan3A_460 = arith.addi %scan3A_215, %scan3A_459 : i32
      %mul3A_461 = arith.constant 16 : i32
      %mul3A_462 = arith.muli %scan3A_460, %mul3A_461 : i32
      %get3A_463 = arith.index_cast %mul3A_462 : i32 to index
      %get3A_464 = tpu.vector_load %arg12[%get3A_463] {strides = array<i32>} : memref<4096xi32, #tpu.memory_space<vmem>>, vector<16xi32>,
      %sub3A_465 = arith.constant 26496 : i32
      %sub3A_466 = vector.broadcast %sub3A_465 : i32 to vector<16xi32>
      %sub3A_467 = arith.subi %get3A_464, %sub3A_466 : vector<16xi32>
      %ge3A_468 = arith.constant 0 : i32
      %ge3A_469 = vector.broadcast %ge3A_468 : i32 to vector<16xi32>
      %ge3A_470 = arith.cmpi sge, %sub3A_467, %ge3A_469 : vector<16xi32>
      %lt3A_471 = arith.constant 26496 : i32
      %lt3A_472 = vector.broadcast %lt3A_471 : i32 to vector<16xi32>
      %lt3A_473 = arith.cmpi slt, %sub3A_467, %lt3A_472 : vector<16xi32>
      %and3A_474 = arith.andi %ge3A_470, %lt3A_473 : vector<16xi1>
      %gather3A_475 = tpu.vector_load_idx %arg11[%broadcast_in_dim3A_3, %sub3A_467] masked %and3A_474 : memref<2x26496xf32, #tpu.memory_space<vmem>>[vector<16xi32>, vector<16xi32>], vector<16xf32>, vector<16xi1>
      %gather3A_476 = tpu.vector_load_idx %arg11[%broadcast_in_dim3A_5, %sub3A_467] masked %and3A_474 : memref<2x26496xf32, #tpu.memory_space<vmem>>[vector<16xi32>, vector<16xi32>], vector<16xf32>, vector<16xi1>
      %get3A_477 = arith.constant 0 : i32
      %get3A_478 = arith.index_cast %get3A_477 : i32 to index
      %get3A_479 = arith.index_cast %mul3A_462 : i32 to index
      %get3A_480 = tpu.vector_load %arg14[%get3A_478, %get3A_479] {strides = array<i32>} : memref<2x4096xf32, #tpu.memory_space<vmem>>, vector<16xf32>,
      %add3A_481 = arith.addf %get3A_480, %gather3A_475 : vector<16xf32>
      %swap3A_482 = arith.constant 0 : i32
      %swap3A_483 = arith.index_cast %swap3A_482 : i32 to index
      %swap3A_484 = arith.index_cast %mul3A_462 : i32 to index
      %swap3A_485 = tpu.vector_load %arg14[%swap3A_483, %swap3A_484] {strides = array<i32>} : memref<2x4096xf32, #tpu.memory_space<vmem>>, vector<16xf32>,
      tpu.vector_store %arg14[%swap3A_483, %swap3A_484], %add3A_481 {strides = array<i32>} : memref<2x4096xf32, #tpu.memory_space<vmem>>, vector<16xf32>,
      %get3A_486 = arith.constant 1 : i32
      %get3A_487 = arith.index_cast %get3A_486 : i32 to index
      %get3A_488 = arith.index_cast %mul3A_462 : i32 to index
      %get3A_489 = tpu.vector_load %arg14[%get3A_487, %get3A_488] {strides = array<i32>} : memref<2x4096xf32, #tpu.memory_space<vmem>>, vector<16xf32>,
      %add3A_490 = arith.addf %get3A_489, %gather3A_476 : vector<16xf32>
      %swap3A_491 = arith.constant 1 : i32
      %swap3A_492 = arith.index_cast %swap3A_491 : i32 to index
      %swap3A_493 = arith.index_cast %mul3A_462 : i32 to index
      %swap3A_494 = tpu.vector_load %arg14[%swap3A_492, %swap3A_493] {strides = array<i32>} : memref<2x4096xf32, #tpu.memory_space<vmem>>, vector<16xf32>,
      tpu.vector_store %arg14[%swap3A_492, %swap3A_493], %add3A_490 {strides = array<i32>} : memref<2x4096xf32, #tpu.memory_space<vmem>>, vector<16xf32>,
    }
    %scan3A_64 = arith.constant 256 : i32
    %dma_start3A_65 = arith.constant 0 : i32
    %dma_start3A_66 = arith.constant 0 : i32
    %dma_start3A_67 = tpu.memref_slice %arg11[%dma_start3A_65, %dma_start3A_66] : memref<2x26496xf32, #tpu.memory_space<vmem>> -> memref<2x20480xf32, #tpu.memory_space<vmem>>
    %dma_start3A_68 = arith.constant 79488 : i32
    %dma_start3A_69 = tpu.memref_slice %arg2[%add3A, %dma_start3A_68] : memref<64x100000xf32, #tpu.memory_space<hbm>> -> memref<2x20480xf32, #tpu.memory_space<hbm>>
    %dma_start3A_70 = arith.constant 0 : i32
    %dma_start3A_71 = arith.constant 0 : i32
    %dma_start3A_72 = tpu.memref_slice %arg11[%dma_start3A_70, %dma_start3A_71] : memref<2x26496xf32, #tpu.memory_space<vmem>> -> memref<2x20480xf32, #tpu.memory_space<vmem>>
    %dma_start3A_73 = arith.constant 79488 : i32
    %dma_start3A_74 = tpu.memref_slice %arg2[%add3A, %dma_start3A_73] : memref<64x100000xf32, #tpu.memory_space<hbm>> -> memref<2x20480xf32, #tpu.memory_space<hbm>>
    tpu.enqueue_dma source(%dma_start3A_74 : memref<2x20480xf32, #tpu.memory_space<hbm>>) target(%dma_start3A_72 : memref<2x20480xf32, #tpu.memory_space<vmem>>) target_semaphore(%arg17 : memref<!tpu.dma_semaphore, #tpu.memory_space<semaphore_mem>>)
    %dma_start3A_75 = arith.constant 0 : i32
    %dma_start3A_76 = arith.constant 20480 : i32
    %dma_start3A_77 = tpu.memref_slice %arg11[%dma_start3A_75, %dma_start3A_76] : memref<2x26496xf32, #tpu.memory_space<vmem>> -> memref<2x128xf32, #tpu.memory_space<vmem>>
    %dma_start3A_78 = arith.constant 0 : i32
    %dma_start3A_79 = tpu.memref_slice %arg4[%add3A, %dma_start3A_78] : memref<64x128xf32, #tpu.memory_space<hbm>> -> memref<2x128xf32, #tpu.memory_space<hbm>>
    %dma_start3A_80 = arith.constant 0 : i32
    %dma_start3A_81 = arith.constant 20480 : i32
    %dma_start3A_82 = tpu.memref_slice %arg11[%dma_start3A_80, %dma_start3A_81] : memref<2x26496xf32, #tpu.memory_space<vmem>> -> memref<2x128xf32, #tpu.memory_space<vmem>>
    %dma_start3A_83 = arith.constant 0 : i32
    %dma_start3A_84 = tpu.memref_slice %arg4[%add3A, %dma_start3A_83] : memref<64x128xf32, #tpu.memory_space<hbm>> -> memref<2x128xf32, #tpu.memory_space<hbm>>
    tpu.enqueue_dma source(%dma_start3A_84 : memref<2x128xf32, #tpu.memory_space<hbm>>) target(%dma_start3A_82 : memref<2x128xf32, #tpu.memory_space<vmem>>) target_semaphore(%arg17 : memref<!tpu.dma_semaphore, #tpu.memory_space<semaphore_mem>>)
    %dma_wait3A_85 = arith.constant 0 : i32
    %dma_wait3A_86 = arith.constant 0 : i32
    %dma_wait3A_87 = tpu.memref_slice %arg10[%dma_wait3A_85, %dma_wait3A_86] : memref<2x26496xf32, #tpu.memory_space<vmem>> -> memref<2x26496xf32, #tpu.memory_space<vmem>>
    %dma_wait3A_88 = arith.constant 52992 : i32
    %dma_wait3A_89 = tpu.memref_slice %arg2[%add3A, %dma_wait3A_88] : memref<64x100000xf32, #tpu.memory_space<hbm>> -> memref<2x26496xf32, #tpu.memory_space<hbm>>
    %dma_wait3A_90 = arith.constant 0 : i32
    %dma_wait3A_91 = arith.constant 0 : i32
    %dma_wait3A_92 = tpu.memref_slice %arg10[%dma_wait3A_90, %dma_wait3A_91] : memref<2x26496xf32, #tpu.memory_space<vmem>> -> memref<2x26496xf32, #tpu.memory_space<vmem>>
    %dma_wait3A_93 = arith.constant 52992 : i32
    %dma_wait3A_94 = tpu.memref_slice %arg2[%add3A, %dma_wait3A_93] : memref<64x100000xf32, #tpu.memory_space<hbm>> -> memref<2x26496xf32, #tpu.memory_space<hbm>>
    tpu.wait_dma2 semaphore(%arg16 : memref<!tpu.dma_semaphore, #tpu.memory_space<semaphore_mem>>) src(%dma_wait3A_94 : memref<2x26496xf32, #tpu.memory_space<hbm>>) dst(%dma_wait3A_92 : memref<2x26496xf32, #tpu.memory_space<vmem>>)
    %scan3A_95 = arith.constant 0 : i32
    %scan3A_96 = arith.constant 0 : i32
    %scan3A_97 = arith.constant 256 : i32
    %scan3A_98 = arith.addi %scan3A_96, %scan3A_97 : i32
    %scan3A_99 = arith.constant 8 : i32
    scf.for %scan3A_215 = %scan3A_96 to %scan3A_98 step %scan3A_99  : i32 {
      %mul3A_216 = arith.constant 16 : i32
      %mul3A_217 = arith.muli %scan3A_215, %mul3A_216 : i32
      %get3A = arith.index_cast %mul3A_217 : i32 to index
      %get3A_218 = tpu.vector_load %arg12[%get3A] {strides = array<i32>} : memref<4096xi32, #tpu.memory_space<vmem>>, vector<16xi32>,
      %sub3A = arith.constant 52992 : i32
      %sub3A_219 = vector.broadcast %sub3A : i32 to vector<16xi32>
      %sub3A_220 = arith.subi %get3A_218, %sub3A_219 : vector<16xi32>
      %ge3A = arith.constant 0 : i32
      %ge3A_221 = vector.broadcast %ge3A : i32 to vector<16xi32>
      %ge3A_222 = arith.cmpi sge, %sub3A_220, %ge3A_221 : vector<16xi32>
      %lt3A = arith.constant 26496 : i32
      %lt3A_223 = vector.broadcast %lt3A : i32 to vector<16xi32>
      %lt3A_224 = arith.cmpi slt, %sub3A_220, %lt3A_223 : vector<16xi32>
      %and3A = arith.andi %ge3A_222, %lt3A_224 : vector<16xi1>
      %gather3A = tpu.vector_load_idx %arg10[%broadcast_in_dim3A_3, %sub3A_220] masked %and3A : memref<2x26496xf32, #tpu.memory_space<vmem>>[vector<16xi32>, vector<16xi32>], vector<16xf32>, vector<16xi1>
      %gather3A_225 = tpu.vector_load_idx %arg10[%broadcast_in_dim3A_5, %sub3A_220] masked %and3A : memref<2x26496xf32, #tpu.memory_space<vmem>>[vector<16xi32>, vector<16xi32>], vector<16xf32>, vector<16xi1>
      %get3A_226 = arith.constant 0 : i32
      %get3A_227 = arith.index_cast %get3A_226 : i32 to index
      %get3A_228 = arith.index_cast %mul3A_217 : i32 to index
      %get3A_229 = tpu.vector_load %arg14[%get3A_227, %get3A_228] {strides = array<i32>} : memref<2x4096xf32, #tpu.memory_space<vmem>>, vector<16xf32>,
      %add3A_230 = arith.addf %get3A_229, %gather3A : vector<16xf32>
      %swap3A = arith.constant 0 : i32
      %swap3A_231 = arith.index_cast %swap3A : i32 to index
      %swap3A_232 = arith.index_cast %mul3A_217 : i32 to index
      %swap3A_233 = tpu.vector_load %arg14[%swap3A_231, %swap3A_232] {strides = array<i32>} : memref<2x4096xf32, #tpu.memory_space<vmem>>, vector<16xf32>,
      tpu.vector_store %arg14[%swap3A_231, %swap3A_232], %add3A_230 {strides = array<i32>} : memref<2x4096xf32, #tpu.memory_space<vmem>>, vector<16xf32>,
      %get3A_234 = arith.constant 1 : i32
      %get3A_235 = arith.index_cast %get3A_234 : i32 to index
      %get3A_236 = arith.index_cast %mul3A_217 : i32 to index
      %get3A_237 = tpu.vector_load %arg14[%get3A_235, %get3A_236] {strides = array<i32>} : memref<2x4096xf32, #tpu.memory_space<vmem>>, vector<16xf32>,
      %add3A_238 = arith.addf %get3A_237, %gather3A_225 : vector<16xf32>
      %swap3A_239 = arith.constant 1 : i32
      %swap3A_240 = arith.index_cast %swap3A_239 : i32 to index
      %swap3A_241 = arith.index_cast %mul3A_217 : i32 to index
      %swap3A_242 = tpu.vector_load %arg14[%swap3A_240, %swap3A_241] {strides = array<i32>} : memref<2x4096xf32, #tpu.memory_space<vmem>>, vector<16xf32>,
      tpu.vector_store %arg14[%swap3A_240, %swap3A_241], %add3A_238 {strides = array<i32>} : memref<2x4096xf32, #tpu.memory_space<vmem>>, vector<16xf32>,
      %scan3A_243 = arith.constant 1 : i32
      %scan3A_244 = arith.addi %scan3A_215, %scan3A_243 : i32
      %mul3A_245 = arith.constant 16 : i32
      %mul3A_246 = arith.muli %scan3A_244, %mul3A_245 : i32
      %get3A_247 = arith.index_cast %mul3A_246 : i32 to index
      %get3A_248 = tpu.vector_load %arg12[%get3A_247] {strides = array<i32>} : memref<4096xi32, #tpu.memory_space<vmem>>, vector<16xi32>,
      %sub3A_249 = arith.constant 52992 : i32
      %sub3A_250 = vector.broadcast %sub3A_249 : i32 to vector<16xi32>
      %sub3A_251 = arith.subi %get3A_248, %sub3A_250 : vector<16xi32>
      %ge3A_252 = arith.constant 0 : i32
      %ge3A_253 = vector.broadcast %ge3A_252 : i32 to vector<16xi32>
      %ge3A_254 = arith.cmpi sge, %sub3A_251, %ge3A_253 : vector<16xi32>
      %lt3A_255 = arith.constant 26496 : i32
      %lt3A_256 = vector.broadcast %lt3A_255 : i32 to vector<16xi32>
      %lt3A_257 = arith.cmpi slt, %sub3A_251, %lt3A_256 : vector<16xi32>
      %and3A_258 = arith.andi %ge3A_254, %lt3A_257 : vector<16xi1>
      %gather3A_259 = tpu.vector_load_idx %arg10[%broadcast_in_dim3A_3, %sub3A_251] masked %and3A_258 : memref<2x26496xf32, #tpu.memory_space<vmem>>[vector<16xi32>, vector<16xi32>], vector<16xf32>, vector<16xi1>
      %gather3A_260 = tpu.vector_load_idx %arg10[%broadcast_in_dim3A_5, %sub3A_251] masked %and3A_258 : memref<2x26496xf32, #tpu.memory_space<vmem>>[vector<16xi32>, vector<16xi32>], vector<16xf32>, vector<16xi1>
      %get3A_261 = arith.constant 0 : i32
      %get3A_262 = arith.index_cast %get3A_261 : i32 to index
      %get3A_263 = arith.index_cast %mul3A_246 : i32 to index
      %get3A_264 = tpu.vector_load %arg14[%get3A_262, %get3A_263] {strides = array<i32>} : memref<2x4096xf32, #tpu.memory_space<vmem>>, vector<16xf32>,
      %add3A_265 = arith.addf %get3A_264, %gather3A_259 : vector<16xf32>
      %swap3A_266 = arith.constant 0 : i32
      %swap3A_267 = arith.index_cast %swap3A_266 : i32 to index
      %swap3A_268 = arith.index_cast %mul3A_246 : i32 to index
      %swap3A_269 = tpu.vector_load %arg14[%swap3A_267, %swap3A_268] {strides = array<i32>} : memref<2x4096xf32, #tpu.memory_space<vmem>>, vector<16xf32>,
      tpu.vector_store %arg14[%swap3A_267, %swap3A_268], %add3A_265 {strides = array<i32>} : memref<2x4096xf32, #tpu.memory_space<vmem>>, vector<16xf32>,
      %get3A_270 = arith.constant 1 : i32
      %get3A_271 = arith.index_cast %get3A_270 : i32 to index
      %get3A_272 = arith.index_cast %mul3A_246 : i32 to index
      %get3A_273 = tpu.vector_load %arg14[%get3A_271, %get3A_272] {strides = array<i32>} : memref<2x4096xf32, #tpu.memory_space<vmem>>, vector<16xf32>,
      %add3A_274 = arith.addf %get3A_273, %gather3A_260 : vector<16xf32>
      %swap3A_275 = arith.constant 1 : i32
      %swap3A_276 = arith.index_cast %swap3A_275 : i32 to index
      %swap3A_277 = arith.index_cast %mul3A_246 : i32 to index
      %swap3A_278 = tpu.vector_load %arg14[%swap3A_276, %swap3A_277] {strides = array<i32>} : memref<2x4096xf32, #tpu.memory_space<vmem>>, vector<16xf32>,
      tpu.vector_store %arg14[%swap3A_276, %swap3A_277], %add3A_274 {strides = array<i32>} : memref<2x4096xf32, #tpu.memory_space<vmem>>, vector<16xf32>,
      %scan3A_279 = arith.constant 2 : i32
      %scan3A_280 = arith.addi %scan3A_215, %scan3A_279 : i32
      %mul3A_281 = arith.constant 16 : i32
      %mul3A_282 = arith.muli %scan3A_280, %mul3A_281 : i32
      %get3A_283 = arith.index_cast %mul3A_282 : i32 to index
      %get3A_284 = tpu.vector_load %arg12[%get3A_283] {strides = array<i32>} : memref<4096xi32, #tpu.memory_space<vmem>>, vector<16xi32>,
      %sub3A_285 = arith.constant 52992 : i32
      %sub3A_286 = vector.broadcast %sub3A_285 : i32 to vector<16xi32>
      %sub3A_287 = arith.subi %get3A_284, %sub3A_286 : vector<16xi32>
      %ge3A_288 = arith.constant 0 : i32
      %ge3A_289 = vector.broadcast %ge3A_288 : i32 to vector<16xi32>
      %ge3A_290 = arith.cmpi sge, %sub3A_287, %ge3A_289 : vector<16xi32>
      %lt3A_291 = arith.constant 26496 : i32
      %lt3A_292 = vector.broadcast %lt3A_291 : i32 to vector<16xi32>
      %lt3A_293 = arith.cmpi slt, %sub3A_287, %lt3A_292 : vector<16xi32>
      %and3A_294 = arith.andi %ge3A_290, %lt3A_293 : vector<16xi1>
      %gather3A_295 = tpu.vector_load_idx %arg10[%broadcast_in_dim3A_3, %sub3A_287] masked %and3A_294 : memref<2x26496xf32, #tpu.memory_space<vmem>>[vector<16xi32>, vector<16xi32>], vector<16xf32>, vector<16xi1>
      %gather3A_296 = tpu.vector_load_idx %arg10[%broadcast_in_dim3A_5, %sub3A_287] masked %and3A_294 : memref<2x26496xf32, #tpu.memory_space<vmem>>[vector<16xi32>, vector<16xi32>], vector<16xf32>, vector<16xi1>
      %get3A_297 = arith.constant 0 : i32
      %get3A_298 = arith.index_cast %get3A_297 : i32 to index
      %get3A_299 = arith.index_cast %mul3A_282 : i32 to index
      %get3A_300 = tpu.vector_load %arg14[%get3A_298, %get3A_299] {strides = array<i32>} : memref<2x4096xf32, #tpu.memory_space<vmem>>, vector<16xf32>,
      %add3A_301 = arith.addf %get3A_300, %gather3A_295 : vector<16xf32>
      %swap3A_302 = arith.constant 0 : i32
      %swap3A_303 = arith.index_cast %swap3A_302 : i32 to index
      %swap3A_304 = arith.index_cast %mul3A_282 : i32 to index
      %swap3A_305 = tpu.vector_load %arg14[%swap3A_303, %swap3A_304] {strides = array<i32>} : memref<2x4096xf32, #tpu.memory_space<vmem>>, vector<16xf32>,
      tpu.vector_store %arg14[%swap3A_303, %swap3A_304], %add3A_301 {strides = array<i32>} : memref<2x4096xf32, #tpu.memory_space<vmem>>, vector<16xf32>,
      %get3A_306 = arith.constant 1 : i32
      %get3A_307 = arith.index_cast %get3A_306 : i32 to index
      %get3A_308 = arith.index_cast %mul3A_282 : i32 to index
      %get3A_309 = tpu.vector_load %arg14[%get3A_307, %get3A_308] {strides = array<i32>} : memref<2x4096xf32, #tpu.memory_space<vmem>>, vector<16xf32>,
      %add3A_310 = arith.addf %get3A_309, %gather3A_296 : vector<16xf32>
      %swap3A_311 = arith.constant 1 : i32
      %swap3A_312 = arith.index_cast %swap3A_311 : i32 to index
      %swap3A_313 = arith.index_cast %mul3A_282 : i32 to index
      %swap3A_314 = tpu.vector_load %arg14[%swap3A_312, %swap3A_313] {strides = array<i32>} : memref<2x4096xf32, #tpu.memory_space<vmem>>, vector<16xf32>,
      tpu.vector_store %arg14[%swap3A_312, %swap3A_313], %add3A_310 {strides = array<i32>} : memref<2x4096xf32, #tpu.memory_space<vmem>>, vector<16xf32>,
      %scan3A_315 = arith.constant 3 : i32
      %scan3A_316 = arith.addi %scan3A_215, %scan3A_315 : i32
      %mul3A_317 = arith.constant 16 : i32
      %mul3A_318 = arith.muli %scan3A_316, %mul3A_317 : i32
      %get3A_319 = arith.index_cast %mul3A_318 : i32 to index
      %get3A_320 = tpu.vector_load %arg12[%get3A_319] {strides = array<i32>} : memref<4096xi32, #tpu.memory_space<vmem>>, vector<16xi32>,
      %sub3A_321 = arith.constant 52992 : i32
      %sub3A_322 = vector.broadcast %sub3A_321 : i32 to vector<16xi32>
      %sub3A_323 = arith.subi %get3A_320, %sub3A_322 : vector<16xi32>
      %ge3A_324 = arith.constant 0 : i32
      %ge3A_325 = vector.broadcast %ge3A_324 : i32 to vector<16xi32>
      %ge3A_326 = arith.cmpi sge, %sub3A_323, %ge3A_325 : vector<16xi32>
      %lt3A_327 = arith.constant 26496 : i32
      %lt3A_328 = vector.broadcast %lt3A_327 : i32 to vector<16xi32>
      %lt3A_329 = arith.cmpi slt, %sub3A_323, %lt3A_328 : vector<16xi32>
      %and3A_330 = arith.andi %ge3A_326, %lt3A_329 : vector<16xi1>
      %gather3A_331 = tpu.vector_load_idx %arg10[%broadcast_in_dim3A_3, %sub3A_323] masked %and3A_330 : memref<2x26496xf32, #tpu.memory_space<vmem>>[vector<16xi32>, vector<16xi32>], vector<16xf32>, vector<16xi1>
      %gather3A_332 = tpu.vector_load_idx %arg10[%broadcast_in_dim3A_5, %sub3A_323] masked %and3A_330 : memref<2x26496xf32, #tpu.memory_space<vmem>>[vector<16xi32>, vector<16xi32>], vector<16xf32>, vector<16xi1>
      %get3A_333 = arith.constant 0 : i32
      %get3A_334 = arith.index_cast %get3A_333 : i32 to index
      %get3A_335 = arith.index_cast %mul3A_318 : i32 to index
      %get3A_336 = tpu.vector_load %arg14[%get3A_334, %get3A_335] {strides = array<i32>} : memref<2x4096xf32, #tpu.memory_space<vmem>>, vector<16xf32>,
      %add3A_337 = arith.addf %get3A_336, %gather3A_331 : vector<16xf32>
      %swap3A_338 = arith.constant 0 : i32
      %swap3A_339 = arith.index_cast %swap3A_338 : i32 to index
      %swap3A_340 = arith.index_cast %mul3A_318 : i32 to index
      %swap3A_341 = tpu.vector_load %arg14[%swap3A_339, %swap3A_340] {strides = array<i32>} : memref<2x4096xf32, #tpu.memory_space<vmem>>, vector<16xf32>,
      tpu.vector_store %arg14[%swap3A_339, %swap3A_340], %add3A_337 {strides = array<i32>} : memref<2x4096xf32, #tpu.memory_space<vmem>>, vector<16xf32>,
      %get3A_342 = arith.constant 1 : i32
      %get3A_343 = arith.index_cast %get3A_342 : i32 to index
      %get3A_344 = arith.index_cast %mul3A_318 : i32 to index
      %get3A_345 = tpu.vector_load %arg14[%get3A_343, %get3A_344] {strides = array<i32>} : memref<2x4096xf32, #tpu.memory_space<vmem>>, vector<16xf32>,
      %add3A_346 = arith.addf %get3A_345, %gather3A_332 : vector<16xf32>
      %swap3A_347 = arith.constant 1 : i32
      %swap3A_348 = arith.index_cast %swap3A_347 : i32 to index
      %swap3A_349 = arith.index_cast %mul3A_318 : i32 to index
      %swap3A_350 = tpu.vector_load %arg14[%swap3A_348, %swap3A_349] {strides = array<i32>} : memref<2x4096xf32, #tpu.memory_space<vmem>>, vector<16xf32>,
      tpu.vector_store %arg14[%swap3A_348, %swap3A_349], %add3A_346 {strides = array<i32>} : memref<2x4096xf32, #tpu.memory_space<vmem>>, vector<16xf32>,
      %scan3A_351 = arith.constant 4 : i32
      %scan3A_352 = arith.addi %scan3A_215, %scan3A_351 : i32
      %mul3A_353 = arith.constant 16 : i32
      %mul3A_354 = arith.muli %scan3A_352, %mul3A_353 : i32
      %get3A_355 = arith.index_cast %mul3A_354 : i32 to index
      %get3A_356 = tpu.vector_load %arg12[%get3A_355] {strides = array<i32>} : memref<4096xi32, #tpu.memory_space<vmem>>, vector<16xi32>,
      %sub3A_357 = arith.constant 52992 : i32
      %sub3A_358 = vector.broadcast %sub3A_357 : i32 to vector<16xi32>
      %sub3A_359 = arith.subi %get3A_356, %sub3A_358 : vector<16xi32>
      %ge3A_360 = arith.constant 0 : i32
      %ge3A_361 = vector.broadcast %ge3A_360 : i32 to vector<16xi32>
      %ge3A_362 = arith.cmpi sge, %sub3A_359, %ge3A_361 : vector<16xi32>
      %lt3A_363 = arith.constant 26496 : i32
      %lt3A_364 = vector.broadcast %lt3A_363 : i32 to vector<16xi32>
      %lt3A_365 = arith.cmpi slt, %sub3A_359, %lt3A_364 : vector<16xi32>
      %and3A_366 = arith.andi %ge3A_362, %lt3A_365 : vector<16xi1>
      %gather3A_367 = tpu.vector_load_idx %arg10[%broadcast_in_dim3A_3, %sub3A_359] masked %and3A_366 : memref<2x26496xf32, #tpu.memory_space<vmem>>[vector<16xi32>, vector<16xi32>], vector<16xf32>, vector<16xi1>
      %gather3A_368 = tpu.vector_load_idx %arg10[%broadcast_in_dim3A_5, %sub3A_359] masked %and3A_366 : memref<2x26496xf32, #tpu.memory_space<vmem>>[vector<16xi32>, vector<16xi32>], vector<16xf32>, vector<16xi1>
      %get3A_369 = arith.constant 0 : i32
      %get3A_370 = arith.index_cast %get3A_369 : i32 to index
      %get3A_371 = arith.index_cast %mul3A_354 : i32 to index
      %get3A_372 = tpu.vector_load %arg14[%get3A_370, %get3A_371] {strides = array<i32>} : memref<2x4096xf32, #tpu.memory_space<vmem>>, vector<16xf32>,
      %add3A_373 = arith.addf %get3A_372, %gather3A_367 : vector<16xf32>
      %swap3A_374 = arith.constant 0 : i32
      %swap3A_375 = arith.index_cast %swap3A_374 : i32 to index
      %swap3A_376 = arith.index_cast %mul3A_354 : i32 to index
      %swap3A_377 = tpu.vector_load %arg14[%swap3A_375, %swap3A_376] {strides = array<i32>} : memref<2x4096xf32, #tpu.memory_space<vmem>>, vector<16xf32>,
      tpu.vector_store %arg14[%swap3A_375, %swap3A_376], %add3A_373 {strides = array<i32>} : memref<2x4096xf32, #tpu.memory_space<vmem>>, vector<16xf32>,
      %get3A_378 = arith.constant 1 : i32
      %get3A_379 = arith.index_cast %get3A_378 : i32 to index
      %get3A_380 = arith.index_cast %mul3A_354 : i32 to index
      %get3A_381 = tpu.vector_load %arg14[%get3A_379, %get3A_380] {strides = array<i32>} : memref<2x4096xf32, #tpu.memory_space<vmem>>, vector<16xf32>,
      %add3A_382 = arith.addf %get3A_381, %gather3A_368 : vector<16xf32>
      %swap3A_383 = arith.constant 1 : i32
      %swap3A_384 = arith.index_cast %swap3A_383 : i32 to index
      %swap3A_385 = arith.index_cast %mul3A_354 : i32 to index
      %swap3A_386 = tpu.vector_load %arg14[%swap3A_384, %swap3A_385] {strides = array<i32>} : memref<2x4096xf32, #tpu.memory_space<vmem>>, vector<16xf32>,
      tpu.vector_store %arg14[%swap3A_384, %swap3A_385], %add3A_382 {strides = array<i32>} : memref<2x4096xf32, #tpu.memory_space<vmem>>, vector<16xf32>,
      %scan3A_387 = arith.constant 5 : i32
      %scan3A_388 = arith.addi %scan3A_215, %scan3A_387 : i32
      %mul3A_389 = arith.constant 16 : i32
      %mul3A_390 = arith.muli %scan3A_388, %mul3A_389 : i32
      %get3A_391 = arith.index_cast %mul3A_390 : i32 to index
      %get3A_392 = tpu.vector_load %arg12[%get3A_391] {strides = array<i32>} : memref<4096xi32, #tpu.memory_space<vmem>>, vector<16xi32>,
      %sub3A_393 = arith.constant 52992 : i32
      %sub3A_394 = vector.broadcast %sub3A_393 : i32 to vector<16xi32>
      %sub3A_395 = arith.subi %get3A_392, %sub3A_394 : vector<16xi32>
      %ge3A_396 = arith.constant 0 : i32
      %ge3A_397 = vector.broadcast %ge3A_396 : i32 to vector<16xi32>
      %ge3A_398 = arith.cmpi sge, %sub3A_395, %ge3A_397 : vector<16xi32>
      %lt3A_399 = arith.constant 26496 : i32
      %lt3A_400 = vector.broadcast %lt3A_399 : i32 to vector<16xi32>
      %lt3A_401 = arith.cmpi slt, %sub3A_395, %lt3A_400 : vector<16xi32>
      %and3A_402 = arith.andi %ge3A_398, %lt3A_401 : vector<16xi1>
      %gather3A_403 = tpu.vector_load_idx %arg10[%broadcast_in_dim3A_3, %sub3A_395] masked %and3A_402 : memref<2x26496xf32, #tpu.memory_space<vmem>>[vector<16xi32>, vector<16xi32>], vector<16xf32>, vector<16xi1>
      %gather3A_404 = tpu.vector_load_idx %arg10[%broadcast_in_dim3A_5, %sub3A_395] masked %and3A_402 : memref<2x26496xf32, #tpu.memory_space<vmem>>[vector<16xi32>, vector<16xi32>], vector<16xf32>, vector<16xi1>
      %get3A_405 = arith.constant 0 : i32
      %get3A_406 = arith.index_cast %get3A_405 : i32 to index
      %get3A_407 = arith.index_cast %mul3A_390 : i32 to index
      %get3A_408 = tpu.vector_load %arg14[%get3A_406, %get3A_407] {strides = array<i32>} : memref<2x4096xf32, #tpu.memory_space<vmem>>, vector<16xf32>,
      %add3A_409 = arith.addf %get3A_408, %gather3A_403 : vector<16xf32>
      %swap3A_410 = arith.constant 0 : i32
      %swap3A_411 = arith.index_cast %swap3A_410 : i32 to index
      %swap3A_412 = arith.index_cast %mul3A_390 : i32 to index
      %swap3A_413 = tpu.vector_load %arg14[%swap3A_411, %swap3A_412] {strides = array<i32>} : memref<2x4096xf32, #tpu.memory_space<vmem>>, vector<16xf32>,
      tpu.vector_store %arg14[%swap3A_411, %swap3A_412], %add3A_409 {strides = array<i32>} : memref<2x4096xf32, #tpu.memory_space<vmem>>, vector<16xf32>,
      %get3A_414 = arith.constant 1 : i32
      %get3A_415 = arith.index_cast %get3A_414 : i32 to index
      %get3A_416 = arith.index_cast %mul3A_390 : i32 to index
      %get3A_417 = tpu.vector_load %arg14[%get3A_415, %get3A_416] {strides = array<i32>} : memref<2x4096xf32, #tpu.memory_space<vmem>>, vector<16xf32>,
      %add3A_418 = arith.addf %get3A_417, %gather3A_404 : vector<16xf32>
      %swap3A_419 = arith.constant 1 : i32
      %swap3A_420 = arith.index_cast %swap3A_419 : i32 to index
      %swap3A_421 = arith.index_cast %mul3A_390 : i32 to index
      %swap3A_422 = tpu.vector_load %arg14[%swap3A_420, %swap3A_421] {strides = array<i32>} : memref<2x4096xf32, #tpu.memory_space<vmem>>, vector<16xf32>,
      tpu.vector_store %arg14[%swap3A_420, %swap3A_421], %add3A_418 {strides = array<i32>} : memref<2x4096xf32, #tpu.memory_space<vmem>>, vector<16xf32>,
      %scan3A_423 = arith.constant 6 : i32
      %scan3A_424 = arith.addi %scan3A_215, %scan3A_423 : i32
      %mul3A_425 = arith.constant 16 : i32
      %mul3A_426 = arith.muli %scan3A_424, %mul3A_425 : i32
      %get3A_427 = arith.index_cast %mul3A_426 : i32 to index
      %get3A_428 = tpu.vector_load %arg12[%get3A_427] {strides = array<i32>} : memref<4096xi32, #tpu.memory_space<vmem>>, vector<16xi32>,
      %sub3A_429 = arith.constant 52992 : i32
      %sub3A_430 = vector.broadcast %sub3A_429 : i32 to vector<16xi32>
      %sub3A_431 = arith.subi %get3A_428, %sub3A_430 : vector<16xi32>
      %ge3A_432 = arith.constant 0 : i32
      %ge3A_433 = vector.broadcast %ge3A_432 : i32 to vector<16xi32>
      %ge3A_434 = arith.cmpi sge, %sub3A_431, %ge3A_433 : vector<16xi32>
      %lt3A_435 = arith.constant 26496 : i32
      %lt3A_436 = vector.broadcast %lt3A_435 : i32 to vector<16xi32>
      %lt3A_437 = arith.cmpi slt, %sub3A_431, %lt3A_436 : vector<16xi32>
      %and3A_438 = arith.andi %ge3A_434, %lt3A_437 : vector<16xi1>
      %gather3A_439 = tpu.vector_load_idx %arg10[%broadcast_in_dim3A_3, %sub3A_431] masked %and3A_438 : memref<2x26496xf32, #tpu.memory_space<vmem>>[vector<16xi32>, vector<16xi32>], vector<16xf32>, vector<16xi1>
      %gather3A_440 = tpu.vector_load_idx %arg10[%broadcast_in_dim3A_5, %sub3A_431] masked %and3A_438 : memref<2x26496xf32, #tpu.memory_space<vmem>>[vector<16xi32>, vector<16xi32>], vector<16xf32>, vector<16xi1>
      %get3A_441 = arith.constant 0 : i32
      %get3A_442 = arith.index_cast %get3A_441 : i32 to index
      %get3A_443 = arith.index_cast %mul3A_426 : i32 to index
      %get3A_444 = tpu.vector_load %arg14[%get3A_442, %get3A_443] {strides = array<i32>} : memref<2x4096xf32, #tpu.memory_space<vmem>>, vector<16xf32>,
      %add3A_445 = arith.addf %get3A_444, %gather3A_439 : vector<16xf32>
      %swap3A_446 = arith.constant 0 : i32
      %swap3A_447 = arith.index_cast %swap3A_446 : i32 to index
      %swap3A_448 = arith.index_cast %mul3A_426 : i32 to index
      %swap3A_449 = tpu.vector_load %arg14[%swap3A_447, %swap3A_448] {strides = array<i32>} : memref<2x4096xf32, #tpu.memory_space<vmem>>, vector<16xf32>,
      tpu.vector_store %arg14[%swap3A_447, %swap3A_448], %add3A_445 {strides = array<i32>} : memref<2x4096xf32, #tpu.memory_space<vmem>>, vector<16xf32>,
      %get3A_450 = arith.constant 1 : i32
      %get3A_451 = arith.index_cast %get3A_450 : i32 to index
      %get3A_452 = arith.index_cast %mul3A_426 : i32 to index
      %get3A_453 = tpu.vector_load %arg14[%get3A_451, %get3A_452] {strides = array<i32>} : memref<2x4096xf32, #tpu.memory_space<vmem>>, vector<16xf32>,
      %add3A_454 = arith.addf %get3A_453, %gather3A_440 : vector<16xf32>
      %swap3A_455 = arith.constant 1 : i32
      %swap3A_456 = arith.index_cast %swap3A_455 : i32 to index
      %swap3A_457 = arith.index_cast %mul3A_426 : i32 to index
      %swap3A_458 = tpu.vector_load %arg14[%swap3A_456, %swap3A_457] {strides = array<i32>} : memref<2x4096xf32, #tpu.memory_space<vmem>>, vector<16xf32>,
      tpu.vector_store %arg14[%swap3A_456, %swap3A_457], %add3A_454 {strides = array<i32>} : memref<2x4096xf32, #tpu.memory_space<vmem>>, vector<16xf32>,
      %scan3A_459 = arith.constant 7 : i32
      %scan3A_460 = arith.addi %scan3A_215, %scan3A_459 : i32
      %mul3A_461 = arith.constant 16 : i32
      %mul3A_462 = arith.muli %scan3A_460, %mul3A_461 : i32
      %get3A_463 = arith.index_cast %mul3A_462 : i32 to index
      %get3A_464 = tpu.vector_load %arg12[%get3A_463] {strides = array<i32>} : memref<4096xi32, #tpu.memory_space<vmem>>, vector<16xi32>,
      %sub3A_465 = arith.constant 52992 : i32
      %sub3A_466 = vector.broadcast %sub3A_465 : i32 to vector<16xi32>
      %sub3A_467 = arith.subi %get3A_464, %sub3A_466 : vector<16xi32>
      %ge3A_468 = arith.constant 0 : i32
      %ge3A_469 = vector.broadcast %ge3A_468 : i32 to vector<16xi32>
      %ge3A_470 = arith.cmpi sge, %sub3A_467, %ge3A_469 : vector<16xi32>
      %lt3A_471 = arith.constant 26496 : i32
      %lt3A_472 = vector.broadcast %lt3A_471 : i32 to vector<16xi32>
      %lt3A_473 = arith.cmpi slt, %sub3A_467, %lt3A_472 : vector<16xi32>
      %and3A_474 = arith.andi %ge3A_470, %lt3A_473 : vector<16xi1>
      %gather3A_475 = tpu.vector_load_idx %arg10[%broadcast_in_dim3A_3, %sub3A_467] masked %and3A_474 : memref<2x26496xf32, #tpu.memory_space<vmem>>[vector<16xi32>, vector<16xi32>], vector<16xf32>, vector<16xi1>
      %gather3A_476 = tpu.vector_load_idx %arg10[%broadcast_in_dim3A_5, %sub3A_467] masked %and3A_474 : memref<2x26496xf32, #tpu.memory_space<vmem>>[vector<16xi32>, vector<16xi32>], vector<16xf32>, vector<16xi1>
      %get3A_477 = arith.constant 0 : i32
      %get3A_478 = arith.index_cast %get3A_477 : i32 to index
      %get3A_479 = arith.index_cast %mul3A_462 : i32 to index
      %get3A_480 = tpu.vector_load %arg14[%get3A_478, %get3A_479] {strides = array<i32>} : memref<2x4096xf32, #tpu.memory_space<vmem>>, vector<16xf32>,
      %add3A_481 = arith.addf %get3A_480, %gather3A_475 : vector<16xf32>
      %swap3A_482 = arith.constant 0 : i32
      %swap3A_483 = arith.index_cast %swap3A_482 : i32 to index
      %swap3A_484 = arith.index_cast %mul3A_462 : i32 to index
      %swap3A_485 = tpu.vector_load %arg14[%swap3A_483, %swap3A_484] {strides = array<i32>} : memref<2x4096xf32, #tpu.memory_space<vmem>>, vector<16xf32>,
      tpu.vector_store %arg14[%swap3A_483, %swap3A_484], %add3A_481 {strides = array<i32>} : memref<2x4096xf32, #tpu.memory_space<vmem>>, vector<16xf32>,
      %get3A_486 = arith.constant 1 : i32
      %get3A_487 = arith.index_cast %get3A_486 : i32 to index
      %get3A_488 = arith.index_cast %mul3A_462 : i32 to index
      %get3A_489 = tpu.vector_load %arg14[%get3A_487, %get3A_488] {strides = array<i32>} : memref<2x4096xf32, #tpu.memory_space<vmem>>, vector<16xf32>,
      %add3A_490 = arith.addf %get3A_489, %gather3A_476 : vector<16xf32>
      %swap3A_491 = arith.constant 1 : i32
      %swap3A_492 = arith.index_cast %swap3A_491 : i32 to index
      %swap3A_493 = arith.index_cast %mul3A_462 : i32 to index
      %swap3A_494 = tpu.vector_load %arg14[%swap3A_492, %swap3A_493] {strides = array<i32>} : memref<2x4096xf32, #tpu.memory_space<vmem>>, vector<16xf32>,
      tpu.vector_store %arg14[%swap3A_492, %swap3A_493], %add3A_490 {strides = array<i32>} : memref<2x4096xf32, #tpu.memory_space<vmem>>, vector<16xf32>,
    }
    %scan3A_100 = arith.constant 256 : i32
    %dma_start3A_101 = arith.constant 0 : i32
    %dma_start3A_102 = arith.constant 0 : i32
    %dma_start3A_103 = tpu.memref_slice %arg10[%dma_start3A_101, %dma_start3A_102] : memref<2x26496xf32, #tpu.memory_space<vmem>> -> memref<2x26496xf32, #tpu.memory_space<vmem>>
    %dma_start3A_104 = arith.constant 0 : i32
    %dma_start3A_105 = tpu.memref_slice %arg3[%add3A, %dma_start3A_104] : memref<64x50000xf32, #tpu.memory_space<hbm>> -> memref<2x26496xf32, #tpu.memory_space<hbm>>
    %dma_start3A_106 = arith.constant 0 : i32
    %dma_start3A_107 = arith.constant 0 : i32
    %dma_start3A_108 = tpu.memref_slice %arg10[%dma_start3A_106, %dma_start3A_107] : memref<2x26496xf32, #tpu.memory_space<vmem>> -> memref<2x26496xf32, #tpu.memory_space<vmem>>
    %dma_start3A_109 = arith.constant 0 : i32
    %dma_start3A_110 = tpu.memref_slice %arg3[%add3A, %dma_start3A_109] : memref<64x50000xf32, #tpu.memory_space<hbm>> -> memref<2x26496xf32, #tpu.memory_space<hbm>>
    tpu.enqueue_dma source(%dma_start3A_110 : memref<2x26496xf32, #tpu.memory_space<hbm>>) target(%dma_start3A_108 : memref<2x26496xf32, #tpu.memory_space<vmem>>) target_semaphore(%arg16 : memref<!tpu.dma_semaphore, #tpu.memory_space<semaphore_mem>>)
    %dma_wait3A_111 = arith.constant 0 : i32
    %dma_wait3A_112 = arith.constant 0 : i32
    %dma_wait3A_113 = tpu.memref_slice %arg11[%dma_wait3A_111, %dma_wait3A_112] : memref<2x26496xf32, #tpu.memory_space<vmem>> -> memref<2x20480xf32, #tpu.memory_space<vmem>>
    %dma_wait3A_114 = arith.constant 79488 : i32
    %dma_wait3A_115 = tpu.memref_slice %arg2[%add3A, %dma_wait3A_114] : memref<64x100000xf32, #tpu.memory_space<hbm>> -> memref<2x20480xf32, #tpu.memory_space<hbm>>
    %dma_wait3A_116 = arith.constant 0 : i32
    %dma_wait3A_117 = arith.constant 0 : i32
    %dma_wait3A_118 = tpu.memref_slice %arg11[%dma_wait3A_116, %dma_wait3A_117] : memref<2x26496xf32, #tpu.memory_space<vmem>> -> memref<2x20480xf32, #tpu.memory_space<vmem>>
    %dma_wait3A_119 = arith.constant 79488 : i32
    %dma_wait3A_120 = tpu.memref_slice %arg2[%add3A, %dma_wait3A_119] : memref<64x100000xf32, #tpu.memory_space<hbm>> -> memref<2x20480xf32, #tpu.memory_space<hbm>>
    tpu.wait_dma2 semaphore(%arg17 : memref<!tpu.dma_semaphore, #tpu.memory_space<semaphore_mem>>) src(%dma_wait3A_120 : memref<2x20480xf32, #tpu.memory_space<hbm>>) dst(%dma_wait3A_118 : memref<2x20480xf32, #tpu.memory_space<vmem>>)
    %dma_wait3A_121 = arith.constant 0 : i32
    %dma_wait3A_122 = arith.constant 20480 : i32
    %dma_wait3A_123 = tpu.memref_slice %arg11[%dma_wait3A_121, %dma_wait3A_122] : memref<2x26496xf32, #tpu.memory_space<vmem>> -> memref<2x128xf32, #tpu.memory_space<vmem>>
    %dma_wait3A_124 = arith.constant 0 : i32
    %dma_wait3A_125 = tpu.memref_slice %arg4[%add3A, %dma_wait3A_124] : memref<64x128xf32, #tpu.memory_space<hbm>> -> memref<2x128xf32, #tpu.memory_space<hbm>>
    %dma_wait3A_126 = arith.constant 0 : i32
    %dma_wait3A_127 = arith.constant 20480 : i32
    %dma_wait3A_128 = tpu.memref_slice %arg11[%dma_wait3A_126, %dma_wait3A_127] : memref<2x26496xf32, #tpu.memory_space<vmem>> -> memref<2x128xf32, #tpu.memory_space<vmem>>
    %dma_wait3A_129 = arith.constant 0 : i32
    %dma_wait3A_130 = tpu.memref_slice %arg4[%add3A, %dma_wait3A_129] : memref<64x128xf32, #tpu.memory_space<hbm>> -> memref<2x128xf32, #tpu.memory_space<hbm>>
    tpu.wait_dma2 semaphore(%arg17 : memref<!tpu.dma_semaphore, #tpu.memory_space<semaphore_mem>>) src(%dma_wait3A_130 : memref<2x128xf32, #tpu.memory_space<hbm>>) dst(%dma_wait3A_128 : memref<2x128xf32, #tpu.memory_space<vmem>>)
    %scan3A_131 = arith.constant 0 : i32
    %scan3A_132 = arith.constant 0 : i32
    %scan3A_133 = arith.constant 256 : i32
    %scan3A_134 = arith.addi %scan3A_132, %scan3A_133 : i32
    %scan3A_135 = arith.constant 8 : i32
    scf.for %scan3A_215 = %scan3A_132 to %scan3A_134 step %scan3A_135  : i32 {
      %mul3A_216 = arith.constant 16 : i32
      %mul3A_217 = arith.muli %scan3A_215, %mul3A_216 : i32
      %get3A = arith.index_cast %mul3A_217 : i32 to index
      %get3A_218 = tpu.vector_load %arg12[%get3A] {strides = array<i32>} : memref<4096xi32, #tpu.memory_space<vmem>>, vector<16xi32>,
      %sub3A = arith.constant 79488 : i32
      %sub3A_219 = vector.broadcast %sub3A : i32 to vector<16xi32>
      %sub3A_220 = arith.subi %get3A_218, %sub3A_219 : vector<16xi32>
      %ge3A = arith.constant 0 : i32
      %ge3A_221 = vector.broadcast %ge3A : i32 to vector<16xi32>
      %ge3A_222 = arith.cmpi sge, %sub3A_220, %ge3A_221 : vector<16xi32>
      %gather3A = tpu.vector_load_idx %arg11[%broadcast_in_dim3A_3, %sub3A_220] masked %ge3A_222 : memref<2x26496xf32, #tpu.memory_space<vmem>>[vector<16xi32>, vector<16xi32>], vector<16xf32>, vector<16xi1>
      %gather3A_223 = tpu.vector_load_idx %arg11[%broadcast_in_dim3A_5, %sub3A_220] masked %ge3A_222 : memref<2x26496xf32, #tpu.memory_space<vmem>>[vector<16xi32>, vector<16xi32>], vector<16xf32>, vector<16xi1>
      %get3A_224 = arith.constant 0 : i32
      %get3A_225 = arith.index_cast %get3A_224 : i32 to index
      %get3A_226 = arith.index_cast %mul3A_217 : i32 to index
      %get3A_227 = tpu.vector_load %arg14[%get3A_225, %get3A_226] {strides = array<i32>} : memref<2x4096xf32, #tpu.memory_space<vmem>>, vector<16xf32>,
      %add3A_228 = arith.addf %get3A_227, %gather3A : vector<16xf32>
      %swap3A = arith.constant 0 : i32
      %swap3A_229 = arith.index_cast %swap3A : i32 to index
      %swap3A_230 = arith.index_cast %mul3A_217 : i32 to index
      %swap3A_231 = tpu.vector_load %arg14[%swap3A_229, %swap3A_230] {strides = array<i32>} : memref<2x4096xf32, #tpu.memory_space<vmem>>, vector<16xf32>,
      tpu.vector_store %arg14[%swap3A_229, %swap3A_230], %add3A_228 {strides = array<i32>} : memref<2x4096xf32, #tpu.memory_space<vmem>>, vector<16xf32>,
      %get3A_232 = arith.constant 1 : i32
      %get3A_233 = arith.index_cast %get3A_232 : i32 to index
      %get3A_234 = arith.index_cast %mul3A_217 : i32 to index
      %get3A_235 = tpu.vector_load %arg14[%get3A_233, %get3A_234] {strides = array<i32>} : memref<2x4096xf32, #tpu.memory_space<vmem>>, vector<16xf32>,
      %add3A_236 = arith.addf %get3A_235, %gather3A_223 : vector<16xf32>
      %swap3A_237 = arith.constant 1 : i32
      %swap3A_238 = arith.index_cast %swap3A_237 : i32 to index
      %swap3A_239 = arith.index_cast %mul3A_217 : i32 to index
      %swap3A_240 = tpu.vector_load %arg14[%swap3A_238, %swap3A_239] {strides = array<i32>} : memref<2x4096xf32, #tpu.memory_space<vmem>>, vector<16xf32>,
      tpu.vector_store %arg14[%swap3A_238, %swap3A_239], %add3A_236 {strides = array<i32>} : memref<2x4096xf32, #tpu.memory_space<vmem>>, vector<16xf32>,
      %scan3A_241 = arith.constant 1 : i32
      %scan3A_242 = arith.addi %scan3A_215, %scan3A_241 : i32
      %mul3A_243 = arith.constant 16 : i32
      %mul3A_244 = arith.muli %scan3A_242, %mul3A_243 : i32
      %get3A_245 = arith.index_cast %mul3A_244 : i32 to index
      %get3A_246 = tpu.vector_load %arg12[%get3A_245] {strides = array<i32>} : memref<4096xi32, #tpu.memory_space<vmem>>, vector<16xi32>,
      %sub3A_247 = arith.constant 79488 : i32
      %sub3A_248 = vector.broadcast %sub3A_247 : i32 to vector<16xi32>
      %sub3A_249 = arith.subi %get3A_246, %sub3A_248 : vector<16xi32>
      %ge3A_250 = arith.constant 0 : i32
      %ge3A_251 = vector.broadcast %ge3A_250 : i32 to vector<16xi32>
      %ge3A_252 = arith.cmpi sge, %sub3A_249, %ge3A_251 : vector<16xi32>
      %gather3A_253 = tpu.vector_load_idx %arg11[%broadcast_in_dim3A_3, %sub3A_249] masked %ge3A_252 : memref<2x26496xf32, #tpu.memory_space<vmem>>[vector<16xi32>, vector<16xi32>], vector<16xf32>, vector<16xi1>
      %gather3A_254 = tpu.vector_load_idx %arg11[%broadcast_in_dim3A_5, %sub3A_249] masked %ge3A_252 : memref<2x26496xf32, #tpu.memory_space<vmem>>[vector<16xi32>, vector<16xi32>], vector<16xf32>, vector<16xi1>
      %get3A_255 = arith.constant 0 : i32
      %get3A_256 = arith.index_cast %get3A_255 : i32 to index
      %get3A_257 = arith.index_cast %mul3A_244 : i32 to index
      %get3A_258 = tpu.vector_load %arg14[%get3A_256, %get3A_257] {strides = array<i32>} : memref<2x4096xf32, #tpu.memory_space<vmem>>, vector<16xf32>,
      %add3A_259 = arith.addf %get3A_258, %gather3A_253 : vector<16xf32>
      %swap3A_260 = arith.constant 0 : i32
      %swap3A_261 = arith.index_cast %swap3A_260 : i32 to index
      %swap3A_262 = arith.index_cast %mul3A_244 : i32 to index
      %swap3A_263 = tpu.vector_load %arg14[%swap3A_261, %swap3A_262] {strides = array<i32>} : memref<2x4096xf32, #tpu.memory_space<vmem>>, vector<16xf32>,
      tpu.vector_store %arg14[%swap3A_261, %swap3A_262], %add3A_259 {strides = array<i32>} : memref<2x4096xf32, #tpu.memory_space<vmem>>, vector<16xf32>,
      %get3A_264 = arith.constant 1 : i32
      %get3A_265 = arith.index_cast %get3A_264 : i32 to index
      %get3A_266 = arith.index_cast %mul3A_244 : i32 to index
      %get3A_267 = tpu.vector_load %arg14[%get3A_265, %get3A_266] {strides = array<i32>} : memref<2x4096xf32, #tpu.memory_space<vmem>>, vector<16xf32>,
      %add3A_268 = arith.addf %get3A_267, %gather3A_254 : vector<16xf32>
      %swap3A_269 = arith.constant 1 : i32
      %swap3A_270 = arith.index_cast %swap3A_269 : i32 to index
      %swap3A_271 = arith.index_cast %mul3A_244 : i32 to index
      %swap3A_272 = tpu.vector_load %arg14[%swap3A_270, %swap3A_271] {strides = array<i32>} : memref<2x4096xf32, #tpu.memory_space<vmem>>, vector<16xf32>,
      tpu.vector_store %arg14[%swap3A_270, %swap3A_271], %add3A_268 {strides = array<i32>} : memref<2x4096xf32, #tpu.memory_space<vmem>>, vector<16xf32>,
      %scan3A_273 = arith.constant 2 : i32
      %scan3A_274 = arith.addi %scan3A_215, %scan3A_273 : i32
      %mul3A_275 = arith.constant 16 : i32
      %mul3A_276 = arith.muli %scan3A_274, %mul3A_275 : i32
      %get3A_277 = arith.index_cast %mul3A_276 : i32 to index
      %get3A_278 = tpu.vector_load %arg12[%get3A_277] {strides = array<i32>} : memref<4096xi32, #tpu.memory_space<vmem>>, vector<16xi32>,
      %sub3A_279 = arith.constant 79488 : i32
      %sub3A_280 = vector.broadcast %sub3A_279 : i32 to vector<16xi32>
      %sub3A_281 = arith.subi %get3A_278, %sub3A_280 : vector<16xi32>
      %ge3A_282 = arith.constant 0 : i32
      %ge3A_283 = vector.broadcast %ge3A_282 : i32 to vector<16xi32>
      %ge3A_284 = arith.cmpi sge, %sub3A_281, %ge3A_283 : vector<16xi32>
      %gather3A_285 = tpu.vector_load_idx %arg11[%broadcast_in_dim3A_3, %sub3A_281] masked %ge3A_284 : memref<2x26496xf32, #tpu.memory_space<vmem>>[vector<16xi32>, vector<16xi32>], vector<16xf32>, vector<16xi1>
      %gather3A_286 = tpu.vector_load_idx %arg11[%broadcast_in_dim3A_5, %sub3A_281] masked %ge3A_284 : memref<2x26496xf32, #tpu.memory_space<vmem>>[vector<16xi32>, vector<16xi32>], vector<16xf32>, vector<16xi1>
      %get3A_287 = arith.constant 0 : i32
      %get3A_288 = arith.index_cast %get3A_287 : i32 to index
      %get3A_289 = arith.index_cast %mul3A_276 : i32 to index
      %get3A_290 = tpu.vector_load %arg14[%get3A_288, %get3A_289] {strides = array<i32>} : memref<2x4096xf32, #tpu.memory_space<vmem>>, vector<16xf32>,
      %add3A_291 = arith.addf %get3A_290, %gather3A_285 : vector<16xf32>
      %swap3A_292 = arith.constant 0 : i32
      %swap3A_293 = arith.index_cast %swap3A_292 : i32 to index
      %swap3A_294 = arith.index_cast %mul3A_276 : i32 to index
      %swap3A_295 = tpu.vector_load %arg14[%swap3A_293, %swap3A_294] {strides = array<i32>} : memref<2x4096xf32, #tpu.memory_space<vmem>>, vector<16xf32>,
      tpu.vector_store %arg14[%swap3A_293, %swap3A_294], %add3A_291 {strides = array<i32>} : memref<2x4096xf32, #tpu.memory_space<vmem>>, vector<16xf32>,
      %get3A_296 = arith.constant 1 : i32
      %get3A_297 = arith.index_cast %get3A_296 : i32 to index
      %get3A_298 = arith.index_cast %mul3A_276 : i32 to index
      %get3A_299 = tpu.vector_load %arg14[%get3A_297, %get3A_298] {strides = array<i32>} : memref<2x4096xf32, #tpu.memory_space<vmem>>, vector<16xf32>,
      %add3A_300 = arith.addf %get3A_299, %gather3A_286 : vector<16xf32>
      %swap3A_301 = arith.constant 1 : i32
      %swap3A_302 = arith.index_cast %swap3A_301 : i32 to index
      %swap3A_303 = arith.index_cast %mul3A_276 : i32 to index
      %swap3A_304 = tpu.vector_load %arg14[%swap3A_302, %swap3A_303] {strides = array<i32>} : memref<2x4096xf32, #tpu.memory_space<vmem>>, vector<16xf32>,
      tpu.vector_store %arg14[%swap3A_302, %swap3A_303], %add3A_300 {strides = array<i32>} : memref<2x4096xf32, #tpu.memory_space<vmem>>, vector<16xf32>,
      %scan3A_305 = arith.constant 3 : i32
      %scan3A_306 = arith.addi %scan3A_215, %scan3A_305 : i32
      %mul3A_307 = arith.constant 16 : i32
      %mul3A_308 = arith.muli %scan3A_306, %mul3A_307 : i32
      %get3A_309 = arith.index_cast %mul3A_308 : i32 to index
      %get3A_310 = tpu.vector_load %arg12[%get3A_309] {strides = array<i32>} : memref<4096xi32, #tpu.memory_space<vmem>>, vector<16xi32>,
      %sub3A_311 = arith.constant 79488 : i32
      %sub3A_312 = vector.broadcast %sub3A_311 : i32 to vector<16xi32>
      %sub3A_313 = arith.subi %get3A_310, %sub3A_312 : vector<16xi32>
      %ge3A_314 = arith.constant 0 : i32
      %ge3A_315 = vector.broadcast %ge3A_314 : i32 to vector<16xi32>
      %ge3A_316 = arith.cmpi sge, %sub3A_313, %ge3A_315 : vector<16xi32>
      %gather3A_317 = tpu.vector_load_idx %arg11[%broadcast_in_dim3A_3, %sub3A_313] masked %ge3A_316 : memref<2x26496xf32, #tpu.memory_space<vmem>>[vector<16xi32>, vector<16xi32>], vector<16xf32>, vector<16xi1>
      %gather3A_318 = tpu.vector_load_idx %arg11[%broadcast_in_dim3A_5, %sub3A_313] masked %ge3A_316 : memref<2x26496xf32, #tpu.memory_space<vmem>>[vector<16xi32>, vector<16xi32>], vector<16xf32>, vector<16xi1>
      %get3A_319 = arith.constant 0 : i32
      %get3A_320 = arith.index_cast %get3A_319 : i32 to index
      %get3A_321 = arith.index_cast %mul3A_308 : i32 to index
      %get3A_322 = tpu.vector_load %arg14[%get3A_320, %get3A_321] {strides = array<i32>} : memref<2x4096xf32, #tpu.memory_space<vmem>>, vector<16xf32>,
      %add3A_323 = arith.addf %get3A_322, %gather3A_317 : vector<16xf32>
      %swap3A_324 = arith.constant 0 : i32
      %swap3A_325 = arith.index_cast %swap3A_324 : i32 to index
      %swap3A_326 = arith.index_cast %mul3A_308 : i32 to index
      %swap3A_327 = tpu.vector_load %arg14[%swap3A_325, %swap3A_326] {strides = array<i32>} : memref<2x4096xf32, #tpu.memory_space<vmem>>, vector<16xf32>,
      tpu.vector_store %arg14[%swap3A_325, %swap3A_326], %add3A_323 {strides = array<i32>} : memref<2x4096xf32, #tpu.memory_space<vmem>>, vector<16xf32>,
      %get3A_328 = arith.constant 1 : i32
      %get3A_329 = arith.index_cast %get3A_328 : i32 to index
      %get3A_330 = arith.index_cast %mul3A_308 : i32 to index
      %get3A_331 = tpu.vector_load %arg14[%get3A_329, %get3A_330] {strides = array<i32>} : memref<2x4096xf32, #tpu.memory_space<vmem>>, vector<16xf32>,
      %add3A_332 = arith.addf %get3A_331, %gather3A_318 : vector<16xf32>
      %swap3A_333 = arith.constant 1 : i32
      %swap3A_334 = arith.index_cast %swap3A_333 : i32 to index
      %swap3A_335 = arith.index_cast %mul3A_308 : i32 to index
      %swap3A_336 = tpu.vector_load %arg14[%swap3A_334, %swap3A_335] {strides = array<i32>} : memref<2x4096xf32, #tpu.memory_space<vmem>>, vector<16xf32>,
      tpu.vector_store %arg14[%swap3A_334, %swap3A_335], %add3A_332 {strides = array<i32>} : memref<2x4096xf32, #tpu.memory_space<vmem>>, vector<16xf32>,
      %scan3A_337 = arith.constant 4 : i32
      %scan3A_338 = arith.addi %scan3A_215, %scan3A_337 : i32
      %mul3A_339 = arith.constant 16 : i32
      %mul3A_340 = arith.muli %scan3A_338, %mul3A_339 : i32
      %get3A_341 = arith.index_cast %mul3A_340 : i32 to index
      %get3A_342 = tpu.vector_load %arg12[%get3A_341] {strides = array<i32>} : memref<4096xi32, #tpu.memory_space<vmem>>, vector<16xi32>,
      %sub3A_343 = arith.constant 79488 : i32
      %sub3A_344 = vector.broadcast %sub3A_343 : i32 to vector<16xi32>
      %sub3A_345 = arith.subi %get3A_342, %sub3A_344 : vector<16xi32>
      %ge3A_346 = arith.constant 0 : i32
      %ge3A_347 = vector.broadcast %ge3A_346 : i32 to vector<16xi32>
      %ge3A_348 = arith.cmpi sge, %sub3A_345, %ge3A_347 : vector<16xi32>
      %gather3A_349 = tpu.vector_load_idx %arg11[%broadcast_in_dim3A_3, %sub3A_345] masked %ge3A_348 : memref<2x26496xf32, #tpu.memory_space<vmem>>[vector<16xi32>, vector<16xi32>], vector<16xf32>, vector<16xi1>
      %gather3A_350 = tpu.vector_load_idx %arg11[%broadcast_in_dim3A_5, %sub3A_345] masked %ge3A_348 : memref<2x26496xf32, #tpu.memory_space<vmem>>[vector<16xi32>, vector<16xi32>], vector<16xf32>, vector<16xi1>
      %get3A_351 = arith.constant 0 : i32
      %get3A_352 = arith.index_cast %get3A_351 : i32 to index
      %get3A_353 = arith.index_cast %mul3A_340 : i32 to index
      %get3A_354 = tpu.vector_load %arg14[%get3A_352, %get3A_353] {strides = array<i32>} : memref<2x4096xf32, #tpu.memory_space<vmem>>, vector<16xf32>,
      %add3A_355 = arith.addf %get3A_354, %gather3A_349 : vector<16xf32>
      %swap3A_356 = arith.constant 0 : i32
      %swap3A_357 = arith.index_cast %swap3A_356 : i32 to index
      %swap3A_358 = arith.index_cast %mul3A_340 : i32 to index
      %swap3A_359 = tpu.vector_load %arg14[%swap3A_357, %swap3A_358] {strides = array<i32>} : memref<2x4096xf32, #tpu.memory_space<vmem>>, vector<16xf32>,
      tpu.vector_store %arg14[%swap3A_357, %swap3A_358], %add3A_355 {strides = array<i32>} : memref<2x4096xf32, #tpu.memory_space<vmem>>, vector<16xf32>,
      %get3A_360 = arith.constant 1 : i32
      %get3A_361 = arith.index_cast %get3A_360 : i32 to index
      %get3A_362 = arith.index_cast %mul3A_340 : i32 to index
      %get3A_363 = tpu.vector_load %arg14[%get3A_361, %get3A_362] {strides = array<i32>} : memref<2x4096xf32, #tpu.memory_space<vmem>>, vector<16xf32>,
      %add3A_364 = arith.addf %get3A_363, %gather3A_350 : vector<16xf32>
      %swap3A_365 = arith.constant 1 : i32
      %swap3A_366 = arith.index_cast %swap3A_365 : i32 to index
      %swap3A_367 = arith.index_cast %mul3A_340 : i32 to index
      %swap3A_368 = tpu.vector_load %arg14[%swap3A_366, %swap3A_367] {strides = array<i32>} : memref<2x4096xf32, #tpu.memory_space<vmem>>, vector<16xf32>,
      tpu.vector_store %arg14[%swap3A_366, %swap3A_367], %add3A_364 {strides = array<i32>} : memref<2x4096xf32, #tpu.memory_space<vmem>>, vector<16xf32>,
      %scan3A_369 = arith.constant 5 : i32
      %scan3A_370 = arith.addi %scan3A_215, %scan3A_369 : i32
      %mul3A_371 = arith.constant 16 : i32
      %mul3A_372 = arith.muli %scan3A_370, %mul3A_371 : i32
      %get3A_373 = arith.index_cast %mul3A_372 : i32 to index
      %get3A_374 = tpu.vector_load %arg12[%get3A_373] {strides = array<i32>} : memref<4096xi32, #tpu.memory_space<vmem>>, vector<16xi32>,
      %sub3A_375 = arith.constant 79488 : i32
      %sub3A_376 = vector.broadcast %sub3A_375 : i32 to vector<16xi32>
      %sub3A_377 = arith.subi %get3A_374, %sub3A_376 : vector<16xi32>
      %ge3A_378 = arith.constant 0 : i32
      %ge3A_379 = vector.broadcast %ge3A_378 : i32 to vector<16xi32>
      %ge3A_380 = arith.cmpi sge, %sub3A_377, %ge3A_379 : vector<16xi32>
      %gather3A_381 = tpu.vector_load_idx %arg11[%broadcast_in_dim3A_3, %sub3A_377] masked %ge3A_380 : memref<2x26496xf32, #tpu.memory_space<vmem>>[vector<16xi32>, vector<16xi32>], vector<16xf32>, vector<16xi1>
      %gather3A_382 = tpu.vector_load_idx %arg11[%broadcast_in_dim3A_5, %sub3A_377] masked %ge3A_380 : memref<2x26496xf32, #tpu.memory_space<vmem>>[vector<16xi32>, vector<16xi32>], vector<16xf32>, vector<16xi1>
      %get3A_383 = arith.constant 0 : i32
      %get3A_384 = arith.index_cast %get3A_383 : i32 to index
      %get3A_385 = arith.index_cast %mul3A_372 : i32 to index
      %get3A_386 = tpu.vector_load %arg14[%get3A_384, %get3A_385] {strides = array<i32>} : memref<2x4096xf32, #tpu.memory_space<vmem>>, vector<16xf32>,
      %add3A_387 = arith.addf %get3A_386, %gather3A_381 : vector<16xf32>
      %swap3A_388 = arith.constant 0 : i32
      %swap3A_389 = arith.index_cast %swap3A_388 : i32 to index
      %swap3A_390 = arith.index_cast %mul3A_372 : i32 to index
      %swap3A_391 = tpu.vector_load %arg14[%swap3A_389, %swap3A_390] {strides = array<i32>} : memref<2x4096xf32, #tpu.memory_space<vmem>>, vector<16xf32>,
      tpu.vector_store %arg14[%swap3A_389, %swap3A_390], %add3A_387 {strides = array<i32>} : memref<2x4096xf32, #tpu.memory_space<vmem>>, vector<16xf32>,
      %get3A_392 = arith.constant 1 : i32
      %get3A_393 = arith.index_cast %get3A_392 : i32 to index
      %get3A_394 = arith.index_cast %mul3A_372 : i32 to index
      %get3A_395 = tpu.vector_load %arg14[%get3A_393, %get3A_394] {strides = array<i32>} : memref<2x4096xf32, #tpu.memory_space<vmem>>, vector<16xf32>,
      %add3A_396 = arith.addf %get3A_395, %gather3A_382 : vector<16xf32>
      %swap3A_397 = arith.constant 1 : i32
      %swap3A_398 = arith.index_cast %swap3A_397 : i32 to index
      %swap3A_399 = arith.index_cast %mul3A_372 : i32 to index
      %swap3A_400 = tpu.vector_load %arg14[%swap3A_398, %swap3A_399] {strides = array<i32>} : memref<2x4096xf32, #tpu.memory_space<vmem>>, vector<16xf32>,
      tpu.vector_store %arg14[%swap3A_398, %swap3A_399], %add3A_396 {strides = array<i32>} : memref<2x4096xf32, #tpu.memory_space<vmem>>, vector<16xf32>,
      %scan3A_401 = arith.constant 6 : i32
      %scan3A_402 = arith.addi %scan3A_215, %scan3A_401 : i32
      %mul3A_403 = arith.constant 16 : i32
      %mul3A_404 = arith.muli %scan3A_402, %mul3A_403 : i32
      %get3A_405 = arith.index_cast %mul3A_404 : i32 to index
      %get3A_406 = tpu.vector_load %arg12[%get3A_405] {strides = array<i32>} : memref<4096xi32, #tpu.memory_space<vmem>>, vector<16xi32>,
      %sub3A_407 = arith.constant 79488 : i32
      %sub3A_408 = vector.broadcast %sub3A_407 : i32 to vector<16xi32>
      %sub3A_409 = arith.subi %get3A_406, %sub3A_408 : vector<16xi32>
      %ge3A_410 = arith.constant 0 : i32
      %ge3A_411 = vector.broadcast %ge3A_410 : i32 to vector<16xi32>
      %ge3A_412 = arith.cmpi sge, %sub3A_409, %ge3A_411 : vector<16xi32>
      %gather3A_413 = tpu.vector_load_idx %arg11[%broadcast_in_dim3A_3, %sub3A_409] masked %ge3A_412 : memref<2x26496xf32, #tpu.memory_space<vmem>>[vector<16xi32>, vector<16xi32>], vector<16xf32>, vector<16xi1>
      %gather3A_414 = tpu.vector_load_idx %arg11[%broadcast_in_dim3A_5, %sub3A_409] masked %ge3A_412 : memref<2x26496xf32, #tpu.memory_space<vmem>>[vector<16xi32>, vector<16xi32>], vector<16xf32>, vector<16xi1>
      %get3A_415 = arith.constant 0 : i32
      %get3A_416 = arith.index_cast %get3A_415 : i32 to index
      %get3A_417 = arith.index_cast %mul3A_404 : i32 to index
      %get3A_418 = tpu.vector_load %arg14[%get3A_416, %get3A_417] {strides = array<i32>} : memref<2x4096xf32, #tpu.memory_space<vmem>>, vector<16xf32>,
      %add3A_419 = arith.addf %get3A_418, %gather3A_413 : vector<16xf32>
      %swap3A_420 = arith.constant 0 : i32
      %swap3A_421 = arith.index_cast %swap3A_420 : i32 to index
      %swap3A_422 = arith.index_cast %mul3A_404 : i32 to index
      %swap3A_423 = tpu.vector_load %arg14[%swap3A_421, %swap3A_422] {strides = array<i32>} : memref<2x4096xf32, #tpu.memory_space<vmem>>, vector<16xf32>,
      tpu.vector_store %arg14[%swap3A_421, %swap3A_422], %add3A_419 {strides = array<i32>} : memref<2x4096xf32, #tpu.memory_space<vmem>>, vector<16xf32>,
      %get3A_424 = arith.constant 1 : i32
      %get3A_425 = arith.index_cast %get3A_424 : i32 to index
      %get3A_426 = arith.index_cast %mul3A_404 : i32 to index
      %get3A_427 = tpu.vector_load %arg14[%get3A_425, %get3A_426] {strides = array<i32>} : memref<2x4096xf32, #tpu.memory_space<vmem>>, vector<16xf32>,
      %add3A_428 = arith.addf %get3A_427, %gather3A_414 : vector<16xf32>
      %swap3A_429 = arith.constant 1 : i32
      %swap3A_430 = arith.index_cast %swap3A_429 : i32 to index
      %swap3A_431 = arith.index_cast %mul3A_404 : i32 to index
      %swap3A_432 = tpu.vector_load %arg14[%swap3A_430, %swap3A_431] {strides = array<i32>} : memref<2x4096xf32, #tpu.memory_space<vmem>>, vector<16xf32>,
      tpu.vector_store %arg14[%swap3A_430, %swap3A_431], %add3A_428 {strides = array<i32>} : memref<2x4096xf32, #tpu.memory_space<vmem>>, vector<16xf32>,
      %scan3A_433 = arith.constant 7 : i32
      %scan3A_434 = arith.addi %scan3A_215, %scan3A_433 : i32
      %mul3A_435 = arith.constant 16 : i32
      %mul3A_436 = arith.muli %scan3A_434, %mul3A_435 : i32
      %get3A_437 = arith.index_cast %mul3A_436 : i32 to index
      %get3A_438 = tpu.vector_load %arg12[%get3A_437] {strides = array<i32>} : memref<4096xi32, #tpu.memory_space<vmem>>, vector<16xi32>,
      %sub3A_439 = arith.constant 79488 : i32
      %sub3A_440 = vector.broadcast %sub3A_439 : i32 to vector<16xi32>
      %sub3A_441 = arith.subi %get3A_438, %sub3A_440 : vector<16xi32>
      %ge3A_442 = arith.constant 0 : i32
      %ge3A_443 = vector.broadcast %ge3A_442 : i32 to vector<16xi32>
      %ge3A_444 = arith.cmpi sge, %sub3A_441, %ge3A_443 : vector<16xi32>
      %gather3A_445 = tpu.vector_load_idx %arg11[%broadcast_in_dim3A_3, %sub3A_441] masked %ge3A_444 : memref<2x26496xf32, #tpu.memory_space<vmem>>[vector<16xi32>, vector<16xi32>], vector<16xf32>, vector<16xi1>
      %gather3A_446 = tpu.vector_load_idx %arg11[%broadcast_in_dim3A_5, %sub3A_441] masked %ge3A_444 : memref<2x26496xf32, #tpu.memory_space<vmem>>[vector<16xi32>, vector<16xi32>], vector<16xf32>, vector<16xi1>
      %get3A_447 = arith.constant 0 : i32
      %get3A_448 = arith.index_cast %get3A_447 : i32 to index
      %get3A_449 = arith.index_cast %mul3A_436 : i32 to index
      %get3A_450 = tpu.vector_load %arg14[%get3A_448, %get3A_449] {strides = array<i32>} : memref<2x4096xf32, #tpu.memory_space<vmem>>, vector<16xf32>,
      %add3A_451 = arith.addf %get3A_450, %gather3A_445 : vector<16xf32>
      %swap3A_452 = arith.constant 0 : i32
      %swap3A_453 = arith.index_cast %swap3A_452 : i32 to index
      %swap3A_454 = arith.index_cast %mul3A_436 : i32 to index
      %swap3A_455 = tpu.vector_load %arg14[%swap3A_453, %swap3A_454] {strides = array<i32>} : memref<2x4096xf32, #tpu.memory_space<vmem>>, vector<16xf32>,
      tpu.vector_store %arg14[%swap3A_453, %swap3A_454], %add3A_451 {strides = array<i32>} : memref<2x4096xf32, #tpu.memory_space<vmem>>, vector<16xf32>,
      %get3A_456 = arith.constant 1 : i32
      %get3A_457 = arith.index_cast %get3A_456 : i32 to index
      %get3A_458 = arith.index_cast %mul3A_436 : i32 to index
      %get3A_459 = tpu.vector_load %arg14[%get3A_457, %get3A_458] {strides = array<i32>} : memref<2x4096xf32, #tpu.memory_space<vmem>>, vector<16xf32>,
      %add3A_460 = arith.addf %get3A_459, %gather3A_446 : vector<16xf32>
      %swap3A_461 = arith.constant 1 : i32
      %swap3A_462 = arith.index_cast %swap3A_461 : i32 to index
      %swap3A_463 = arith.index_cast %mul3A_436 : i32 to index
      %swap3A_464 = tpu.vector_load %arg14[%swap3A_462, %swap3A_463] {strides = array<i32>} : memref<2x4096xf32, #tpu.memory_space<vmem>>, vector<16xf32>,
      tpu.vector_store %arg14[%swap3A_462, %swap3A_463], %add3A_460 {strides = array<i32>} : memref<2x4096xf32, #tpu.memory_space<vmem>>, vector<16xf32>,
    }
    %scan3A_136 = arith.constant 256 : i32
    %dma_start3A_137 = arith.constant 0 : i32
    %dma_start3A_138 = tpu.memref_slice %arg8[%add3A, %dma_start3A_137] : memref<64x4096xf32, #tpu.memory_space<hbm>> -> memref<2x4096xf32, #tpu.memory_space<hbm>>
    %dma_start3A_139 = arith.constant 0 : i32
    %dma_start3A_140 = tpu.memref_slice %arg8[%add3A, %dma_start3A_139] : memref<64x4096xf32, #tpu.memory_space<hbm>> -> memref<2x4096xf32, #tpu.memory_space<hbm>>
    tpu.enqueue_dma source(%arg14 : memref<2x4096xf32, #tpu.memory_space<vmem>>) target(%dma_start3A_140 : memref<2x4096xf32, #tpu.memory_space<hbm>>) target_semaphore(%arg18 : memref<!tpu.dma_semaphore, #tpu.memory_space<semaphore_mem>>)
    %dma_start3A_141 = arith.constant 0 : i32
    %dma_start3A_142 = arith.constant 0 : i32
    %dma_start3A_143 = tpu.memref_slice %arg11[%dma_start3A_141, %dma_start3A_142] : memref<2x26496xf32, #tpu.memory_space<vmem>> -> memref<2x23424xf32, #tpu.memory_space<vmem>>
    %dma_start3A_144 = arith.constant 26496 : i32
    %dma_start3A_145 = tpu.memref_slice %arg3[%add3A, %dma_start3A_144] : memref<64x50000xf32, #tpu.memory_space<hbm>> -> memref<2x23424xf32, #tpu.memory_space<hbm>>
    %dma_start3A_146 = arith.constant 0 : i32
    %dma_start3A_147 = arith.constant 0 : i32
    %dma_start3A_148 = tpu.memref_slice %arg11[%dma_start3A_146, %dma_start3A_147] : memref<2x26496xf32, #tpu.memory_space<vmem>> -> memref<2x23424xf32, #tpu.memory_space<vmem>>
    %dma_start3A_149 = arith.constant 26496 : i32
    %dma_start3A_150 = tpu.memref_slice %arg3[%add3A, %dma_start3A_149] : memref<64x50000xf32, #tpu.memory_space<hbm>> -> memref<2x23424xf32, #tpu.memory_space<hbm>>
    tpu.enqueue_dma source(%dma_start3A_150 : memref<2x23424xf32, #tpu.memory_space<hbm>>) target(%dma_start3A_148 : memref<2x23424xf32, #tpu.memory_space<vmem>>) target_semaphore(%arg17 : memref<!tpu.dma_semaphore, #tpu.memory_space<semaphore_mem>>)
    %dma_start3A_151 = arith.constant 0 : i32
    %dma_start3A_152 = arith.constant 23424 : i32
    %dma_start3A_153 = tpu.memref_slice %arg11[%dma_start3A_151, %dma_start3A_152] : memref<2x26496xf32, #tpu.memory_space<vmem>> -> memref<2x128xf32, #tpu.memory_space<vmem>>
    %dma_start3A_154 = arith.constant 0 : i32
    %dma_start3A_155 = tpu.memref_slice %arg5[%add3A, %dma_start3A_154] : memref<64x128xf32, #tpu.memory_space<hbm>> -> memref<2x128xf32, #tpu.memory_space<hbm>>
    %dma_start3A_156 = arith.constant 0 : i32
    %dma_start3A_157 = arith.constant 23424 : i32
    %dma_start3A_158 = tpu.memref_slice %arg11[%dma_start3A_156, %dma_start3A_157] : memref<2x26496xf32, #tpu.memory_space<vmem>> -> memref<2x128xf32, #tpu.memory_space<vmem>>
    %dma_start3A_159 = arith.constant 0 : i32
    %dma_start3A_160 = tpu.memref_slice %arg5[%add3A, %dma_start3A_159] : memref<64x128xf32, #tpu.memory_space<hbm>> -> memref<2x128xf32, #tpu.memory_space<hbm>>
    tpu.enqueue_dma source(%dma_start3A_160 : memref<2x128xf32, #tpu.memory_space<hbm>>) target(%dma_start3A_158 : memref<2x128xf32, #tpu.memory_space<vmem>>) target_semaphore(%arg17 : memref<!tpu.dma_semaphore, #tpu.memory_space<semaphore_mem>>)
    %dma_wait3A_161 = arith.constant 0 : i32
    %dma_wait3A_162 = arith.constant 0 : i32
    %dma_wait3A_163 = tpu.memref_slice %arg10[%dma_wait3A_161, %dma_wait3A_162] : memref<2x26496xf32, #tpu.memory_space<vmem>> -> memref<2x26496xf32, #tpu.memory_space<vmem>>
    %dma_wait3A_164 = arith.constant 0 : i32
    %dma_wait3A_165 = tpu.memref_slice %arg3[%add3A, %dma_wait3A_164] : memref<64x50000xf32, #tpu.memory_space<hbm>> -> memref<2x26496xf32, #tpu.memory_space<hbm>>
    %dma_wait3A_166 = arith.constant 0 : i32
    %dma_wait3A_167 = arith.constant 0 : i32
    %dma_wait3A_168 = tpu.memref_slice %arg10[%dma_wait3A_166, %dma_wait3A_167] : memref<2x26496xf32, #tpu.memory_space<vmem>> -> memref<2x26496xf32, #tpu.memory_space<vmem>>
    %dma_wait3A_169 = arith.constant 0 : i32
    %dma_wait3A_170 = tpu.memref_slice %arg3[%add3A, %dma_wait3A_169] : memref<64x50000xf32, #tpu.memory_space<hbm>> -> memref<2x26496xf32, #tpu.memory_space<hbm>>
    tpu.wait_dma2 semaphore(%arg16 : memref<!tpu.dma_semaphore, #tpu.memory_space<semaphore_mem>>) src(%dma_wait3A_170 : memref<2x26496xf32, #tpu.memory_space<hbm>>) dst(%dma_wait3A_168 : memref<2x26496xf32, #tpu.memory_space<vmem>>)
    %scan3A_171 = arith.constant 0 : i32
    %scan3A_172 = arith.constant 0 : i32
    %scan3A_173 = arith.constant 256 : i32
    %scan3A_174 = arith.addi %scan3A_172, %scan3A_173 : i32
    %scan3A_175 = arith.constant 8 : i32
    scf.for %scan3A_215 = %scan3A_172 to %scan3A_174 step %scan3A_175  : i32 {
      %mul3A_216 = arith.constant 16 : i32
      %mul3A_217 = arith.muli %scan3A_215, %mul3A_216 : i32
      %get3A = arith.index_cast %mul3A_217 : i32 to index
      %get3A_218 = tpu.vector_load %arg13[%get3A] {strides = array<i32>} : memref<4096xi32, #tpu.memory_space<vmem>>, vector<16xi32>,
      %sub3A = arith.constant 0 : i32
      %sub3A_219 = vector.broadcast %sub3A : i32 to vector<16xi32>
      %sub3A_220 = arith.subi %get3A_218, %sub3A_219 : vector<16xi32>
      %lt3A = arith.constant 26496 : i32
      %lt3A_221 = vector.broadcast %lt3A : i32 to vector<16xi32>
      %lt3A_222 = arith.cmpi slt, %sub3A_220, %lt3A_221 : vector<16xi32>
      %gather3A = tpu.vector_load_idx %arg10[%broadcast_in_dim3A_3, %sub3A_220] masked %lt3A_222 : memref<2x26496xf32, #tpu.memory_space<vmem>>[vector<16xi32>, vector<16xi32>], vector<16xf32>, vector<16xi1>
      %gather3A_223 = tpu.vector_load_idx %arg10[%broadcast_in_dim3A_5, %sub3A_220] masked %lt3A_222 : memref<2x26496xf32, #tpu.memory_space<vmem>>[vector<16xi32>, vector<16xi32>], vector<16xf32>, vector<16xi1>
      %swap3A = arith.constant 0 : i32
      %swap3A_224 = arith.index_cast %swap3A : i32 to index
      %swap3A_225 = arith.index_cast %mul3A_217 : i32 to index
      %swap3A_226 = tpu.vector_load %arg15[%swap3A_224, %swap3A_225] {strides = array<i32>} : memref<2x4096xf32, #tpu.memory_space<vmem>>, vector<16xf32>,
      tpu.vector_store %arg15[%swap3A_224, %swap3A_225], %gather3A {strides = array<i32>} : memref<2x4096xf32, #tpu.memory_space<vmem>>, vector<16xf32>,
      %swap3A_227 = arith.constant 1 : i32
      %swap3A_228 = arith.index_cast %swap3A_227 : i32 to index
      %swap3A_229 = arith.index_cast %mul3A_217 : i32 to index
      %swap3A_230 = tpu.vector_load %arg15[%swap3A_228, %swap3A_229] {strides = array<i32>} : memref<2x4096xf32, #tpu.memory_space<vmem>>, vector<16xf32>,
      tpu.vector_store %arg15[%swap3A_228, %swap3A_229], %gather3A_223 {strides = array<i32>} : memref<2x4096xf32, #tpu.memory_space<vmem>>, vector<16xf32>,
      %scan3A_231 = arith.constant 1 : i32
      %scan3A_232 = arith.addi %scan3A_215, %scan3A_231 : i32
      %mul3A_233 = arith.constant 16 : i32
      %mul3A_234 = arith.muli %scan3A_232, %mul3A_233 : i32
      %get3A_235 = arith.index_cast %mul3A_234 : i32 to index
      %get3A_236 = tpu.vector_load %arg13[%get3A_235] {strides = array<i32>} : memref<4096xi32, #tpu.memory_space<vmem>>, vector<16xi32>,
      %sub3A_237 = arith.constant 0 : i32
      %sub3A_238 = vector.broadcast %sub3A_237 : i32 to vector<16xi32>
      %sub3A_239 = arith.subi %get3A_236, %sub3A_238 : vector<16xi32>
      %lt3A_240 = arith.constant 26496 : i32
      %lt3A_241 = vector.broadcast %lt3A_240 : i32 to vector<16xi32>
      %lt3A_242 = arith.cmpi slt, %sub3A_239, %lt3A_241 : vector<16xi32>
      %gather3A_243 = tpu.vector_load_idx %arg10[%broadcast_in_dim3A_3, %sub3A_239] masked %lt3A_242 : memref<2x26496xf32, #tpu.memory_space<vmem>>[vector<16xi32>, vector<16xi32>], vector<16xf32>, vector<16xi1>
      %gather3A_244 = tpu.vector_load_idx %arg10[%broadcast_in_dim3A_5, %sub3A_239] masked %lt3A_242 : memref<2x26496xf32, #tpu.memory_space<vmem>>[vector<16xi32>, vector<16xi32>], vector<16xf32>, vector<16xi1>
      %swap3A_245 = arith.constant 0 : i32
      %swap3A_246 = arith.index_cast %swap3A_245 : i32 to index
      %swap3A_247 = arith.index_cast %mul3A_234 : i32 to index
      %swap3A_248 = tpu.vector_load %arg15[%swap3A_246, %swap3A_247] {strides = array<i32>} : memref<2x4096xf32, #tpu.memory_space<vmem>>, vector<16xf32>,
      tpu.vector_store %arg15[%swap3A_246, %swap3A_247], %gather3A_243 {strides = array<i32>} : memref<2x4096xf32, #tpu.memory_space<vmem>>, vector<16xf32>,
      %swap3A_249 = arith.constant 1 : i32
      %swap3A_250 = arith.index_cast %swap3A_249 : i32 to index
      %swap3A_251 = arith.index_cast %mul3A_234 : i32 to index
      %swap3A_252 = tpu.vector_load %arg15[%swap3A_250, %swap3A_251] {strides = array<i32>} : memref<2x4096xf32, #tpu.memory_space<vmem>>, vector<16xf32>,
      tpu.vector_store %arg15[%swap3A_250, %swap3A_251], %gather3A_244 {strides = array<i32>} : memref<2x4096xf32, #tpu.memory_space<vmem>>, vector<16xf32>,
      %scan3A_253 = arith.constant 2 : i32
      %scan3A_254 = arith.addi %scan3A_215, %scan3A_253 : i32
      %mul3A_255 = arith.constant 16 : i32
      %mul3A_256 = arith.muli %scan3A_254, %mul3A_255 : i32
      %get3A_257 = arith.index_cast %mul3A_256 : i32 to index
      %get3A_258 = tpu.vector_load %arg13[%get3A_257] {strides = array<i32>} : memref<4096xi32, #tpu.memory_space<vmem>>, vector<16xi32>,
      %sub3A_259 = arith.constant 0 : i32
      %sub3A_260 = vector.broadcast %sub3A_259 : i32 to vector<16xi32>
      %sub3A_261 = arith.subi %get3A_258, %sub3A_260 : vector<16xi32>
      %lt3A_262 = arith.constant 26496 : i32
      %lt3A_263 = vector.broadcast %lt3A_262 : i32 to vector<16xi32>
      %lt3A_264 = arith.cmpi slt, %sub3A_261, %lt3A_263 : vector<16xi32>
      %gather3A_265 = tpu.vector_load_idx %arg10[%broadcast_in_dim3A_3, %sub3A_261] masked %lt3A_264 : memref<2x26496xf32, #tpu.memory_space<vmem>>[vector<16xi32>, vector<16xi32>], vector<16xf32>, vector<16xi1>
      %gather3A_266 = tpu.vector_load_idx %arg10[%broadcast_in_dim3A_5, %sub3A_261] masked %lt3A_264 : memref<2x26496xf32, #tpu.memory_space<vmem>>[vector<16xi32>, vector<16xi32>], vector<16xf32>, vector<16xi1>
      %swap3A_267 = arith.constant 0 : i32
      %swap3A_268 = arith.index_cast %swap3A_267 : i32 to index
      %swap3A_269 = arith.index_cast %mul3A_256 : i32 to index
      %swap3A_270 = tpu.vector_load %arg15[%swap3A_268, %swap3A_269] {strides = array<i32>} : memref<2x4096xf32, #tpu.memory_space<vmem>>, vector<16xf32>,
      tpu.vector_store %arg15[%swap3A_268, %swap3A_269], %gather3A_265 {strides = array<i32>} : memref<2x4096xf32, #tpu.memory_space<vmem>>, vector<16xf32>,
      %swap3A_271 = arith.constant 1 : i32
      %swap3A_272 = arith.index_cast %swap3A_271 : i32 to index
      %swap3A_273 = arith.index_cast %mul3A_256 : i32 to index
      %swap3A_274 = tpu.vector_load %arg15[%swap3A_272, %swap3A_273] {strides = array<i32>} : memref<2x4096xf32, #tpu.memory_space<vmem>>, vector<16xf32>,
      tpu.vector_store %arg15[%swap3A_272, %swap3A_273], %gather3A_266 {strides = array<i32>} : memref<2x4096xf32, #tpu.memory_space<vmem>>, vector<16xf32>,
      %scan3A_275 = arith.constant 3 : i32
      %scan3A_276 = arith.addi %scan3A_215, %scan3A_275 : i32
      %mul3A_277 = arith.constant 16 : i32
      %mul3A_278 = arith.muli %scan3A_276, %mul3A_277 : i32
      %get3A_279 = arith.index_cast %mul3A_278 : i32 to index
      %get3A_280 = tpu.vector_load %arg13[%get3A_279] {strides = array<i32>} : memref<4096xi32, #tpu.memory_space<vmem>>, vector<16xi32>,
      %sub3A_281 = arith.constant 0 : i32
      %sub3A_282 = vector.broadcast %sub3A_281 : i32 to vector<16xi32>
      %sub3A_283 = arith.subi %get3A_280, %sub3A_282 : vector<16xi32>
      %lt3A_284 = arith.constant 26496 : i32
      %lt3A_285 = vector.broadcast %lt3A_284 : i32 to vector<16xi32>
      %lt3A_286 = arith.cmpi slt, %sub3A_283, %lt3A_285 : vector<16xi32>
      %gather3A_287 = tpu.vector_load_idx %arg10[%broadcast_in_dim3A_3, %sub3A_283] masked %lt3A_286 : memref<2x26496xf32, #tpu.memory_space<vmem>>[vector<16xi32>, vector<16xi32>], vector<16xf32>, vector<16xi1>
      %gather3A_288 = tpu.vector_load_idx %arg10[%broadcast_in_dim3A_5, %sub3A_283] masked %lt3A_286 : memref<2x26496xf32, #tpu.memory_space<vmem>>[vector<16xi32>, vector<16xi32>], vector<16xf32>, vector<16xi1>
      %swap3A_289 = arith.constant 0 : i32
      %swap3A_290 = arith.index_cast %swap3A_289 : i32 to index
      %swap3A_291 = arith.index_cast %mul3A_278 : i32 to index
      %swap3A_292 = tpu.vector_load %arg15[%swap3A_290, %swap3A_291] {strides = array<i32>} : memref<2x4096xf32, #tpu.memory_space<vmem>>, vector<16xf32>,
      tpu.vector_store %arg15[%swap3A_290, %swap3A_291], %gather3A_287 {strides = array<i32>} : memref<2x4096xf32, #tpu.memory_space<vmem>>, vector<16xf32>,
      %swap3A_293 = arith.constant 1 : i32
      %swap3A_294 = arith.index_cast %swap3A_293 : i32 to index
      %swap3A_295 = arith.index_cast %mul3A_278 : i32 to index
      %swap3A_296 = tpu.vector_load %arg15[%swap3A_294, %swap3A_295] {strides = array<i32>} : memref<2x4096xf32, #tpu.memory_space<vmem>>, vector<16xf32>,
      tpu.vector_store %arg15[%swap3A_294, %swap3A_295], %gather3A_288 {strides = array<i32>} : memref<2x4096xf32, #tpu.memory_space<vmem>>, vector<16xf32>,
      %scan3A_297 = arith.constant 4 : i32
      %scan3A_298 = arith.addi %scan3A_215, %scan3A_297 : i32
      %mul3A_299 = arith.constant 16 : i32
      %mul3A_300 = arith.muli %scan3A_298, %mul3A_299 : i32
      %get3A_301 = arith.index_cast %mul3A_300 : i32 to index
      %get3A_302 = tpu.vector_load %arg13[%get3A_301] {strides = array<i32>} : memref<4096xi32, #tpu.memory_space<vmem>>, vector<16xi32>,
      %sub3A_303 = arith.constant 0 : i32
      %sub3A_304 = vector.broadcast %sub3A_303 : i32 to vector<16xi32>
      %sub3A_305 = arith.subi %get3A_302, %sub3A_304 : vector<16xi32>
      %lt3A_306 = arith.constant 26496 : i32
      %lt3A_307 = vector.broadcast %lt3A_306 : i32 to vector<16xi32>
      %lt3A_308 = arith.cmpi slt, %sub3A_305, %lt3A_307 : vector<16xi32>
      %gather3A_309 = tpu.vector_load_idx %arg10[%broadcast_in_dim3A_3, %sub3A_305] masked %lt3A_308 : memref<2x26496xf32, #tpu.memory_space<vmem>>[vector<16xi32>, vector<16xi32>], vector<16xf32>, vector<16xi1>
      %gather3A_310 = tpu.vector_load_idx %arg10[%broadcast_in_dim3A_5, %sub3A_305] masked %lt3A_308 : memref<2x26496xf32, #tpu.memory_space<vmem>>[vector<16xi32>, vector<16xi32>], vector<16xf32>, vector<16xi1>
      %swap3A_311 = arith.constant 0 : i32
      %swap3A_312 = arith.index_cast %swap3A_311 : i32 to index
      %swap3A_313 = arith.index_cast %mul3A_300 : i32 to index
      %swap3A_314 = tpu.vector_load %arg15[%swap3A_312, %swap3A_313] {strides = array<i32>} : memref<2x4096xf32, #tpu.memory_space<vmem>>, vector<16xf32>,
      tpu.vector_store %arg15[%swap3A_312, %swap3A_313], %gather3A_309 {strides = array<i32>} : memref<2x4096xf32, #tpu.memory_space<vmem>>, vector<16xf32>,
      %swap3A_315 = arith.constant 1 : i32
      %swap3A_316 = arith.index_cast %swap3A_315 : i32 to index
      %swap3A_317 = arith.index_cast %mul3A_300 : i32 to index
      %swap3A_318 = tpu.vector_load %arg15[%swap3A_316, %swap3A_317] {strides = array<i32>} : memref<2x4096xf32, #tpu.memory_space<vmem>>, vector<16xf32>,
      tpu.vector_store %arg15[%swap3A_316, %swap3A_317], %gather3A_310 {strides = array<i32>} : memref<2x4096xf32, #tpu.memory_space<vmem>>, vector<16xf32>,
      %scan3A_319 = arith.constant 5 : i32
      %scan3A_320 = arith.addi %scan3A_215, %scan3A_319 : i32
      %mul3A_321 = arith.constant 16 : i32
      %mul3A_322 = arith.muli %scan3A_320, %mul3A_321 : i32
      %get3A_323 = arith.index_cast %mul3A_322 : i32 to index
      %get3A_324 = tpu.vector_load %arg13[%get3A_323] {strides = array<i32>} : memref<4096xi32, #tpu.memory_space<vmem>>, vector<16xi32>,
      %sub3A_325 = arith.constant 0 : i32
      %sub3A_326 = vector.broadcast %sub3A_325 : i32 to vector<16xi32>
      %sub3A_327 = arith.subi %get3A_324, %sub3A_326 : vector<16xi32>
      %lt3A_328 = arith.constant 26496 : i32
      %lt3A_329 = vector.broadcast %lt3A_328 : i32 to vector<16xi32>
      %lt3A_330 = arith.cmpi slt, %sub3A_327, %lt3A_329 : vector<16xi32>
      %gather3A_331 = tpu.vector_load_idx %arg10[%broadcast_in_dim3A_3, %sub3A_327] masked %lt3A_330 : memref<2x26496xf32, #tpu.memory_space<vmem>>[vector<16xi32>, vector<16xi32>], vector<16xf32>, vector<16xi1>
      %gather3A_332 = tpu.vector_load_idx %arg10[%broadcast_in_dim3A_5, %sub3A_327] masked %lt3A_330 : memref<2x26496xf32, #tpu.memory_space<vmem>>[vector<16xi32>, vector<16xi32>], vector<16xf32>, vector<16xi1>
      %swap3A_333 = arith.constant 0 : i32
      %swap3A_334 = arith.index_cast %swap3A_333 : i32 to index
      %swap3A_335 = arith.index_cast %mul3A_322 : i32 to index
      %swap3A_336 = tpu.vector_load %arg15[%swap3A_334, %swap3A_335] {strides = array<i32>} : memref<2x4096xf32, #tpu.memory_space<vmem>>, vector<16xf32>,
      tpu.vector_store %arg15[%swap3A_334, %swap3A_335], %gather3A_331 {strides = array<i32>} : memref<2x4096xf32, #tpu.memory_space<vmem>>, vector<16xf32>,
      %swap3A_337 = arith.constant 1 : i32
      %swap3A_338 = arith.index_cast %swap3A_337 : i32 to index
      %swap3A_339 = arith.index_cast %mul3A_322 : i32 to index
      %swap3A_340 = tpu.vector_load %arg15[%swap3A_338, %swap3A_339] {strides = array<i32>} : memref<2x4096xf32, #tpu.memory_space<vmem>>, vector<16xf32>,
      tpu.vector_store %arg15[%swap3A_338, %swap3A_339], %gather3A_332 {strides = array<i32>} : memref<2x4096xf32, #tpu.memory_space<vmem>>, vector<16xf32>,
      %scan3A_341 = arith.constant 6 : i32
      %scan3A_342 = arith.addi %scan3A_215, %scan3A_341 : i32
      %mul3A_343 = arith.constant 16 : i32
      %mul3A_344 = arith.muli %scan3A_342, %mul3A_343 : i32
      %get3A_345 = arith.index_cast %mul3A_344 : i32 to index
      %get3A_346 = tpu.vector_load %arg13[%get3A_345] {strides = array<i32>} : memref<4096xi32, #tpu.memory_space<vmem>>, vector<16xi32>,
      %sub3A_347 = arith.constant 0 : i32
      %sub3A_348 = vector.broadcast %sub3A_347 : i32 to vector<16xi32>
      %sub3A_349 = arith.subi %get3A_346, %sub3A_348 : vector<16xi32>
      %lt3A_350 = arith.constant 26496 : i32
      %lt3A_351 = vector.broadcast %lt3A_350 : i32 to vector<16xi32>
      %lt3A_352 = arith.cmpi slt, %sub3A_349, %lt3A_351 : vector<16xi32>
      %gather3A_353 = tpu.vector_load_idx %arg10[%broadcast_in_dim3A_3, %sub3A_349] masked %lt3A_352 : memref<2x26496xf32, #tpu.memory_space<vmem>>[vector<16xi32>, vector<16xi32>], vector<16xf32>, vector<16xi1>
      %gather3A_354 = tpu.vector_load_idx %arg10[%broadcast_in_dim3A_5, %sub3A_349] masked %lt3A_352 : memref<2x26496xf32, #tpu.memory_space<vmem>>[vector<16xi32>, vector<16xi32>], vector<16xf32>, vector<16xi1>
      %swap3A_355 = arith.constant 0 : i32
      %swap3A_356 = arith.index_cast %swap3A_355 : i32 to index
      %swap3A_357 = arith.index_cast %mul3A_344 : i32 to index
      %swap3A_358 = tpu.vector_load %arg15[%swap3A_356, %swap3A_357] {strides = array<i32>} : memref<2x4096xf32, #tpu.memory_space<vmem>>, vector<16xf32>,
      tpu.vector_store %arg15[%swap3A_356, %swap3A_357], %gather3A_353 {strides = array<i32>} : memref<2x4096xf32, #tpu.memory_space<vmem>>, vector<16xf32>,
      %swap3A_359 = arith.constant 1 : i32
      %swap3A_360 = arith.index_cast %swap3A_359 : i32 to index
      %swap3A_361 = arith.index_cast %mul3A_344 : i32 to index
      %swap3A_362 = tpu.vector_load %arg15[%swap3A_360, %swap3A_361] {strides = array<i32>} : memref<2x4096xf32, #tpu.memory_space<vmem>>, vector<16xf32>,
      tpu.vector_store %arg15[%swap3A_360, %swap3A_361], %gather3A_354 {strides = array<i32>} : memref<2x4096xf32, #tpu.memory_space<vmem>>, vector<16xf32>,
      %scan3A_363 = arith.constant 7 : i32
      %scan3A_364 = arith.addi %scan3A_215, %scan3A_363 : i32
      %mul3A_365 = arith.constant 16 : i32
      %mul3A_366 = arith.muli %scan3A_364, %mul3A_365 : i32
      %get3A_367 = arith.index_cast %mul3A_366 : i32 to index
      %get3A_368 = tpu.vector_load %arg13[%get3A_367] {strides = array<i32>} : memref<4096xi32, #tpu.memory_space<vmem>>, vector<16xi32>,
      %sub3A_369 = arith.constant 0 : i32
      %sub3A_370 = vector.broadcast %sub3A_369 : i32 to vector<16xi32>
      %sub3A_371 = arith.subi %get3A_368, %sub3A_370 : vector<16xi32>
      %lt3A_372 = arith.constant 26496 : i32
      %lt3A_373 = vector.broadcast %lt3A_372 : i32 to vector<16xi32>
      %lt3A_374 = arith.cmpi slt, %sub3A_371, %lt3A_373 : vector<16xi32>
      %gather3A_375 = tpu.vector_load_idx %arg10[%broadcast_in_dim3A_3, %sub3A_371] masked %lt3A_374 : memref<2x26496xf32, #tpu.memory_space<vmem>>[vector<16xi32>, vector<16xi32>], vector<16xf32>, vector<16xi1>
      %gather3A_376 = tpu.vector_load_idx %arg10[%broadcast_in_dim3A_5, %sub3A_371] masked %lt3A_374 : memref<2x26496xf32, #tpu.memory_space<vmem>>[vector<16xi32>, vector<16xi32>], vector<16xf32>, vector<16xi1>
      %swap3A_377 = arith.constant 0 : i32
      %swap3A_378 = arith.index_cast %swap3A_377 : i32 to index
      %swap3A_379 = arith.index_cast %mul3A_366 : i32 to index
      %swap3A_380 = tpu.vector_load %arg15[%swap3A_378, %swap3A_379] {strides = array<i32>} : memref<2x4096xf32, #tpu.memory_space<vmem>>, vector<16xf32>,
      tpu.vector_store %arg15[%swap3A_378, %swap3A_379], %gather3A_375 {strides = array<i32>} : memref<2x4096xf32, #tpu.memory_space<vmem>>, vector<16xf32>,
      %swap3A_381 = arith.constant 1 : i32
      %swap3A_382 = arith.index_cast %swap3A_381 : i32 to index
      %swap3A_383 = arith.index_cast %mul3A_366 : i32 to index
      %swap3A_384 = tpu.vector_load %arg15[%swap3A_382, %swap3A_383] {strides = array<i32>} : memref<2x4096xf32, #tpu.memory_space<vmem>>, vector<16xf32>,
      tpu.vector_store %arg15[%swap3A_382, %swap3A_383], %gather3A_376 {strides = array<i32>} : memref<2x4096xf32, #tpu.memory_space<vmem>>, vector<16xf32>,
    }
    %scan3A_176 = arith.constant 256 : i32
    %dma_wait3A_177 = arith.constant 0 : i32
    %dma_wait3A_178 = arith.constant 0 : i32
    %dma_wait3A_179 = tpu.memref_slice %arg11[%dma_wait3A_177, %dma_wait3A_178] : memref<2x26496xf32, #tpu.memory_space<vmem>> -> memref<2x23424xf32, #tpu.memory_space<vmem>>
    %dma_wait3A_180 = arith.constant 26496 : i32
    %dma_wait3A_181 = tpu.memref_slice %arg3[%add3A, %dma_wait3A_180] : memref<64x50000xf32, #tpu.memory_space<hbm>> -> memref<2x23424xf32, #tpu.memory_space<hbm>>
    %dma_wait3A_182 = arith.constant 0 : i32
    %dma_wait3A_183 = arith.constant 0 : i32
    %dma_wait3A_184 = tpu.memref_slice %arg11[%dma_wait3A_182, %dma_wait3A_183] : memref<2x26496xf32, #tpu.memory_space<vmem>> -> memref<2x23424xf32, #tpu.memory_space<vmem>>
    %dma_wait3A_185 = arith.constant 26496 : i32
    %dma_wait3A_186 = tpu.memref_slice %arg3[%add3A, %dma_wait3A_185] : memref<64x50000xf32, #tpu.memory_space<hbm>> -> memref<2x23424xf32, #tpu.memory_space<hbm>>
    tpu.wait_dma2 semaphore(%arg17 : memref<!tpu.dma_semaphore, #tpu.memory_space<semaphore_mem>>) src(%dma_wait3A_186 : memref<2x23424xf32, #tpu.memory_space<hbm>>) dst(%dma_wait3A_184 : memref<2x23424xf32, #tpu.memory_space<vmem>>)
    %dma_wait3A_187 = arith.constant 0 : i32
    %dma_wait3A_188 = arith.constant 23424 : i32
    %dma_wait3A_189 = tpu.memref_slice %arg11[%dma_wait3A_187, %dma_wait3A_188] : memref<2x26496xf32, #tpu.memory_space<vmem>> -> memref<2x128xf32, #tpu.memory_space<vmem>>
    %dma_wait3A_190 = arith.constant 0 : i32
    %dma_wait3A_191 = tpu.memref_slice %arg5[%add3A, %dma_wait3A_190] : memref<64x128xf32, #tpu.memory_space<hbm>> -> memref<2x128xf32, #tpu.memory_space<hbm>>
    %dma_wait3A_192 = arith.constant 0 : i32
    %dma_wait3A_193 = arith.constant 23424 : i32
    %dma_wait3A_194 = tpu.memref_slice %arg11[%dma_wait3A_192, %dma_wait3A_193] : memref<2x26496xf32, #tpu.memory_space<vmem>> -> memref<2x128xf32, #tpu.memory_space<vmem>>
    %dma_wait3A_195 = arith.constant 0 : i32
    %dma_wait3A_196 = tpu.memref_slice %arg5[%add3A, %dma_wait3A_195] : memref<64x128xf32, #tpu.memory_space<hbm>> -> memref<2x128xf32, #tpu.memory_space<hbm>>
    tpu.wait_dma2 semaphore(%arg17 : memref<!tpu.dma_semaphore, #tpu.memory_space<semaphore_mem>>) src(%dma_wait3A_196 : memref<2x128xf32, #tpu.memory_space<hbm>>) dst(%dma_wait3A_194 : memref<2x128xf32, #tpu.memory_space<vmem>>)
    %scan3A_197 = arith.constant 0 : i32
    %scan3A_198 = arith.constant 0 : i32
    %scan3A_199 = arith.constant 256 : i32
    %scan3A_200 = arith.addi %scan3A_198, %scan3A_199 : i32
    %scan3A_201 = arith.constant 8 : i32
    scf.for %scan3A_215 = %scan3A_198 to %scan3A_200 step %scan3A_201  : i32 {
      %mul3A_216 = arith.constant 16 : i32
      %mul3A_217 = arith.muli %scan3A_215, %mul3A_216 : i32
      %get3A = arith.index_cast %mul3A_217 : i32 to index
      %get3A_218 = tpu.vector_load %arg13[%get3A] {strides = array<i32>} : memref<4096xi32, #tpu.memory_space<vmem>>, vector<16xi32>,
      %sub3A = arith.constant 26496 : i32
      %sub3A_219 = vector.broadcast %sub3A : i32 to vector<16xi32>
      %sub3A_220 = arith.subi %get3A_218, %sub3A_219 : vector<16xi32>
      %ge3A = arith.constant 0 : i32
      %ge3A_221 = vector.broadcast %ge3A : i32 to vector<16xi32>
      %ge3A_222 = arith.cmpi sge, %sub3A_220, %ge3A_221 : vector<16xi32>
      %gather3A = tpu.vector_load_idx %arg11[%broadcast_in_dim3A_3, %sub3A_220] masked %ge3A_222 : memref<2x26496xf32, #tpu.memory_space<vmem>>[vector<16xi32>, vector<16xi32>], vector<16xf32>, vector<16xi1>
      %gather3A_223 = tpu.vector_load_idx %arg11[%broadcast_in_dim3A_5, %sub3A_220] masked %ge3A_222 : memref<2x26496xf32, #tpu.memory_space<vmem>>[vector<16xi32>, vector<16xi32>], vector<16xf32>, vector<16xi1>
      %get3A_224 = arith.constant 0 : i32
      %get3A_225 = arith.index_cast %get3A_224 : i32 to index
      %get3A_226 = arith.index_cast %mul3A_217 : i32 to index
      %get3A_227 = tpu.vector_load %arg15[%get3A_225, %get3A_226] {strides = array<i32>} : memref<2x4096xf32, #tpu.memory_space<vmem>>, vector<16xf32>,
      %add3A_228 = arith.addf %get3A_227, %gather3A : vector<16xf32>
      %swap3A = arith.constant 0 : i32
      %swap3A_229 = arith.index_cast %swap3A : i32 to index
      %swap3A_230 = arith.index_cast %mul3A_217 : i32 to index
      %swap3A_231 = tpu.vector_load %arg15[%swap3A_229, %swap3A_230] {strides = array<i32>} : memref<2x4096xf32, #tpu.memory_space<vmem>>, vector<16xf32>,
      tpu.vector_store %arg15[%swap3A_229, %swap3A_230], %add3A_228 {strides = array<i32>} : memref<2x4096xf32, #tpu.memory_space<vmem>>, vector<16xf32>,
      %get3A_232 = arith.constant 1 : i32
      %get3A_233 = arith.index_cast %get3A_232 : i32 to index
      %get3A_234 = arith.index_cast %mul3A_217 : i32 to index
      %get3A_235 = tpu.vector_load %arg15[%get3A_233, %get3A_234] {strides = array<i32>} : memref<2x4096xf32, #tpu.memory_space<vmem>>, vector<16xf32>,
      %add3A_236 = arith.addf %get3A_235, %gather3A_223 : vector<16xf32>
      %swap3A_237 = arith.constant 1 : i32
      %swap3A_238 = arith.index_cast %swap3A_237 : i32 to index
      %swap3A_239 = arith.index_cast %mul3A_217 : i32 to index
      %swap3A_240 = tpu.vector_load %arg15[%swap3A_238, %swap3A_239] {strides = array<i32>} : memref<2x4096xf32, #tpu.memory_space<vmem>>, vector<16xf32>,
      tpu.vector_store %arg15[%swap3A_238, %swap3A_239], %add3A_236 {strides = array<i32>} : memref<2x4096xf32, #tpu.memory_space<vmem>>, vector<16xf32>,
      %scan3A_241 = arith.constant 1 : i32
      %scan3A_242 = arith.addi %scan3A_215, %scan3A_241 : i32
      %mul3A_243 = arith.constant 16 : i32
      %mul3A_244 = arith.muli %scan3A_242, %mul3A_243 : i32
      %get3A_245 = arith.index_cast %mul3A_244 : i32 to index
      %get3A_246 = tpu.vector_load %arg13[%get3A_245] {strides = array<i32>} : memref<4096xi32, #tpu.memory_space<vmem>>, vector<16xi32>,
      %sub3A_247 = arith.constant 26496 : i32
      %sub3A_248 = vector.broadcast %sub3A_247 : i32 to vector<16xi32>
      %sub3A_249 = arith.subi %get3A_246, %sub3A_248 : vector<16xi32>
      %ge3A_250 = arith.constant 0 : i32
      %ge3A_251 = vector.broadcast %ge3A_250 : i32 to vector<16xi32>
      %ge3A_252 = arith.cmpi sge, %sub3A_249, %ge3A_251 : vector<16xi32>
      %gather3A_253 = tpu.vector_load_idx %arg11[%broadcast_in_dim3A_3, %sub3A_249] masked %ge3A_252 : memref<2x26496xf32, #tpu.memory_space<vmem>>[vector<16xi32>, vector<16xi32>], vector<16xf32>, vector<16xi1>
      %gather3A_254 = tpu.vector_load_idx %arg11[%broadcast_in_dim3A_5, %sub3A_249] masked %ge3A_252 : memref<2x26496xf32, #tpu.memory_space<vmem>>[vector<16xi32>, vector<16xi32>], vector<16xf32>, vector<16xi1>
      %get3A_255 = arith.constant 0 : i32
      %get3A_256 = arith.index_cast %get3A_255 : i32 to index
      %get3A_257 = arith.index_cast %mul3A_244 : i32 to index
      %get3A_258 = tpu.vector_load %arg15[%get3A_256, %get3A_257] {strides = array<i32>} : memref<2x4096xf32, #tpu.memory_space<vmem>>, vector<16xf32>,
      %add3A_259 = arith.addf %get3A_258, %gather3A_253 : vector<16xf32>
      %swap3A_260 = arith.constant 0 : i32
      %swap3A_261 = arith.index_cast %swap3A_260 : i32 to index
      %swap3A_262 = arith.index_cast %mul3A_244 : i32 to index
      %swap3A_263 = tpu.vector_load %arg15[%swap3A_261, %swap3A_262] {strides = array<i32>} : memref<2x4096xf32, #tpu.memory_space<vmem>>, vector<16xf32>,
      tpu.vector_store %arg15[%swap3A_261, %swap3A_262], %add3A_259 {strides = array<i32>} : memref<2x4096xf32, #tpu.memory_space<vmem>>, vector<16xf32>,
      %get3A_264 = arith.constant 1 : i32
      %get3A_265 = arith.index_cast %get3A_264 : i32 to index
      %get3A_266 = arith.index_cast %mul3A_244 : i32 to index
      %get3A_267 = tpu.vector_load %arg15[%get3A_265, %get3A_266] {strides = array<i32>} : memref<2x4096xf32, #tpu.memory_space<vmem>>, vector<16xf32>,
      %add3A_268 = arith.addf %get3A_267, %gather3A_254 : vector<16xf32>
      %swap3A_269 = arith.constant 1 : i32
      %swap3A_270 = arith.index_cast %swap3A_269 : i32 to index
      %swap3A_271 = arith.index_cast %mul3A_244 : i32 to index
      %swap3A_272 = tpu.vector_load %arg15[%swap3A_270, %swap3A_271] {strides = array<i32>} : memref<2x4096xf32, #tpu.memory_space<vmem>>, vector<16xf32>,
      tpu.vector_store %arg15[%swap3A_270, %swap3A_271], %add3A_268 {strides = array<i32>} : memref<2x4096xf32, #tpu.memory_space<vmem>>, vector<16xf32>,
      %scan3A_273 = arith.constant 2 : i32
      %scan3A_274 = arith.addi %scan3A_215, %scan3A_273 : i32
      %mul3A_275 = arith.constant 16 : i32
      %mul3A_276 = arith.muli %scan3A_274, %mul3A_275 : i32
      %get3A_277 = arith.index_cast %mul3A_276 : i32 to index
      %get3A_278 = tpu.vector_load %arg13[%get3A_277] {strides = array<i32>} : memref<4096xi32, #tpu.memory_space<vmem>>, vector<16xi32>,
      %sub3A_279 = arith.constant 26496 : i32
      %sub3A_280 = vector.broadcast %sub3A_279 : i32 to vector<16xi32>
      %sub3A_281 = arith.subi %get3A_278, %sub3A_280 : vector<16xi32>
      %ge3A_282 = arith.constant 0 : i32
      %ge3A_283 = vector.broadcast %ge3A_282 : i32 to vector<16xi32>
      %ge3A_284 = arith.cmpi sge, %sub3A_281, %ge3A_283 : vector<16xi32>
      %gather3A_285 = tpu.vector_load_idx %arg11[%broadcast_in_dim3A_3, %sub3A_281] masked %ge3A_284 : memref<2x26496xf32, #tpu.memory_space<vmem>>[vector<16xi32>, vector<16xi32>], vector<16xf32>, vector<16xi1>
      %gather3A_286 = tpu.vector_load_idx %arg11[%broadcast_in_dim3A_5, %sub3A_281] masked %ge3A_284 : memref<2x26496xf32, #tpu.memory_space<vmem>>[vector<16xi32>, vector<16xi32>], vector<16xf32>, vector<16xi1>
      %get3A_287 = arith.constant 0 : i32
      %get3A_288 = arith.index_cast %get3A_287 : i32 to index
      %get3A_289 = arith.index_cast %mul3A_276 : i32 to index
      %get3A_290 = tpu.vector_load %arg15[%get3A_288, %get3A_289] {strides = array<i32>} : memref<2x4096xf32, #tpu.memory_space<vmem>>, vector<16xf32>,
      %add3A_291 = arith.addf %get3A_290, %gather3A_285 : vector<16xf32>
      %swap3A_292 = arith.constant 0 : i32
      %swap3A_293 = arith.index_cast %swap3A_292 : i32 to index
      %swap3A_294 = arith.index_cast %mul3A_276 : i32 to index
      %swap3A_295 = tpu.vector_load %arg15[%swap3A_293, %swap3A_294] {strides = array<i32>} : memref<2x4096xf32, #tpu.memory_space<vmem>>, vector<16xf32>,
      tpu.vector_store %arg15[%swap3A_293, %swap3A_294], %add3A_291 {strides = array<i32>} : memref<2x4096xf32, #tpu.memory_space<vmem>>, vector<16xf32>,
      %get3A_296 = arith.constant 1 : i32
      %get3A_297 = arith.index_cast %get3A_296 : i32 to index
      %get3A_298 = arith.index_cast %mul3A_276 : i32 to index
      %get3A_299 = tpu.vector_load %arg15[%get3A_297, %get3A_298] {strides = array<i32>} : memref<2x4096xf32, #tpu.memory_space<vmem>>, vector<16xf32>,
      %add3A_300 = arith.addf %get3A_299, %gather3A_286 : vector<16xf32>
      %swap3A_301 = arith.constant 1 : i32
      %swap3A_302 = arith.index_cast %swap3A_301 : i32 to index
      %swap3A_303 = arith.index_cast %mul3A_276 : i32 to index
      %swap3A_304 = tpu.vector_load %arg15[%swap3A_302, %swap3A_303] {strides = array<i32>} : memref<2x4096xf32, #tpu.memory_space<vmem>>, vector<16xf32>,
      tpu.vector_store %arg15[%swap3A_302, %swap3A_303], %add3A_300 {strides = array<i32>} : memref<2x4096xf32, #tpu.memory_space<vmem>>, vector<16xf32>,
      %scan3A_305 = arith.constant 3 : i32
      %scan3A_306 = arith.addi %scan3A_215, %scan3A_305 : i32
      %mul3A_307 = arith.constant 16 : i32
      %mul3A_308 = arith.muli %scan3A_306, %mul3A_307 : i32
      %get3A_309 = arith.index_cast %mul3A_308 : i32 to index
      %get3A_310 = tpu.vector_load %arg13[%get3A_309] {strides = array<i32>} : memref<4096xi32, #tpu.memory_space<vmem>>, vector<16xi32>,
      %sub3A_311 = arith.constant 26496 : i32
      %sub3A_312 = vector.broadcast %sub3A_311 : i32 to vector<16xi32>
      %sub3A_313 = arith.subi %get3A_310, %sub3A_312 : vector<16xi32>
      %ge3A_314 = arith.constant 0 : i32
      %ge3A_315 = vector.broadcast %ge3A_314 : i32 to vector<16xi32>
      %ge3A_316 = arith.cmpi sge, %sub3A_313, %ge3A_315 : vector<16xi32>
      %gather3A_317 = tpu.vector_load_idx %arg11[%broadcast_in_dim3A_3, %sub3A_313] masked %ge3A_316 : memref<2x26496xf32, #tpu.memory_space<vmem>>[vector<16xi32>, vector<16xi32>], vector<16xf32>, vector<16xi1>
      %gather3A_318 = tpu.vector_load_idx %arg11[%broadcast_in_dim3A_5, %sub3A_313] masked %ge3A_316 : memref<2x26496xf32, #tpu.memory_space<vmem>>[vector<16xi32>, vector<16xi32>], vector<16xf32>, vector<16xi1>
      %get3A_319 = arith.constant 0 : i32
      %get3A_320 = arith.index_cast %get3A_319 : i32 to index
      %get3A_321 = arith.index_cast %mul3A_308 : i32 to index
      %get3A_322 = tpu.vector_load %arg15[%get3A_320, %get3A_321] {strides = array<i32>} : memref<2x4096xf32, #tpu.memory_space<vmem>>, vector<16xf32>,
      %add3A_323 = arith.addf %get3A_322, %gather3A_317 : vector<16xf32>
      %swap3A_324 = arith.constant 0 : i32
      %swap3A_325 = arith.index_cast %swap3A_324 : i32 to index
      %swap3A_326 = arith.index_cast %mul3A_308 : i32 to index
      %swap3A_327 = tpu.vector_load %arg15[%swap3A_325, %swap3A_326] {strides = array<i32>} : memref<2x4096xf32, #tpu.memory_space<vmem>>, vector<16xf32>,
      tpu.vector_store %arg15[%swap3A_325, %swap3A_326], %add3A_323 {strides = array<i32>} : memref<2x4096xf32, #tpu.memory_space<vmem>>, vector<16xf32>,
      %get3A_328 = arith.constant 1 : i32
      %get3A_329 = arith.index_cast %get3A_328 : i32 to index
      %get3A_330 = arith.index_cast %mul3A_308 : i32 to index
      %get3A_331 = tpu.vector_load %arg15[%get3A_329, %get3A_330] {strides = array<i32>} : memref<2x4096xf32, #tpu.memory_space<vmem>>, vector<16xf32>,
      %add3A_332 = arith.addf %get3A_331, %gather3A_318 : vector<16xf32>
      %swap3A_333 = arith.constant 1 : i32
      %swap3A_334 = arith.index_cast %swap3A_333 : i32 to index
      %swap3A_335 = arith.index_cast %mul3A_308 : i32 to index
      %swap3A_336 = tpu.vector_load %arg15[%swap3A_334, %swap3A_335] {strides = array<i32>} : memref<2x4096xf32, #tpu.memory_space<vmem>>, vector<16xf32>,
      tpu.vector_store %arg15[%swap3A_334, %swap3A_335], %add3A_332 {strides = array<i32>} : memref<2x4096xf32, #tpu.memory_space<vmem>>, vector<16xf32>,
      %scan3A_337 = arith.constant 4 : i32
      %scan3A_338 = arith.addi %scan3A_215, %scan3A_337 : i32
      %mul3A_339 = arith.constant 16 : i32
      %mul3A_340 = arith.muli %scan3A_338, %mul3A_339 : i32
      %get3A_341 = arith.index_cast %mul3A_340 : i32 to index
      %get3A_342 = tpu.vector_load %arg13[%get3A_341] {strides = array<i32>} : memref<4096xi32, #tpu.memory_space<vmem>>, vector<16xi32>,
      %sub3A_343 = arith.constant 26496 : i32
      %sub3A_344 = vector.broadcast %sub3A_343 : i32 to vector<16xi32>
      %sub3A_345 = arith.subi %get3A_342, %sub3A_344 : vector<16xi32>
      %ge3A_346 = arith.constant 0 : i32
      %ge3A_347 = vector.broadcast %ge3A_346 : i32 to vector<16xi32>
      %ge3A_348 = arith.cmpi sge, %sub3A_345, %ge3A_347 : vector<16xi32>
      %gather3A_349 = tpu.vector_load_idx %arg11[%broadcast_in_dim3A_3, %sub3A_345] masked %ge3A_348 : memref<2x26496xf32, #tpu.memory_space<vmem>>[vector<16xi32>, vector<16xi32>], vector<16xf32>, vector<16xi1>
      %gather3A_350 = tpu.vector_load_idx %arg11[%broadcast_in_dim3A_5, %sub3A_345] masked %ge3A_348 : memref<2x26496xf32, #tpu.memory_space<vmem>>[vector<16xi32>, vector<16xi32>], vector<16xf32>, vector<16xi1>
      %get3A_351 = arith.constant 0 : i32
      %get3A_352 = arith.index_cast %get3A_351 : i32 to index
      %get3A_353 = arith.index_cast %mul3A_340 : i32 to index
      %get3A_354 = tpu.vector_load %arg15[%get3A_352, %get3A_353] {strides = array<i32>} : memref<2x4096xf32, #tpu.memory_space<vmem>>, vector<16xf32>,
      %add3A_355 = arith.addf %get3A_354, %gather3A_349 : vector<16xf32>
      %swap3A_356 = arith.constant 0 : i32
      %swap3A_357 = arith.index_cast %swap3A_356 : i32 to index
      %swap3A_358 = arith.index_cast %mul3A_340 : i32 to index
      %swap3A_359 = tpu.vector_load %arg15[%swap3A_357, %swap3A_358] {strides = array<i32>} : memref<2x4096xf32, #tpu.memory_space<vmem>>, vector<16xf32>,
      tpu.vector_store %arg15[%swap3A_357, %swap3A_358], %add3A_355 {strides = array<i32>} : memref<2x4096xf32, #tpu.memory_space<vmem>>, vector<16xf32>,
      %get3A_360 = arith.constant 1 : i32
      %get3A_361 = arith.index_cast %get3A_360 : i32 to index
      %get3A_362 = arith.index_cast %mul3A_340 : i32 to index
      %get3A_363 = tpu.vector_load %arg15[%get3A_361, %get3A_362] {strides = array<i32>} : memref<2x4096xf32, #tpu.memory_space<vmem>>, vector<16xf32>,
      %add3A_364 = arith.addf %get3A_363, %gather3A_350 : vector<16xf32>
      %swap3A_365 = arith.constant 1 : i32
      %swap3A_366 = arith.index_cast %swap3A_365 : i32 to index
      %swap3A_367 = arith.index_cast %mul3A_340 : i32 to index
      %swap3A_368 = tpu.vector_load %arg15[%swap3A_366, %swap3A_367] {strides = array<i32>} : memref<2x4096xf32, #tpu.memory_space<vmem>>, vector<16xf32>,
      tpu.vector_store %arg15[%swap3A_366, %swap3A_367], %add3A_364 {strides = array<i32>} : memref<2x4096xf32, #tpu.memory_space<vmem>>, vector<16xf32>,
      %scan3A_369 = arith.constant 5 : i32
      %scan3A_370 = arith.addi %scan3A_215, %scan3A_369 : i32
      %mul3A_371 = arith.constant 16 : i32
      %mul3A_372 = arith.muli %scan3A_370, %mul3A_371 : i32
      %get3A_373 = arith.index_cast %mul3A_372 : i32 to index
      %get3A_374 = tpu.vector_load %arg13[%get3A_373] {strides = array<i32>} : memref<4096xi32, #tpu.memory_space<vmem>>, vector<16xi32>,
      %sub3A_375 = arith.constant 26496 : i32
      %sub3A_376 = vector.broadcast %sub3A_375 : i32 to vector<16xi32>
      %sub3A_377 = arith.subi %get3A_374, %sub3A_376 : vector<16xi32>
      %ge3A_378 = arith.constant 0 : i32
      %ge3A_379 = vector.broadcast %ge3A_378 : i32 to vector<16xi32>
      %ge3A_380 = arith.cmpi sge, %sub3A_377, %ge3A_379 : vector<16xi32>
      %gather3A_381 = tpu.vector_load_idx %arg11[%broadcast_in_dim3A_3, %sub3A_377] masked %ge3A_380 : memref<2x26496xf32, #tpu.memory_space<vmem>>[vector<16xi32>, vector<16xi32>], vector<16xf32>, vector<16xi1>
      %gather3A_382 = tpu.vector_load_idx %arg11[%broadcast_in_dim3A_5, %sub3A_377] masked %ge3A_380 : memref<2x26496xf32, #tpu.memory_space<vmem>>[vector<16xi32>, vector<16xi32>], vector<16xf32>, vector<16xi1>
      %get3A_383 = arith.constant 0 : i32
      %get3A_384 = arith.index_cast %get3A_383 : i32 to index
      %get3A_385 = arith.index_cast %mul3A_372 : i32 to index
      %get3A_386 = tpu.vector_load %arg15[%get3A_384, %get3A_385] {strides = array<i32>} : memref<2x4096xf32, #tpu.memory_space<vmem>>, vector<16xf32>,
      %add3A_387 = arith.addf %get3A_386, %gather3A_381 : vector<16xf32>
      %swap3A_388 = arith.constant 0 : i32
      %swap3A_389 = arith.index_cast %swap3A_388 : i32 to index
      %swap3A_390 = arith.index_cast %mul3A_372 : i32 to index
      %swap3A_391 = tpu.vector_load %arg15[%swap3A_389, %swap3A_390] {strides = array<i32>} : memref<2x4096xf32, #tpu.memory_space<vmem>>, vector<16xf32>,
      tpu.vector_store %arg15[%swap3A_389, %swap3A_390], %add3A_387 {strides = array<i32>} : memref<2x4096xf32, #tpu.memory_space<vmem>>, vector<16xf32>,
      %get3A_392 = arith.constant 1 : i32
      %get3A_393 = arith.index_cast %get3A_392 : i32 to index
      %get3A_394 = arith.index_cast %mul3A_372 : i32 to index
      %get3A_395 = tpu.vector_load %arg15[%get3A_393, %get3A_394] {strides = array<i32>} : memref<2x4096xf32, #tpu.memory_space<vmem>>, vector<16xf32>,
      %add3A_396 = arith.addf %get3A_395, %gather3A_382 : vector<16xf32>
      %swap3A_397 = arith.constant 1 : i32
      %swap3A_398 = arith.index_cast %swap3A_397 : i32 to index
      %swap3A_399 = arith.index_cast %mul3A_372 : i32 to index
      %swap3A_400 = tpu.vector_load %arg15[%swap3A_398, %swap3A_399] {strides = array<i32>} : memref<2x4096xf32, #tpu.memory_space<vmem>>, vector<16xf32>,
      tpu.vector_store %arg15[%swap3A_398, %swap3A_399], %add3A_396 {strides = array<i32>} : memref<2x4096xf32, #tpu.memory_space<vmem>>, vector<16xf32>,
      %scan3A_401 = arith.constant 6 : i32
      %scan3A_402 = arith.addi %scan3A_215, %scan3A_401 : i32
      %mul3A_403 = arith.constant 16 : i32
      %mul3A_404 = arith.muli %scan3A_402, %mul3A_403 : i32
      %get3A_405 = arith.index_cast %mul3A_404 : i32 to index
      %get3A_406 = tpu.vector_load %arg13[%get3A_405] {strides = array<i32>} : memref<4096xi32, #tpu.memory_space<vmem>>, vector<16xi32>,
      %sub3A_407 = arith.constant 26496 : i32
      %sub3A_408 = vector.broadcast %sub3A_407 : i32 to vector<16xi32>
      %sub3A_409 = arith.subi %get3A_406, %sub3A_408 : vector<16xi32>
      %ge3A_410 = arith.constant 0 : i32
      %ge3A_411 = vector.broadcast %ge3A_410 : i32 to vector<16xi32>
      %ge3A_412 = arith.cmpi sge, %sub3A_409, %ge3A_411 : vector<16xi32>
      %gather3A_413 = tpu.vector_load_idx %arg11[%broadcast_in_dim3A_3, %sub3A_409] masked %ge3A_412 : memref<2x26496xf32, #tpu.memory_space<vmem>>[vector<16xi32>, vector<16xi32>], vector<16xf32>, vector<16xi1>
      %gather3A_414 = tpu.vector_load_idx %arg11[%broadcast_in_dim3A_5, %sub3A_409] masked %ge3A_412 : memref<2x26496xf32, #tpu.memory_space<vmem>>[vector<16xi32>, vector<16xi32>], vector<16xf32>, vector<16xi1>
      %get3A_415 = arith.constant 0 : i32
      %get3A_416 = arith.index_cast %get3A_415 : i32 to index
      %get3A_417 = arith.index_cast %mul3A_404 : i32 to index
      %get3A_418 = tpu.vector_load %arg15[%get3A_416, %get3A_417] {strides = array<i32>} : memref<2x4096xf32, #tpu.memory_space<vmem>>, vector<16xf32>,
      %add3A_419 = arith.addf %get3A_418, %gather3A_413 : vector<16xf32>
      %swap3A_420 = arith.constant 0 : i32
      %swap3A_421 = arith.index_cast %swap3A_420 : i32 to index
      %swap3A_422 = arith.index_cast %mul3A_404 : i32 to index
      %swap3A_423 = tpu.vector_load %arg15[%swap3A_421, %swap3A_422] {strides = array<i32>} : memref<2x4096xf32, #tpu.memory_space<vmem>>, vector<16xf32>,
      tpu.vector_store %arg15[%swap3A_421, %swap3A_422], %add3A_419 {strides = array<i32>} : memref<2x4096xf32, #tpu.memory_space<vmem>>, vector<16xf32>,
      %get3A_424 = arith.constant 1 : i32
      %get3A_425 = arith.index_cast %get3A_424 : i32 to index
      %get3A_426 = arith.index_cast %mul3A_404 : i32 to index
      %get3A_427 = tpu.vector_load %arg15[%get3A_425, %get3A_426] {strides = array<i32>} : memref<2x4096xf32, #tpu.memory_space<vmem>>, vector<16xf32>,
      %add3A_428 = arith.addf %get3A_427, %gather3A_414 : vector<16xf32>
      %swap3A_429 = arith.constant 1 : i32
      %swap3A_430 = arith.index_cast %swap3A_429 : i32 to index
      %swap3A_431 = arith.index_cast %mul3A_404 : i32 to index
      %swap3A_432 = tpu.vector_load %arg15[%swap3A_430, %swap3A_431] {strides = array<i32>} : memref<2x4096xf32, #tpu.memory_space<vmem>>, vector<16xf32>,
      tpu.vector_store %arg15[%swap3A_430, %swap3A_431], %add3A_428 {strides = array<i32>} : memref<2x4096xf32, #tpu.memory_space<vmem>>, vector<16xf32>,
      %scan3A_433 = arith.constant 7 : i32
      %scan3A_434 = arith.addi %scan3A_215, %scan3A_433 : i32
      %mul3A_435 = arith.constant 16 : i32
      %mul3A_436 = arith.muli %scan3A_434, %mul3A_435 : i32
      %get3A_437 = arith.index_cast %mul3A_436 : i32 to index
      %get3A_438 = tpu.vector_load %arg13[%get3A_437] {strides = array<i32>} : memref<4096xi32, #tpu.memory_space<vmem>>, vector<16xi32>,
      %sub3A_439 = arith.constant 26496 : i32
      %sub3A_440 = vector.broadcast %sub3A_439 : i32 to vector<16xi32>
      %sub3A_441 = arith.subi %get3A_438, %sub3A_440 : vector<16xi32>
      %ge3A_442 = arith.constant 0 : i32
      %ge3A_443 = vector.broadcast %ge3A_442 : i32 to vector<16xi32>
      %ge3A_444 = arith.cmpi sge, %sub3A_441, %ge3A_443 : vector<16xi32>
      %gather3A_445 = tpu.vector_load_idx %arg11[%broadcast_in_dim3A_3, %sub3A_441] masked %ge3A_444 : memref<2x26496xf32, #tpu.memory_space<vmem>>[vector<16xi32>, vector<16xi32>], vector<16xf32>, vector<16xi1>
      %gather3A_446 = tpu.vector_load_idx %arg11[%broadcast_in_dim3A_5, %sub3A_441] masked %ge3A_444 : memref<2x26496xf32, #tpu.memory_space<vmem>>[vector<16xi32>, vector<16xi32>], vector<16xf32>, vector<16xi1>
      %get3A_447 = arith.constant 0 : i32
      %get3A_448 = arith.index_cast %get3A_447 : i32 to index
      %get3A_449 = arith.index_cast %mul3A_436 : i32 to index
      %get3A_450 = tpu.vector_load %arg15[%get3A_448, %get3A_449] {strides = array<i32>} : memref<2x4096xf32, #tpu.memory_space<vmem>>, vector<16xf32>,
      %add3A_451 = arith.addf %get3A_450, %gather3A_445 : vector<16xf32>
      %swap3A_452 = arith.constant 0 : i32
      %swap3A_453 = arith.index_cast %swap3A_452 : i32 to index
      %swap3A_454 = arith.index_cast %mul3A_436 : i32 to index
      %swap3A_455 = tpu.vector_load %arg15[%swap3A_453, %swap3A_454] {strides = array<i32>} : memref<2x4096xf32, #tpu.memory_space<vmem>>, vector<16xf32>,
      tpu.vector_store %arg15[%swap3A_453, %swap3A_454], %add3A_451 {strides = array<i32>} : memref<2x4096xf32, #tpu.memory_space<vmem>>, vector<16xf32>,
      %get3A_456 = arith.constant 1 : i32
      %get3A_457 = arith.index_cast %get3A_456 : i32 to index
      %get3A_458 = arith.index_cast %mul3A_436 : i32 to index
      %get3A_459 = tpu.vector_load %arg15[%get3A_457, %get3A_458] {strides = array<i32>} : memref<2x4096xf32, #tpu.memory_space<vmem>>, vector<16xf32>,
      %add3A_460 = arith.addf %get3A_459, %gather3A_446 : vector<16xf32>
      %swap3A_461 = arith.constant 1 : i32
      %swap3A_462 = arith.index_cast %swap3A_461 : i32 to index
      %swap3A_463 = arith.index_cast %mul3A_436 : i32 to index
      %swap3A_464 = tpu.vector_load %arg15[%swap3A_462, %swap3A_463] {strides = array<i32>} : memref<2x4096xf32, #tpu.memory_space<vmem>>, vector<16xf32>,
      tpu.vector_store %arg15[%swap3A_462, %swap3A_463], %add3A_460 {strides = array<i32>} : memref<2x4096xf32, #tpu.memory_space<vmem>>, vector<16xf32>,
    }
    %scan3A_202 = arith.constant 256 : i32
    %dma_start3A_203 = arith.constant 0 : i32
    %dma_start3A_204 = tpu.memref_slice %arg9[%add3A, %dma_start3A_203] : memref<64x4096xf32, #tpu.memory_space<hbm>> -> memref<2x4096xf32, #tpu.memory_space<hbm>>
    %dma_start3A_205 = arith.constant 0 : i32
    %dma_start3A_206 = tpu.memref_slice %arg9[%add3A, %dma_start3A_205] : memref<64x4096xf32, #tpu.memory_space<hbm>> -> memref<2x4096xf32, #tpu.memory_space<hbm>>
    tpu.enqueue_dma source(%arg15 : memref<2x4096xf32, #tpu.memory_space<vmem>>) target(%dma_start3A_206 : memref<2x4096xf32, #tpu.memory_space<hbm>>) target_semaphore(%arg18 : memref<!tpu.dma_semaphore, #tpu.memory_space<semaphore_mem>>)
    %dma_wait3A_207 = arith.constant 0 : i32
    %dma_wait3A_208 = tpu.memref_slice %arg8[%add3A, %dma_wait3A_207] : memref<64x4096xf32, #tpu.memory_space<hbm>> -> memref<2x4096xf32, #tpu.memory_space<hbm>>
    %dma_wait3A_209 = arith.constant 0 : i32
    %dma_wait3A_210 = tpu.memref_slice %arg8[%add3A, %dma_wait3A_209] : memref<64x4096xf32, #tpu.memory_space<hbm>> -> memref<2x4096xf32, #tpu.memory_space<hbm>>
    tpu.wait_dma2 semaphore(%arg18 : memref<!tpu.dma_semaphore, #tpu.memory_space<semaphore_mem>>) src(%arg14 : memref<2x4096xf32, #tpu.memory_space<vmem>>) dst(%dma_wait3A_210 : memref<2x4096xf32, #tpu.memory_space<hbm>>)
    %dma_wait3A_211 = arith.constant 0 : i32
    %dma_wait3A_212 = tpu.memref_slice %arg9[%add3A, %dma_wait3A_211] : memref<64x4096xf32, #tpu.memory_space<hbm>> -> memref<2x4096xf32, #tpu.memory_space<hbm>>
    %dma_wait3A_213 = arith.constant 0 : i32
    %dma_wait3A_214 = tpu.memref_slice %arg9[%add3A, %dma_wait3A_213] : memref<64x4096xf32, #tpu.memory_space<hbm>> -> memref<2x4096xf32, #tpu.memory_space<hbm>>
    tpu.wait_dma2 semaphore(%arg18 : memref<!tpu.dma_semaphore, #tpu.memory_space<semaphore_mem>>) src(%arg15 : memref<2x4096xf32, #tpu.memory_space<vmem>>) dst(%dma_wait3A_214 : memref<2x4096xf32, #tpu.memory_space<hbm>>)
    return
  }
}

</mosaic_0001>

<sc_bundles>
// kernel: kernel.3.cloned.1.call-start
scs
__scs_entry_jumppad:
0x0: {  	(pc) =	sbr.rel $0x88, $3  }
0x1: {  	(tag) =	ssettag $0x0;
	lr =	simm.s32 $0x1  }
0x2: {  	[smem:$0x3F9D] =	sst lr;
	_ =	strace $0xD0000000  }
0x3: {  	_ = 	snop  }
0x4: {  	_ = 	snop  }
0x5: {  	_ = 	snop  }
0x6: {  	_ = 	snop  }
0x7: {  	_ = 	snop  }
__scs_overlays_trampoline_lowered:
0x8: {  	[smem:$0x3FAC] =	sst s0  }
0x9: {  	[smem:$0x3FAD] =	sst s1  }
0xa: {  	[smem:$0x3FAE] =	sst s2  }
0xb: {  	[smem:$0x3FAF] =	sst s3  }
0xc: {  	[smem:$0x3FB0] =	sst s4  }
0xd: {  	[smem:$0x3FB1] =	sst s5  }
0xe: {  	[smem:$0x3FB2] =	sst s6  }
0xf: {  	[smem:$0x3FB3] =	sst s7  }
0x10: {  	[smem:$0x3FB4] =	sst s8  }
0x11: {  	[smem:$0x3FB5] =	sst s9;
	s0 =	simm.s32 @!p0 $0x0  }
0x12: {  	s1 =	sld [smem:$0x3F9B];
	s0 =	simm.s32 @p0 $0x1  }
0x13: {  	[smem:$0x3FB6] =	sst s0;
	s0 =	simm.s32 @!p1 $0x0  }
0x14: {  	s2 =	sld [smem:$0x3F9A];
	s0 =	simm.s32 @p1 $0x1  }
0x15: {  	[smem:$0x3FB7] =	sst s0;
	s0 =	simm.s32 @!p2 $0x0  }
0x16: {  	s3 =	sld [smem:$0x3FDB];
	s0 =	simm.s32 @p2 $0x1  }
0x17: {  	s4 =	simm.s32 $0x1BF5;
	[smem:$0x3FB9] =	sst s0  }
0x18: {  	s0 =	sld [smem:$0x3F9C];
	_ =	swait.ge [sflag:s4], $0x0  }
0x19: {  	s7 =	sld [smem:$0x3F9D]  }
0x1a: {  	s8 =	sadd.s32 $0xFFFFE003, lr  }
0x1b: {  	s9 =	sadd.s32 $0xFFFFFEF7, lr;
	s5 =	simm.s32 $0xFFFFFFFF;
	p2 =	slt.u32 s8, $0xFFFFF086  }
0x1c: {  	p1 =	slt.u32 s9, $0xF7A;
	s5 =	simm.s32 @!p2 $0x0  }
0x1d: {  	s5 =	simm.s32 @p1 $0x1;
	p0 =	seq.s32 s7, s2  }
0x1e: {  	s7 =	smul.u32 @!p0 $0xF7A, s2;
	p2 =	seq.s32 @!p0 s5, $0x0  }
0x1f: {  	s9 =	smul.u32 $0xF7A, s1;
	s8 =	simm.s32 @!p0 $0x1BF5;
	p2 =	por !p2, p0  }
0x20: {  	[sflag:s8] =	ssyncset.s32 @!p0 $0xFFFFF086;
	s6 =	sadd.s32 @!p0 s3, s7;
	s7 =	simm.s32 @!p0 $0x108  }
0x21: {  	s3 =	sadd.s32 s3, s9;
	s6 =	sadd.s32 @!p0 $0x88, s6;
	s7 =	simm.s32 @p2 $0x1082  }
0x22: {  	[simem:s7], [sflag:s8] =	dma.local @!p0 [hbm:s6], $0xF7A  }
0x23: {  	s9 =	sor.u32 $0xD0000000, s2;
	s6 =	simm.s32 $0x108;
	_ =	swait.ge @!p0 [sflag:s8], $0x0  }
0x24: {  	s3 =	sadd.s32 $0x88, s3;
	s6 =	simm.s32 @!p1 $0x1082;
	[sflag:s4] =	ssyncset.s32 $0xFFFFF086  }
0x25: {  	[simem:s6], [sflag:s4] =	dma.local [hbm:s3], $0xF7A  }
0x26: {  	[smem:$0x3F9D] =	sst s1;
	(tag) =	ssettag s2;
	_ =	strace s9  }
0x27: {  	s1 =	sld [smem:$0x3FAD]  }
0x28: {  	s2 =	sld [smem:$0x3FAE]  }
0x29: {  	s4 =	sld [smem:$0x3FB0]  }
0x2a: {  	p0 =	seq.s32 s5, $0x0;
	s5 =	sld [smem:$0x3FB1]  }
0x2b: {  	s6 =	sld [smem:$0x3FB2]  }
0x2c: {  	s7 =	sld [smem:$0x3FB3]  }
0x2d: {  	s3 =	simm.s32 $0x108;
	s8 =	sld [smem:$0x3FB4]  }
0x2e: {  	s3 =	simm.s32 @!p0 $0x1082;
	s9 =	sld [smem:$0x3FB5]  }
0x2f: {  	lr =	sadd.s32 s0, s3;
	s0 =	sld [smem:$0x3FAC]  }
0x30: {  	s3 =	sld [smem:$0x3FAF]  }
0x31: {  	[smem:$0x3FB8] =	sst s10  }
0x32: {  	s10 =	sld [smem:$0x3FB6];
	_ =	sdelay $0x3  }
0x33: {  	p0 =	seq.s32 s10, $0x1;
	s10 =	sld [smem:$0x3FB8];
	_ =	sdelay $0x3  }
0x34: {  	[smem:$0x3FB8] =	sst s10  }
0x35: {  	s10 =	sld [smem:$0x3FB7];
	_ =	sdelay $0x3  }
0x36: {  	p1 =	seq.s32 s10, $0x1;
	s10 =	sld [smem:$0x3FB8];
	_ =	sdelay $0x3  }
0x37: {  	[smem:$0x3FB8] =	sst s10  }
0x38: {  	s10 =	sld [smem:$0x3FB9]  }
0x39: {  	_ = 	snop;
	(pc) =	sbr.ind lr, $3  }
0x3a: {  	_ = 	snop  }
0x3b: {  	_ = 	snop  }
0x3c: {  	p2 =	seq.s32 s10, $0x1;
	s10 =	sld [smem:$0x3FB8]  }
0x3d: {  	_ =	shalt  }
0x3e: {  	_ =	shalt  }
0x3f: {  	_ =	shalt  }
0x40: {  	_ =	shalt  }
0x41: {  	_ =	shalt  }
0x42: {  	_ =	shalt  }
0x43: {  	_ =	shalt  }
0x44: {  	_ =	shalt  }
0x45: {  	_ =	shalt  }
0x46: {  	_ =	shalt  }
0x47: {  	_ =	shalt  }
0x48: {  	_ =	shalt  }
0x49: {  	_ =	shalt  }
0x4a: {  	_ =	shalt  }
0x4b: {  	_ =	shalt  }
0x4c: {  	_ =	shalt  }
0x4d: {  	_ =	shalt  }
0x4e: {  	_ =	shalt  }
0x4f: {  	_ =	shalt  }
0x50: {  	_ =	shalt  }
0x51: {  	_ =	shalt  }
0x52: {  	_ =	shalt  }
0x53: {  	_ =	shalt  }
0x54: {  	_ =	shalt  }
0x55: {  	_ =	shalt  }
0x56: {  	_ =	shalt  }
0x57: {  	_ =	shalt  }
0x58: {  	_ =	shalt  }
0x59: {  	_ =	shalt  }
0x5a: {  	_ =	shalt  }
0x5b: {  	_ =	shalt  }
0x5c: {  	_ =	shalt  }
0x5d: {  	_ =	shalt  }
0x5e: {  	_ =	shalt  }
0x5f: {  	_ =	shalt  }
0x60: {  	_ =	shalt  }
0x61: {  	_ =	shalt  }
0x62: {  	_ =	shalt  }
0x63: {  	_ =	shalt  }
0x64: {  	_ =	shalt  }
0x65: {  	_ =	shalt  }
0x66: {  	_ =	shalt  }
0x67: {  	_ =	shalt  }
0x68: {  	_ =	shalt  }
0x69: {  	_ =	shalt  }
0x6a: {  	_ =	shalt  }
0x6b: {  	_ =	shalt  }
0x6c: {  	_ =	shalt  }
0x6d: {  	_ =	shalt  }
0x6e: {  	_ =	shalt  }
0x6f: {  	_ =	shalt  }
0x70: {  	_ =	shalt  }
0x71: {  	_ =	shalt  }
0x72: {  	_ =	shalt  }
0x73: {  	_ =	shalt  }
0x74: {  	_ =	shalt  }
0x75: {  	_ =	shalt  }
0x76: {  	_ =	shalt  }
0x77: {  	_ =	shalt  }
0x78: {  	_ =	shalt  }
0x79: {  	_ =	shalt  }
0x7a: {  	_ =	shalt  }
0x7b: {  	_ =	shalt  }
0x7c: {  	_ =	shalt  }
0x7d: {  	_ =	shalt  }
0x7e: {  	_ =	shalt  }
0x7f: {  	_ =	shalt  }
0x80: {  	_ =	shalt  }
0x81: {  	_ =	shalt  }
0x82: {  	_ =	shalt  }
0x83: {  	_ =	shalt  }
0x84: {  	_ =	shalt  }
0x85: {  	_ =	shalt  }
0x86: {  	_ =	shalt  }
0x87: {  	_ =	shalt  }
.Lfunc_end0:
.L_simem_size_0:
called_computation_lowered:
.L_overlay_start_0:
0x88: {  	s2 =	sld [smem:$0x3FD9]  }
0x89: {  	s3 =	sld [smem:$0x3FFE];
	_ =	sdelay $0x1  }
0x8a: {  	s1 =	srdreg.scid  }
0x8b: {  	s0 =	sand.u32 $0x1, s1  }
0x8c: {  	s14 =	sshll.u32 s0, $0xA;
	s2 =	sadd.s32 s3, s2  }
0x8d: {  	s2 =	sadd.s32 s2, s14  }
0x8e: {  	[smem:$0x3FC4] =	sst s2  }
0x8f: {  	_ = 	snop  }
0x90: {  	s2 =	sld [smem:$0x3FC9]  }
0x91: {  	s15 =	sld [smem:$0x3FD0]  }
0x92: {  	s4 =	sld [smem:$0x3FC8]  }
0x93: {  	s5 =	sld [smem:$0x3FC7]  }
0x94: {  	s7 =	simm.s32 $0xA;
	s8 =	simm.s32 $0x10;
	s6 =	sld [smem:$0x3FC6]  }
0x95: {  	[smem:s8], [sflag:s7] =	dma.local [hbm:s15], $0x1  }
0x96: {  	_ =	swait.eq [sflag:s7], $0x1  }
0x97: {  	[sflag:s7] =	ssyncset.done $0x0  }
0x98: {  	s16 =	sld [smem:$0x10];
	[sflag:s7] =	ssyncadd.s32 $0xFFFFFFFF  }
0x99: {  	s17 =	sld [smem:$0x11];
	(tm) =	ssettm $0x1  }
0x9a: {  	s18 =	sld [smem:$0x3FFB];
	_ =	sdelay $0x3  }
0x9b: {  	_ =	strace s18  }
0x9c: {  	s8 =	sld [smem:$0x3FFC];
	_ =	sdelay $0x3  }
0x9d: {  	_ =	strace s8  }
0x9e: {  	s8 =	sld [smem:$0x3FFD];
	_ =	sdelay $0x3  }
0x9f: {  	_ =	strace s8  }
0xa0: {  	_ =	strace $0x8FFFFFFF  }
0xa1: {  	s19 =	sld [smem:$0x3FDB];
	_ =	sdelay $0x1  }
0xa2: {  	s9 =	simm.s32 $_scs_section_size  }
0xa3: {  	s10 =	simm.s32 $_size__tile_overlayer_lowered;
	s11 =	simm.s32 $_tile_overlayer_lowered  }
0xa4: {  	s22 =	simm.s32 $0x1BFF;
	s21 =	sshll.u32 s11, $0x1;
	s8 =	sadd.s32 s9, s19  }
0xa5: {  	s12 =	simm.s32 $0x0;
	s20 =	sshll.u32 s10, $0x1;
	s10 =	sadd.s32 s21, s8  }
0xa6: {  	[timem:s12], [sflag:s22] =	dma.local [hbm:s10], s20  }
0xa7: {  	_ =	swait.ge [sflag:s22], s20  }
0xa8: {  	s9 =	ssub.s32 $0x0, s20;
	[sflag:s22] =	ssyncset.done $0x0  }
0xa9: {  	[sflag:s22] =	ssyncadd.s32 s9;
	_ =	sdelay $0x1  }
0xaa: {  	s23 =	simm.s32 $0x1B8B  }
0xab: {  	_ =	swait.ge [sflag:s23], $0x1  }
0xac: {  	[sflag:s23] =	ssyncset.done $0x0  }
0xad: {  	s25 =	simm.s32 $0x1B8E;
	s24 =	sld [smem:$0x3FFE];
	[sflag:s23] =	ssyncadd.s32 $0xFFFFFFFF  }
0xae: {  	s26 =	simm.s32 $execute0_lowered;
	[smem:$0x3FD2] =	sst s25  }
0xaf: {  	s10 =	sshll.u32 s26, $0x1;
	_ =	strace $0x80000046;
	[dreg:$0x1] =	wrdreg $0xFFFFFFFF  }
0xb0: {  	s28 =	simm.s32 $_size_execute0_lowered;
	s8 =	sadd.s32 s8, s10;
	[dreg:$0x0] =	wrdreg $0x0  }
0xb1: {  	s10 =	sshll.u32 s28, $0x1;
	[dreg:$0x2] =	wrdreg s8  }
0xb2: {  	[dreg:$0x3] =	wrdreg s10  }
0xb3: {  	[dreg:$0x4] =	wrdreg $0xC0  }
0xb4: {  	_ =	task [dreg:s12], $0x5FFFF  }
0xb5: {  	[dreg:$0x1] =	wrdreg $0xFFFFFFFF  }
0xb6: {  	[dreg:$0x0] =	wrdreg $0x60  }
0xb7: {  	[dreg:$0x2] =	wrdreg s5  }
0xb8: {  	[dreg:$0x3] =	wrdreg s6  }
0xb9: {  	[dreg:$0x4] =	wrdreg s24  }
0xba: {  	[dreg:$0x5] =	wrdreg s2  }
0xbb: {  	[dreg:$0x6] =	wrdreg s4  }
0xbc: {  	[dreg:$0x7] =	wrdreg s16  }
0xbd: {  	[dreg:$0x8] =	wrdreg s17  }
0xbe: {  	[dreg:$0x9] =	wrdreg $0x9  }
0xbf: {  	_ =	task.clear_ibuf [dreg:s12], $0xAFFFF;
	_ =	strace $0x90000046  }
0xc0: {  	s29 =	simm.s32 $0x9;
	_ =	strace $0x80000048  }
0xc1: {  	_ =	swait.ge [sflag:s29], $0x1  }
0xc2: {  	[sflag:s29] =	ssyncadd.s32 $0xFFFFFFFF  }
0xc3: {  	_ =	strace $0x90000048  }
0xc4: {  	_ =	sfence  }
0xc5: {  	s30 =	sld [smem:$0x0];
	_ =	sdelay $0x2  }
0xc6: {  	s31 =	sshll.u32 s1, $0xD;
	s1 =	sshrl.u32 s1, $0x2  }
0xc7: {  	s3 =	sand.u32 $0x4000, s31;
	s1 =	sadd.s32 s1, s30  }
0xc8: {  	s0 =	sor.u32 s3, s0;
	s1 =	sshll.u32 s1, $0x11  }
0xc9: {  	s0 =	sor.u32 s1, s0  }
0xca: {  	s0 =	sadd.s32 $0x8F2B, s0  }
0xcb: {  	[sflag:s0] =	ssyncadd.remote.s32 $0x1  }
0xcc: {  	_ =	sfence.sel $0xFFFF  }
0xcd: {  	[dreg:$0x0] =	wrdreg $0xFFFFFFFF;
	(pc) =	sbr.abs _section_cstart, $3  }
0xce: {  	[dreg:$0x1] =	wrdreg $0xFFFFFFFF  }
0xcf: {  	_ =	task.clear_ibuf [dreg:s12], $0x2FFFF;
	_ =	strace $0x9FFFFFFF  }
0xd0: {  	(tm) =	ssettm $0x7FFFFFFF  }
0xd1: {  	_ =	shalt  }
tec
execute0_lowered:
.L_overlay_start_1:
0x0: {  	(tag) =	ssettag $0x1  }
0x1: {  	s0 =	rddreg [dreg:$0x0]  }
0x2: {  	s3 =	rddreg [dreg:$0x1]  }
0x3: {  	s5 =	rddreg [dreg:$0x2]  }
0x4: {  	s1 =	rddreg [dreg:$0x3]  }
0x5: {  	s4 =	srdreg.scid;
	s2 =	rddreg [dreg:$0x4]  }
0x6: {  	s8 =	stileid.u32;
	s11 =	rddreg [dreg:$0x5]  }
0x7: {  	s14 =	rddreg [dreg:$0x6];
	s28 =	simm.s32 $0x1DE00;
	s29 =	simm.s32 $0x3  }
0x8: {  	s30 =	simm.s32 $0x0;
	s6 =	sand.u32 $0x1, s4;
	s17 =	sshll.u32 s8, $0x8  }
0x9: {  	s7 =	sshll.u32 s8, $0x1;
	s4 =	sshll.u32 s6, $0x5;
	s10 =	sand.u32 $0x300, s17  }
0xa: {  	s20 =	ssub.s32 $0x2, s6;
	s17 =	simm.s32 $0x400;
	s4 =	sor.u32 s7, s4  }
0xb: {  	s6 =	sshrl.u32 s20, $0x1;
	s9 =	sshrl.u32 s4, $0x3;
	s4 =	simm.s32 $0x0  }
0xc: {  	s15 =	ssub.s32 s20, s6;
	s20 =	simm.s32 $0x4;
	s19 =	smul.u32 $0xC3800, s9  }
0xd: {  	s18 =	sshll.u32 s9, $0xA;
	[smem:$0x7FF] =	sst s4;
	s16 =	smul.u32 $0x61C00, s9  }
0xe: {  	s25 =	sshll.u32 s9, $0xF;
	s15 =	smax.u32 s15, $0x1;
	s7 =	sor.u32 s10, s18  }
0xf: {  	_ =	strace $0x80000047;
	s18 =	simm.s32 $0xCF00;
	s7 =	sshrl.u32 s7, $0x3  }
0x10: {  	s21 =	sor.u32 s10, s19;
	s26 =	sor.u32 s10, s16;
	s16 =	simm.s32 $0x100  }
0x11: {  	s19 =	simm.s32 $0x19E00;
	s13 =	sadd.s32 s7, s5;
	s8 =	sshrl.u32 s21, $0x3  }
0x12: {  	s12 =	sadd.s32 $0x33C00, s21;
	s23 =	sadd.s32 $0x67800, s21;
	s7 =	sadd.s32 $0x9B400, s21  }
0x13: {  	s31 =	sshrl.u32 s26, $0x3;
	s21 =	simm.s32 $0x1AE00;
	s5 =	sadd.s32 s0, s8  }
0x14: {  	s22 =	sshrl.u32 s12, $0x3;
	s8 =	sshrl.u32 s23, $0x3;
	s24 =	sshrl.u32 s7, $0x3  }
0x15: {  	s9 =	sadd.s32 $0xE00, s13;
	s12 =	sadd.s32 $0x33C00, s26;
	s13 =	sadd.s32 $0xA00, s13  }
0x16: {  	s23 =	simm.s32 $0x2;
	s26 =	simm.s32 $0x18600;
	s6 =	sadd.s32 s0, s22  }
0x17: {  	s7 =	sadd.s32 s0, s8;
	s8 =	sadd.s32 s0, s24;
	s0 =	sor.u32 s10, s25  }
0x18: {  	s10 =	sadd.s32 s3, s31;
	s12 =	sshrl.u32 s12, $0x3;
	s22 =	simm.s32 $0x1  }
0x19: {  	s24 =	simm.s32 $0x16F00;
	s25 =	simm.s32 $0x1BE00;
	s0 =	sshrl.u32 s0, $0x3  }
0x1a: {  	s12 =	sadd.s32 s3, s12;
	s11 =	sadd.s32 s11, s0;
	s14 =	sadd.s32 s14, s0  }
.LBB2_1:
0x1b: {  	[tilespmem:s4], [sflag:$0x1] =	stream.strided.gather [hbm4b:s5+s16], $0xCF00, s17, s16, $0x38;
	[tilespmem:$0x1FE00] =	vst v63  }
0x1c: {  	_ = 	snop  }
0x1d: {  	[tilespmem:s18], [sflag:$0x2] =	stream.strided.gather [hbm4b:s6+s16], $0xCF00, s17, s16, $0x38;
	[tilespmem:$0x1FE00] =	vst v63  }
0x1e: {  	_ = 	snop  }
0x1f: {  	[tilespmem:s19], [sflag:$0x4] =	stream.linear.gather [hbm4b:s1+s4], $0x1000, $0x38;
	[tilespmem:$0x1FE00] =	vst v63  }
0x20: {  	_ =	swait.ge [sflag:s20], $0x1000  }
0x21: {  	[sflag:s20] =	ssyncset.done $0x0  }
0x22: {  	[sflag:s20] =	ssyncadd.s32 $0xFFFFF000  }
0x23: {  	[tilespmem:s21], [sflag:$0x4] =	stream.linear.gather [hbm4b:s2+s4], $0x1000, $0x38;
	[tilespmem:$0x1FE00] =	vst v63  }
0x24: {  	_ =	swait.ge [sflag:s20], $0x1000  }
0x25: {  	[sflag:s20] =	ssyncset.done $0x0  }
0x26: {  	[sflag:s20] =	ssyncadd.s32 $0xFFFFF000  }
0x27: {  	_ =	swait.ge [sflag:s22], $0xCF00  }
0x28: {  	s0 =	simm.s32 $0xFFFFFFF8;
	[sflag:s22] =	ssyncset.done $0x0  }
0x29: {  	s3 =	simm.s32 $0x1BE80;
	s31 =	simm.s32 $0x19E40;
	[sflag:s22] =	ssyncadd.s32 $0xFFFF3100  }
.LBB2_2:
0x2a: {  	v0 =	vld [tilespmem:s31+$0xFFFFFFC0];
	_ =	sdelay $0x4  }
0x2b: {  	v1 =	vshll.u32 v0, $0x1  }
0x2c: {  	vm0 =	vlt.s32 v0, $0x6780;
	v0 =	vand.u32 $0x7F, v0;
	v1 =	vand.u32 $0xFFFFFF00, v1  }
0x2d: {  	v0 =	vor.u32 v0, v1  }
0x2e: {  	v1 =	vor.u32 $0x80, v0;
	_ =	sdelay $0x3  }
0x2f: {  	v0 =	vld.idx.msk [tilespmem:v0+s4+$0x0], vm0  }
0x30: {  	v1 =	vld.idx.msk [tilespmem:v1+s4+$0x0], vm0;
	_ =	sdelay $0x3  }
0x31: {  	[tilespmem:s3+$0xFFFFFF80] =	vst v0  }
0x32: {  	[tilespmem:s3+$0x0] =	vst v1  }
0x33: {  	v0 =	vld [tilespmem:s31+$0xFFFFFFD0];
	_ =	sdelay $0x4  }
0x34: {  	v57 =	vshll.u32 v0, $0x1  }
0x35: {  	vm9 =	vlt.s32 v0, $0x6780;
	v0 =	vand.u32 $0x7F, v0;
	v1 =	vand.u32 $0xFFFFFF00, v57  }
0x36: {  	v0 =	vor.u32 v0, v1  }
0x37: {  	v1 =	vor.u32 $0x80, v0;
	_ =	sdelay $0x3  }
0x38: {  	v0 =	vld.idx.msk [tilespmem:v0+s4+$0x0], vm9  }
0x39: {  	v1 =	vld.idx.msk [tilespmem:v1+s4+$0x0], vm9;
	_ =	sdelay $0x3  }
0x3a: {  	[tilespmem:s3+$0xFFFFFF90] =	vst v0  }
0x3b: {  	[tilespmem:s3+$0x10] =	vst v1  }
0x3c: {  	v0 =	vld [tilespmem:s31+$0xFFFFFFE0];
	_ =	sdelay $0x4  }
0x3d: {  	v58 =	vshll.u32 v0, $0x1  }
0x3e: {  	vm10 =	vlt.s32 v0, $0x6780;
	v0 =	vand.u32 $0x7F, v0;
	v1 =	vand.u32 $0xFFFFFF00, v58  }
0x3f: {  	v0 =	vor.u32 v0, v1  }
0x40: {  	v1 =	vor.u32 $0x80, v0;
	_ =	sdelay $0x3  }
0x41: {  	v0 =	vld.idx.msk [tilespmem:v0+s4+$0x0], vm10  }
0x42: {  	v1 =	vld.idx.msk [tilespmem:v1+s4+$0x0], vm10;
	_ =	sdelay $0x3  }
0x43: {  	[tilespmem:s3+$0xFFFFFFA0] =	vst v0  }
0x44: {  	[tilespmem:s3+$0x20] =	vst v1  }
0x45: {  	v0 =	vld [tilespmem:s31+$0xFFFFFFF0];
	_ =	sdelay $0x4  }
0x46: {  	v59 =	vshll.u32 v0, $0x1  }
0x47: {  	vm11 =	vlt.s32 v0, $0x6780;
	v0 =	vand.u32 $0x7F, v0;
	v1 =	vand.u32 $0xFFFFFF00, v59  }
0x48: {  	v0 =	vor.u32 v0, v1  }
0x49: {  	v1 =	vor.u32 $0x80, v0;
	_ =	sdelay $0x3  }
0x4a: {  	v0 =	vld.idx.msk [tilespmem:v0+s4+$0x0], vm11  }
0x4b: {  	v1 =	vld.idx.msk [tilespmem:v1+s4+$0x0], vm11;
	_ =	sdelay $0x3  }
0x4c: {  	[tilespmem:s3+$0xFFFFFFB0] =	vst v0  }
0x4d: {  	[tilespmem:s3+$0x30] =	vst v1  }
0x4e: {  	v0 =	vld [tilespmem:s31+$0x0];
	_ =	sdelay $0x4  }
0x4f: {  	v60 =	vshll.u32 v0, $0x1  }
0x50: {  	vm12 =	vlt.s32 v0, $0x6780;
	v0 =	vand.u32 $0x7F, v0;
	v1 =	vand.u32 $0xFFFFFF00, v60  }
0x51: {  	v0 =	vor.u32 v0, v1  }
0x52: {  	v1 =	vor.u32 $0x80, v0;
	_ =	sdelay $0x3  }
0x53: {  	v0 =	vld.idx.msk [tilespmem:v0+s4+$0x0], vm12  }
0x54: {  	v1 =	vld.idx.msk [tilespmem:v1+s4+$0x0], vm12;
	_ =	sdelay $0x3  }
0x55: {  	[tilespmem:s3+$0xFFFFFFC0] =	vst v0  }
0x56: {  	[tilespmem:s3+$0x40] =	vst v1  }
0x57: {  	v0 =	vld [tilespmem:s31+$0x10];
	_ =	sdelay $0x4  }
0x58: {  	v61 =	vshll.u32 v0, $0x1  }
0x59: {  	vm13 =	vlt.s32 v0, $0x6780;
	v0 =	vand.u32 $0x7F, v0;
	v1 =	vand.u32 $0xFFFFFF00, v61  }
0x5a: {  	v0 =	vor.u32 v0, v1  }
0x5b: {  	v1 =	vor.u32 $0x80, v0;
	_ =	sdelay $0x3  }
0x5c: {  	v0 =	vld.idx.msk [tilespmem:v0+s4+$0x0], vm13  }
0x5d: {  	v1 =	vld.idx.msk [tilespmem:v1+s4+$0x0], vm13;
	_ =	sdelay $0x3  }
0x5e: {  	[tilespmem:s3+$0xFFFFFFD0] =	vst v0  }
0x5f: {  	[tilespmem:s3+$0x50] =	vst v1  }
0x60: {  	v0 =	vld [tilespmem:s31+$0x20];
	_ =	sdelay $0x4  }
0x61: {  	v62 =	vshll.u32 v0, $0x1  }
0x62: {  	vm14 =	vlt.s32 v0, $0x6780;
	v0 =	vand.u32 $0x7F, v0;
	v1 =	vand.u32 $0xFFFFFF00, v62  }
0x63: {  	v0 =	vor.u32 v0, v1  }
0x64: {  	v1 =	vor.u32 $0x80, v0;
	_ =	sdelay $0x3  }
0x65: {  	v0 =	vld.idx.msk [tilespmem:v0+s4+$0x0], vm14  }
0x66: {  	v1 =	vld.idx.msk [tilespmem:v1+s4+$0x0], vm14;
	_ =	sdelay $0x3  }
0x67: {  	[tilespmem:s3+$0xFFFFFFE0] =	vst v0  }
0x68: {  	[tilespmem:s3+$0x60] =	vst v1  }
0x69: {  	v0 =	vld [tilespmem:s31+$0x30];
	_ =	sdelay $0x4  }
0x6a: {  	v63 =	vshll.u32 v0, $0x1  }
0x6b: {  	vm15 =	vlt.s32 v0, $0x6780;
	v0 =	vand.u32 $0x7F, v0;
	v1 =	vand.u32 $0xFFFFFF00, v63  }
0x6c: {  	v0 =	vor.u32 v0, v1  }
0x6d: {  	v1 =	vor.u32 $0x80, v0;
	_ =	sdelay $0x3  }
0x6e: {  	s0 =	sadd.s32 $0x8, s0;
	v0 =	vld.idx.msk [tilespmem:v0+s4+$0x0], vm15  }
0x6f: {  	p0 =	slt.u32 s0, $0xF8;
	v1 =	vld.idx.msk [tilespmem:v1+s4+$0x0], vm15  }
.Ltmp0:
0x70: {  	_ = 	snop;
	(pc) =	sbr.rel @p0 .LBB2_2-.Ltmp0, $3  }
0x71: {  	_ =	sdelay $0x1  }
0x72: {  	[tilespmem:s3+$0xFFFFFFF0] =	vst v0  }
0x73: {  	s31 =	sadd.s32 $0x80, s31;
	[tilespmem:s3+$0x70] =	vst v1;
	s3 =	sadd.s32 $0x100, s3  }
0x74: {  	[tilespmem:s4], [sflag:$0x1] =	stream.strided.gather [hbm4b:s7+s16], $0xCF00, s17, s16, $0x38;
	[tilespmem:$0x1FE00] =	vst v63  }
0x75: {  	_ =	swait.ge [sflag:s23], $0xCF00  }
0x76: {  	s31 =	simm.s32 $0xFFFFFFF8;
	[sflag:s23] =	ssyncset.done $0x0  }
0x77: {  	s3 =	simm.s32 $0x1BE80;
	s0 =	simm.s32 $0x19E40;
	[sflag:s23] =	ssyncadd.s32 $0xFFFF3100  }
.LBB2_4:
0x78: {  	v0 =	vld [tilespmem:s0+$0xFFFFFFC0];
	_ =	sdelay $0x4  }
0x79: {  	v1 =	vshll.u32 v0, $0x1  }
0x7a: {  	v2 =	vadd.s32 $0xFFFF9880, v0;
	v0 =	vand.u32 $0x7F, v0;
	v1 =	vand.u32 $0xFFFFFF00, v1  }
0x7b: {  	vm0 =	vlt.u32 v2, $0x6780;
	v0 =	vor.u32 v0, v1  }
0x7c: {  	v1 =	vadd.s32 $0xFFFF3100, v0  }
0x7d: {  	v0 =	vadd.s32 $0xFFFF3180, v0;
	_ =	sdelay $0x1  }
0x7e: {  	v35 =	vld [tilespmem:s3+$0xFFFFFF80]  }
0x7f: {  	v3 =	vld [tilespmem:s3+$0x0]  }
0x80: {  	v1 =	vld.idx.msk [tilespmem:v1+s18+$0x0], vm0  }
0x81: {  	v0 =	vld.idx.msk [tilespmem:v0+s18+$0x0], vm0;
	_ =	sdelay $0x3  }
0x82: {  	v1 =	vadd.f32 v35, v1  }
0x83: {  	v0 =	vadd.f32 v3, v0  }
0x84: {  	[tilespmem:s3+$0xFFFFFF80] =	vst v1  }
0x85: {  	[tilespmem:s3+$0x0] =	vst v0  }
0x86: {  	v0 =	vld [tilespmem:s0+$0xFFFFFFD0];
	_ =	sdelay $0x4  }
0x87: {  	v36 =	vshll.u32 v0, $0x1  }
0x88: {  	v37 =	vadd.s32 $0xFFFF9880, v0;
	v0 =	vand.u32 $0x7F, v0;
	v1 =	vand.u32 $0xFFFFFF00, v36  }
0x89: {  	vm9 =	vlt.u32 v37, $0x6780;
	v0 =	vor.u32 v0, v1  }
0x8a: {  	v1 =	vadd.s32 $0xFFFF3100, v0  }
0x8b: {  	v0 =	vadd.s32 $0xFFFF3180, v0;
	_ =	sdelay $0x1  }
0x8c: {  	v38 =	vld [tilespmem:s3+$0xFFFFFF90]  }
0x8d: {  	v39 =	vld [tilespmem:s3+$0x10]  }
0x8e: {  	v1 =	vld.idx.msk [tilespmem:v1+s18+$0x0], vm9  }
0x8f: {  	v0 =	vld.idx.msk [tilespmem:v0+s18+$0x0], vm9;
	_ =	sdelay $0x3  }
0x90: {  	v1 =	vadd.f32 v38, v1  }
0x91: {  	v0 =	vadd.f32 v39, v0  }
0x92: {  	[tilespmem:s3+$0xFFFFFF90] =	vst v1  }
0x93: {  	[tilespmem:s3+$0x10] =	vst v0  }
0x94: {  	v0 =	vld [tilespmem:s0+$0xFFFFFFE0];
	_ =	sdelay $0x4  }
0x95: {  	v40 =	vshll.u32 v0, $0x1  }
0x96: {  	v41 =	vadd.s32 $0xFFFF9880, v0;
	v0 =	vand.u32 $0x7F, v0;
	v1 =	vand.u32 $0xFFFFFF00, v40  }
0x97: {  	vm10 =	vlt.u32 v41, $0x6780;
	v0 =	vor.u32 v0, v1  }
0x98: {  	v1 =	vadd.s32 $0xFFFF3100, v0  }
0x99: {  	v0 =	vadd.s32 $0xFFFF3180, v0;
	_ =	sdelay $0x1  }
0x9a: {  	v42 =	vld [tilespmem:s3+$0xFFFFFFA0]  }
0x9b: {  	v43 =	vld [tilespmem:s3+$0x20]  }
0x9c: {  	v1 =	vld.idx.msk [tilespmem:v1+s18+$0x0], vm10  }
0x9d: {  	v0 =	vld.idx.msk [tilespmem:v0+s18+$0x0], vm10;
	_ =	sdelay $0x3  }
0x9e: {  	v1 =	vadd.f32 v42, v1  }
0x9f: {  	v0 =	vadd.f32 v43, v0  }
0xa0: {  	[tilespmem:s3+$0xFFFFFFA0] =	vst v1  }
0xa1: {  	[tilespmem:s3+$0x20] =	vst v0  }
0xa2: {  	v0 =	vld [tilespmem:s0+$0xFFFFFFF0];
	_ =	sdelay $0x4  }
0xa3: {  	v44 =	vshll.u32 v0, $0x1  }
0xa4: {  	v45 =	vadd.s32 $0xFFFF9880, v0;
	v0 =	vand.u32 $0x7F, v0;
	v1 =	vand.u32 $0xFFFFFF00, v44  }
0xa5: {  	vm11 =	vlt.u32 v45, $0x6780;
	v0 =	vor.u32 v0, v1  }
0xa6: {  	v1 =	vadd.s32 $0xFFFF3100, v0  }
0xa7: {  	v0 =	vadd.s32 $0xFFFF3180, v0;
	_ =	sdelay $0x1  }
0xa8: {  	v46 =	vld [tilespmem:s3+$0xFFFFFFB0]  }
0xa9: {  	v47 =	vld [tilespmem:s3+$0x30]  }
0xaa: {  	v1 =	vld.idx.msk [tilespmem:v1+s18+$0x0], vm11  }
0xab: {  	v0 =	vld.idx.msk [tilespmem:v0+s18+$0x0], vm11;
	_ =	sdelay $0x3  }
0xac: {  	v1 =	vadd.f32 v46, v1  }
0xad: {  	v0 =	vadd.f32 v47, v0  }
0xae: {  	[tilespmem:s3+$0xFFFFFFB0] =	vst v1  }
0xaf: {  	[tilespmem:s3+$0x30] =	vst v0  }
0xb0: {  	v0 =	vld [tilespmem:s0+$0x0];
	_ =	sdelay $0x4  }
0xb1: {  	v48 =	vshll.u32 v0, $0x1  }
0xb2: {  	v49 =	vadd.s32 $0xFFFF9880, v0;
	v0 =	vand.u32 $0x7F, v0;
	v1 =	vand.u32 $0xFFFFFF00, v48  }
0xb3: {  	vm12 =	vlt.u32 v49, $0x6780;
	v0 =	vor.u32 v0, v1  }
0xb4: {  	v1 =	vadd.s32 $0xFFFF3100, v0  }
0xb5: {  	v0 =	vadd.s32 $0xFFFF3180, v0;
	_ =	sdelay $0x1  }
0xb6: {  	v50 =	vld [tilespmem:s3+$0xFFFFFFC0]  }
0xb7: {  	v51 =	vld [tilespmem:s3+$0x40]  }
0xb8: {  	v1 =	vld.idx.msk [tilespmem:v1+s18+$0x0], vm12  }
0xb9: {  	v0 =	vld.idx.msk [tilespmem:v0+s18+$0x0], vm12;
	_ =	sdelay $0x3  }
0xba: {  	v1 =	vadd.f32 v50, v1  }
0xbb: {  	v0 =	vadd.f32 v51, v0  }
0xbc: {  	[tilespmem:s3+$0xFFFFFFC0] =	vst v1  }
0xbd: {  	[tilespmem:s3+$0x40] =	vst v0  }
0xbe: {  	v0 =	vld [tilespmem:s0+$0x10];
	_ =	sdelay $0x4  }
0xbf: {  	v52 =	vshll.u32 v0, $0x1  }
0xc0: {  	v53 =	vadd.s32 $0xFFFF9880, v0;
	v0 =	vand.u32 $0x7F, v0;
	v1 =	vand.u32 $0xFFFFFF00, v52  }
0xc1: {  	vm13 =	vlt.u32 v53, $0x6780;
	v0 =	vor.u32 v0, v1  }
0xc2: {  	v1 =	vadd.s32 $0xFFFF3100, v0  }
0xc3: {  	v0 =	vadd.s32 $0xFFFF3180, v0;
	_ =	sdelay $0x1  }
0xc4: {  	v54 =	vld [tilespmem:s3+$0xFFFFFFD0]  }
0xc5: {  	v55 =	vld [tilespmem:s3+$0x50]  }
0xc6: {  	v1 =	vld.idx.msk [tilespmem:v1+s18+$0x0], vm13  }
0xc7: {  	v0 =	vld.idx.msk [tilespmem:v0+s18+$0x0], vm13;
	_ =	sdelay $0x3  }
0xc8: {  	v1 =	vadd.f32 v54, v1  }
0xc9: {  	v0 =	vadd.f32 v55, v0  }
0xca: {  	[tilespmem:s3+$0xFFFFFFD0] =	vst v1  }
0xcb: {  	[tilespmem:s3+$0x50] =	vst v0  }
0xcc: {  	v0 =	vld [tilespmem:s0+$0x20];
	_ =	sdelay $0x4  }
0xcd: {  	v56 =	vshll.u32 v0, $0x1  }
0xce: {  	v57 =	vadd.s32 $0xFFFF9880, v0;
	v0 =	vand.u32 $0x7F, v0;
	v1 =	vand.u32 $0xFFFFFF00, v56  }
0xcf: {  	vm14 =	vlt.u32 v57, $0x6780;
	v0 =	vor.u32 v0, v1  }
0xd0: {  	v1 =	vadd.s32 $0xFFFF3100, v0  }
0xd1: {  	v0 =	vadd.s32 $0xFFFF3180, v0;
	_ =	sdelay $0x1  }
0xd2: {  	v58 =	vld [tilespmem:s3+$0xFFFFFFE0]  }
0xd3: {  	v59 =	vld [tilespmem:s3+$0x60]  }
0xd4: {  	v1 =	vld.idx.msk [tilespmem:v1+s18+$0x0], vm14  }
0xd5: {  	v0 =	vld.idx.msk [tilespmem:v0+s18+$0x0], vm14;
	_ =	sdelay $0x3  }
0xd6: {  	v1 =	vadd.f32 v58, v1  }
0xd7: {  	v0 =	vadd.f32 v59, v0  }
0xd8: {  	[tilespmem:s3+$0xFFFFFFE0] =	vst v1  }
0xd9: {  	[tilespmem:s3+$0x60] =	vst v0  }
0xda: {  	v0 =	vld [tilespmem:s0+$0x30];
	_ =	sdelay $0x4  }
0xdb: {  	v60 =	vshll.u32 v0, $0x1  }
0xdc: {  	v61 =	vadd.s32 $0xFFFF9880, v0;
	v0 =	vand.u32 $0x7F, v0;
	v1 =	vand.u32 $0xFFFFFF00, v60  }
0xdd: {  	vm15 =	vlt.u32 v61, $0x6780;
	v0 =	vor.u32 v0, v1  }
0xde: {  	v1 =	vadd.s32 $0xFFFF3100, v0  }
0xdf: {  	v0 =	vadd.s32 $0xFFFF3180, v0;
	_ =	sdelay $0x1  }
0xe0: {  	v62 =	vld [tilespmem:s3+$0xFFFFFFF0]  }
0xe1: {  	v63 =	vld [tilespmem:s3+$0x70]  }
0xe2: {  	v1 =	vld.idx.msk [tilespmem:v1+s18+$0x0], vm15  }
0xe3: {  	v0 =	vld.idx.msk [tilespmem:v0+s18+$0x0], vm15  }
0xe4: {  	s31 =	sadd.s32 $0x8, s31  }
0xe5: {  	p0 =	slt.u32 s31, $0xF8  }
.Ltmp1:
0xe6: {  	_ = 	snop;
	(pc) =	sbr.rel @p0 .LBB2_4-.Ltmp1, $4  }
0xe7: {  	v1 =	vadd.f32 v62, v1  }
0xe8: {  	v0 =	vadd.f32 v63, v0  }
0xe9: {  	[tilespmem:s3+$0xFFFFFFF0] =	vst v1  }
0xea: {  	s0 =	sadd.s32 $0x80, s0;
	[tilespmem:s3+$0x70] =	vst v0;
	s3 =	sadd.s32 $0x100, s3  }
0xeb: {  	[tilespmem:s18], [sflag:$0x2] =	stream.strided.gather [hbm4b:s8+s16], $0xA000, s17, s16, $0x38;
	[tilespmem:$0x1FE00] =	vst v63  }
0xec: {  	_ = 	snop  }
0xed: {  	[tilespmem:s24], [sflag:$0x2] =	stream.linear.gather [hbm4b:s9+s4], $0x100, $0x38;
	[tilespmem:$0x1FE00] =	vst v63  }
0xee: {  	_ =	swait.ge [sflag:s22], $0xCF00  }
0xef: {  	s31 =	simm.s32 $0xFFFFFFF8;
	[sflag:s22] =	ssyncset.done $0x0  }
0xf0: {  	s3 =	simm.s32 $0x1BE80;
	s0 =	simm.s32 $0x19E40;
	[sflag:s22] =	ssyncadd.s32 $0xFFFF3100  }
.LBB2_6:
0xf1: {  	v0 =	vld [tilespmem:s0+$0xFFFFFFC0];
	_ =	sdelay $0x4  }
0xf2: {  	v1 =	vshll.u32 v0, $0x1  }
0xf3: {  	v2 =	vadd.s32 $0xFFFF3100, v0;
	v0 =	vand.u32 $0x7F, v0;
	v1 =	vand.u32 $0xFFFFFF00, v1  }
0xf4: {  	vm0 =	vlt.u32 v2, $0x6780;
	v0 =	vor.u32 v0, v1  }
0xf5: {  	v1 =	vadd.s32 $0xFFFE6200, v0  }
0xf6: {  	v0 =	vadd.s32 $0xFFFE6280, v0;
	_ =	sdelay $0x1  }
0xf7: {  	v35 =	vld [tilespmem:s3+$0xFFFFFF80]  }
0xf8: {  	v3 =	vld [tilespmem:s3+$0x0]  }
0xf9: {  	v1 =	vld.idx.msk [tilespmem:v1+s4+$0x0], vm0  }
0xfa: {  	v0 =	vld.idx.msk [tilespmem:v0+s4+$0x0], vm0;
	_ =	sdelay $0x3  }
0xfb: {  	v1 =	vadd.f32 v35, v1  }
0xfc: {  	v0 =	vadd.f32 v3, v0  }
0xfd: {  	[tilespmem:s3+$0xFFFFFF80] =	vst v1  }
0xfe: {  	[tilespmem:s3+$0x0] =	vst v0  }
0xff: {  	v0 =	vld [tilespmem:s0+$0xFFFFFFD0];
	_ =	sdelay $0x4  }
0x100: {  	v36 =	vshll.u32 v0, $0x1  }
0x101: {  	v37 =	vadd.s32 $0xFFFF3100, v0;
	v0 =	vand.u32 $0x7F, v0;
	v1 =	vand.u32 $0xFFFFFF00, v36  }
0x102: {  	vm9 =	vlt.u32 v37, $0x6780;
	v0 =	vor.u32 v0, v1  }
0x103: {  	v1 =	vadd.s32 $0xFFFE6200, v0  }
0x104: {  	v0 =	vadd.s32 $0xFFFE6280, v0;
	_ =	sdelay $0x1  }
0x105: {  	v38 =	vld [tilespmem:s3+$0xFFFFFF90]  }
0x106: {  	v39 =	vld [tilespmem:s3+$0x10]  }
0x107: {  	v1 =	vld.idx.msk [tilespmem:v1+s4+$0x0], vm9  }
0x108: {  	v0 =	vld.idx.msk [tilespmem:v0+s4+$0x0], vm9;
	_ =	sdelay $0x3  }
0x109: {  	v1 =	vadd.f32 v38, v1  }
0x10a: {  	v0 =	vadd.f32 v39, v0  }
0x10b: {  	[tilespmem:s3+$0xFFFFFF90] =	vst v1  }
0x10c: {  	[tilespmem:s3+$0x10] =	vst v0  }
0x10d: {  	v0 =	vld [tilespmem:s0+$0xFFFFFFE0];
	_ =	sdelay $0x4  }
0x10e: {  	v40 =	vshll.u32 v0, $0x1  }
0x10f: {  	v41 =	vadd.s32 $0xFFFF3100, v0;
	v0 =	vand.u32 $0x7F, v0;
	v1 =	vand.u32 $0xFFFFFF00, v40  }
0x110: {  	vm10 =	vlt.u32 v41, $0x6780;
	v0 =	vor.u32 v0, v1  }
0x111: {  	v1 =	vadd.s32 $0xFFFE6200, v0  }
0x112: {  	v0 =	vadd.s32 $0xFFFE6280, v0;
	_ =	sdelay $0x1  }
0x113: {  	v42 =	vld [tilespmem:s3+$0xFFFFFFA0]  }
0x114: {  	v43 =	vld [tilespmem:s3+$0x20]  }
0x115: {  	v1 =	vld.idx.msk [tilespmem:v1+s4+$0x0], vm10  }
0x116: {  	v0 =	vld.idx.msk [tilespmem:v0+s4+$0x0], vm10;
	_ =	sdelay $0x3  }
0x117: {  	v1 =	vadd.f32 v42, v1  }
0x118: {  	v0 =	vadd.f32 v43, v0  }
0x119: {  	[tilespmem:s3+$0xFFFFFFA0] =	vst v1  }
0x11a: {  	[tilespmem:s3+$0x20] =	vst v0  }
0x11b: {  	v0 =	vld [tilespmem:s0+$0xFFFFFFF0];
	_ =	sdelay $0x4  }
0x11c: {  	v44 =	vshll.u32 v0, $0x1  }
0x11d: {  	v45 =	vadd.s32 $0xFFFF3100, v0;
	v0 =	vand.u32 $0x7F, v0;
	v1 =	vand.u32 $0xFFFFFF00, v44  }
0x11e: {  	vm11 =	vlt.u32 v45, $0x6780;
	v0 =	vor.u32 v0, v1  }
0x11f: {  	v1 =	vadd.s32 $0xFFFE6200, v0  }
0x120: {  	v0 =	vadd.s32 $0xFFFE6280, v0;
	_ =	sdelay $0x1  }
0x121: {  	v46 =	vld [tilespmem:s3+$0xFFFFFFB0]  }
0x122: {  	v47 =	vld [tilespmem:s3+$0x30]  }
0x123: {  	v1 =	vld.idx.msk [tilespmem:v1+s4+$0x0], vm11  }
0x124: {  	v0 =	vld.idx.msk [tilespmem:v0+s4+$0x0], vm11;
	_ =	sdelay $0x3  }
0x125: {  	v1 =	vadd.f32 v46, v1  }
0x126: {  	v0 =	vadd.f32 v47, v0  }
0x127: {  	[tilespmem:s3+$0xFFFFFFB0] =	vst v1  }
0x128: {  	[tilespmem:s3+$0x30] =	vst v0  }
0x129: {  	v0 =	vld [tilespmem:s0+$0x0];
	_ =	sdelay $0x4  }
0x12a: {  	v48 =	vshll.u32 v0, $0x1  }
0x12b: {  	v49 =	vadd.s32 $0xFFFF3100, v0;
	v0 =	vand.u32 $0x7F, v0;
	v1 =	vand.u32 $0xFFFFFF00, v48  }
0x12c: {  	vm12 =	vlt.u32 v49, $0x6780;
	v0 =	vor.u32 v0, v1  }
0x12d: {  	v1 =	vadd.s32 $0xFFFE6200, v0  }
0x12e: {  	v0 =	vadd.s32 $0xFFFE6280, v0;
	_ =	sdelay $0x1  }
0x12f: {  	v50 =	vld [tilespmem:s3+$0xFFFFFFC0]  }
0x130: {  	v51 =	vld [tilespmem:s3+$0x40]  }
0x131: {  	v1 =	vld.idx.msk [tilespmem:v1+s4+$0x0], vm12  }
0x132: {  	v0 =	vld.idx.msk [tilespmem:v0+s4+$0x0], vm12;
	_ =	sdelay $0x3  }
0x133: {  	v1 =	vadd.f32 v50, v1  }
0x134: {  	v0 =	vadd.f32 v51, v0  }
0x135: {  	[tilespmem:s3+$0xFFFFFFC0] =	vst v1  }
0x136: {  	[tilespmem:s3+$0x40] =	vst v0  }
0x137: {  	v0 =	vld [tilespmem:s0+$0x10];
	_ =	sdelay $0x4  }
0x138: {  	v52 =	vshll.u32 v0, $0x1  }
0x139: {  	v53 =	vadd.s32 $0xFFFF3100, v0;
	v0 =	vand.u32 $0x7F, v0;
	v1 =	vand.u32 $0xFFFFFF00, v52  }
0x13a: {  	vm13 =	vlt.u32 v53, $0x6780;
	v0 =	vor.u32 v0, v1  }
0x13b: {  	v1 =	vadd.s32 $0xFFFE6200, v0  }
0x13c: {  	v0 =	vadd.s32 $0xFFFE6280, v0;
	_ =	sdelay $0x1  }
0x13d: {  	v54 =	vld [tilespmem:s3+$0xFFFFFFD0]  }
0x13e: {  	v55 =	vld [tilespmem:s3+$0x50]  }
0x13f: {  	v1 =	vld.idx.msk [tilespmem:v1+s4+$0x0], vm13  }
0x140: {  	v0 =	vld.idx.msk [tilespmem:v0+s4+$0x0], vm13;
	_ =	sdelay $0x3  }
0x141: {  	v1 =	vadd.f32 v54, v1  }
0x142: {  	v0 =	vadd.f32 v55, v0  }
0x143: {  	[tilespmem:s3+$0xFFFFFFD0] =	vst v1  }
0x144: {  	[tilespmem:s3+$0x50] =	vst v0  }
0x145: {  	v0 =	vld [tilespmem:s0+$0x20];
	_ =	sdelay $0x4  }
0x146: {  	v56 =	vshll.u32 v0, $0x1  }
0x147: {  	v57 =	vadd.s32 $0xFFFF3100, v0;
	v0 =	vand.u32 $0x7F, v0;
	v1 =	vand.u32 $0xFFFFFF00, v56  }
0x148: {  	vm14 =	vlt.u32 v57, $0x6780;
	v0 =	vor.u32 v0, v1  }
0x149: {  	v1 =	vadd.s32 $0xFFFE6200, v0  }
0x14a: {  	v0 =	vadd.s32 $0xFFFE6280, v0;
	_ =	sdelay $0x1  }
0x14b: {  	v58 =	vld [tilespmem:s3+$0xFFFFFFE0]  }
0x14c: {  	v59 =	vld [tilespmem:s3+$0x60]  }
0x14d: {  	v1 =	vld.idx.msk [tilespmem:v1+s4+$0x0], vm14  }
0x14e: {  	v0 =	vld.idx.msk [tilespmem:v0+s4+$0x0], vm14;
	_ =	sdelay $0x3  }
0x14f: {  	v1 =	vadd.f32 v58, v1  }
0x150: {  	v0 =	vadd.f32 v59, v0  }
0x151: {  	[tilespmem:s3+$0xFFFFFFE0] =	vst v1  }
0x152: {  	[tilespmem:s3+$0x60] =	vst v0  }
0x153: {  	v0 =	vld [tilespmem:s0+$0x30];
	_ =	sdelay $0x4  }
0x154: {  	v60 =	vshll.u32 v0, $0x1  }
0x155: {  	v61 =	vadd.s32 $0xFFFF3100, v0;
	v0 =	vand.u32 $0x7F, v0;
	v1 =	vand.u32 $0xFFFFFF00, v60  }
0x156: {  	vm15 =	vlt.u32 v61, $0x6780;
	v0 =	vor.u32 v0, v1  }
0x157: {  	v1 =	vadd.s32 $0xFFFE6200, v0  }
0x158: {  	v0 =	vadd.s32 $0xFFFE6280, v0;
	_ =	sdelay $0x1  }
0x159: {  	v62 =	vld [tilespmem:s3+$0xFFFFFFF0]  }
0x15a: {  	v63 =	vld [tilespmem:s3+$0x70]  }
0x15b: {  	v1 =	vld.idx.msk [tilespmem:v1+s4+$0x0], vm15  }
0x15c: {  	v0 =	vld.idx.msk [tilespmem:v0+s4+$0x0], vm15  }
0x15d: {  	s31 =	sadd.s32 $0x8, s31  }
0x15e: {  	p0 =	slt.u32 s31, $0xF8  }
.Ltmp2:
0x15f: {  	_ = 	snop;
	(pc) =	sbr.rel @p0 .LBB2_6-.Ltmp2, $4  }
0x160: {  	v1 =	vadd.f32 v62, v1  }
0x161: {  	v0 =	vadd.f32 v63, v0  }
0x162: {  	[tilespmem:s3+$0xFFFFFFF0] =	vst v1  }
0x163: {  	s0 =	sadd.s32 $0x80, s0;
	[tilespmem:s3+$0x70] =	vst v0;
	s3 =	sadd.s32 $0x100, s3  }
0x164: {  	[tilespmem:s4], [sflag:$0x1] =	stream.strided.gather [hbm4b:s10+s16], $0xCF00, s17, s16, $0x38;
	[tilespmem:$0x1FE00] =	vst v63  }
0x165: {  	_ =	swait.ge [sflag:s23], $0xA000  }
0x166: {  	[sflag:s23] =	ssyncset.done $0x0  }
0x167: {  	[sflag:s23] =	ssyncadd.s32 $0xFFFF6000  }
0x168: {  	_ =	swait.ge [sflag:s23], $0x100  }
0x169: {  	s0 =	simm.s32 $0xFFFFFFF8;
	[sflag:s23] =	ssyncset.done $0x0  }
0x16a: {  	s3 =	simm.s32 $0x1BE80;
	s31 =	simm.s32 $0x19E40;
	[sflag:s23] =	ssyncadd.s32 $0xFFFFFF00  }
.LBB2_8:
0x16b: {  	v0 =	vld [tilespmem:s31+$0xFFFFFFC0];
	_ =	sdelay $0x4  }
0x16c: {  	v1 =	vadd.s32 $0xFFFEC980, v0  }
0x16d: {  	v2 =	vshll.u32 v1, $0x1  }
0x16e: {  	v0 =	vand.u32 $0x7F, v0;
	vm0 =	vgt.s32 v1, $0xFFFFFFFF;
	v27 =	vand.u32 $0xFFFFFF00, v2  }
0x16f: {  	v0 =	vor.u32 v0, v27  }
0x170: {  	v1 =	vor.u32 $0x80, v0;
	_ =	sdelay $0x1  }
0x171: {  	v28 =	vld [tilespmem:s3+$0xFFFFFF80]  }
0x172: {  	v3 =	vld [tilespmem:s3+$0x0]  }
0x173: {  	v0 =	vld.idx.msk [tilespmem:v0+s18+$0x0], vm0  }
0x174: {  	v1 =	vld.idx.msk [tilespmem:v1+s18+$0x0], vm0;
	_ =	sdelay $0x3  }
0x175: {  	v0 =	vadd.f32 v28, v0  }
0x176: {  	v1 =	vadd.f32 v3, v1  }
0x177: {  	[tilespmem:s3+$0xFFFFFF80] =	vst v0  }
0x178: {  	[tilespmem:s3+$0x0] =	vst v1  }
0x179: {  	v0 =	vld [tilespmem:s31+$0xFFFFFFD0];
	_ =	sdelay $0x4  }
0x17a: {  	v29 =	vadd.s32 $0xFFFEC980, v0  }
0x17b: {  	v30 =	vshll.u32 v29, $0x1  }
0x17c: {  	v0 =	vand.u32 $0x7F, v0;
	vm9 =	vgt.s32 v29, $0xFFFFFFFF;
	v31 =	vand.u32 $0xFFFFFF00, v30  }
0x17d: {  	v0 =	vor.u32 v0, v31  }
0x17e: {  	v1 =	vor.u32 $0x80, v0;
	_ =	sdelay $0x1  }
0x17f: {  	v32 =	vld [tilespmem:s3+$0xFFFFFF90]  }
0x180: {  	v33 =	vld [tilespmem:s3+$0x10]  }
0x181: {  	v0 =	vld.idx.msk [tilespmem:v0+s18+$0x0], vm9  }
0x182: {  	v1 =	vld.idx.msk [tilespmem:v1+s18+$0x0], vm9;
	_ =	sdelay $0x3  }
0x183: {  	v0 =	vadd.f32 v32, v0  }
0x184: {  	v1 =	vadd.f32 v33, v1  }
0x185: {  	[tilespmem:s3+$0xFFFFFF90] =	vst v0  }
0x186: {  	[tilespmem:s3+$0x10] =	vst v1  }
0x187: {  	v0 =	vld [tilespmem:s31+$0xFFFFFFE0];
	_ =	sdelay $0x4  }
0x188: {  	v34 =	vadd.s32 $0xFFFEC980, v0  }
0x189: {  	v35 =	vshll.u32 v34, $0x1  }
0x18a: {  	v0 =	vand.u32 $0x7F, v0;
	vm10 =	vgt.s32 v34, $0xFFFFFFFF;
	v36 =	vand.u32 $0xFFFFFF00, v35  }
0x18b: {  	v0 =	vor.u32 v0, v36  }
0x18c: {  	v1 =	vor.u32 $0x80, v0;
	_ =	sdelay $0x1  }
0x18d: {  	v37 =	vld [tilespmem:s3+$0xFFFFFFA0]  }
0x18e: {  	v38 =	vld [tilespmem:s3+$0x20]  }
0x18f: {  	v0 =	vld.idx.msk [tilespmem:v0+s18+$0x0], vm10  }
0x190: {  	v1 =	vld.idx.msk [tilespmem:v1+s18+$0x0], vm10;
	_ =	sdelay $0x3  }
0x191: {  	v0 =	vadd.f32 v37, v0  }
0x192: {  	v1 =	vadd.f32 v38, v1  }
0x193: {  	[tilespmem:s3+$0xFFFFFFA0] =	vst v0  }
0x194: {  	[tilespmem:s3+$0x20] =	vst v1  }
0x195: {  	v0 =	vld [tilespmem:s31+$0xFFFFFFF0];
	_ =	sdelay $0x4  }
0x196: {  	v39 =	vadd.s32 $0xFFFEC980, v0  }
0x197: {  	v40 =	vshll.u32 v39, $0x1  }
0x198: {  	v0 =	vand.u32 $0x7F, v0;
	vm11 =	vgt.s32 v39, $0xFFFFFFFF;
	v41 =	vand.u32 $0xFFFFFF00, v40  }
0x199: {  	v0 =	vor.u32 v0, v41  }
0x19a: {  	v1 =	vor.u32 $0x80, v0;
	_ =	sdelay $0x1  }
0x19b: {  	v42 =	vld [tilespmem:s3+$0xFFFFFFB0]  }
0x19c: {  	v43 =	vld [tilespmem:s3+$0x30]  }
0x19d: {  	v0 =	vld.idx.msk [tilespmem:v0+s18+$0x0], vm11  }
0x19e: {  	v1 =	vld.idx.msk [tilespmem:v1+s18+$0x0], vm11;
	_ =	sdelay $0x3  }
0x19f: {  	v0 =	vadd.f32 v42, v0  }
0x1a0: {  	v1 =	vadd.f32 v43, v1  }
0x1a1: {  	[tilespmem:s3+$0xFFFFFFB0] =	vst v0  }
0x1a2: {  	[tilespmem:s3+$0x30] =	vst v1  }
0x1a3: {  	v0 =	vld [tilespmem:s31+$0x0];
	_ =	sdelay $0x4  }
0x1a4: {  	v44 =	vadd.s32 $0xFFFEC980, v0  }
0x1a5: {  	v45 =	vshll.u32 v44, $0x1  }
0x1a6: {  	v0 =	vand.u32 $0x7F, v0;
	vm12 =	vgt.s32 v44, $0xFFFFFFFF;
	v46 =	vand.u32 $0xFFFFFF00, v45  }
0x1a7: {  	v0 =	vor.u32 v0, v46  }
0x1a8: {  	v1 =	vor.u32 $0x80, v0;
	_ =	sdelay $0x1  }
0x1a9: {  	v47 =	vld [tilespmem:s3+$0xFFFFFFC0]  }
0x1aa: {  	v48 =	vld [tilespmem:s3+$0x40]  }
0x1ab: {  	v0 =	vld.idx.msk [tilespmem:v0+s18+$0x0], vm12  }
0x1ac: {  	v1 =	vld.idx.msk [tilespmem:v1+s18+$0x0], vm12;
	_ =	sdelay $0x3  }
0x1ad: {  	v0 =	vadd.f32 v47, v0  }
0x1ae: {  	v1 =	vadd.f32 v48, v1  }
0x1af: {  	[tilespmem:s3+$0xFFFFFFC0] =	vst v0  }
0x1b0: {  	[tilespmem:s3+$0x40] =	vst v1  }
0x1b1: {  	v0 =	vld [tilespmem:s31+$0x10];
	_ =	sdelay $0x4  }
0x1b2: {  	v49 =	vadd.s32 $0xFFFEC980, v0  }
0x1b3: {  	v50 =	vshll.u32 v49, $0x1  }
0x1b4: {  	v0 =	vand.u32 $0x7F, v0;
	vm13 =	vgt.s32 v49, $0xFFFFFFFF;
	v51 =	vand.u32 $0xFFFFFF00, v50  }
0x1b5: {  	v0 =	vor.u32 v0, v51  }
0x1b6: {  	v1 =	vor.u32 $0x80, v0;
	_ =	sdelay $0x1  }
0x1b7: {  	v52 =	vld [tilespmem:s3+$0xFFFFFFD0]  }
0x1b8: {  	v53 =	vld [tilespmem:s3+$0x50]  }
0x1b9: {  	v0 =	vld.idx.msk [tilespmem:v0+s18+$0x0], vm13  }
0x1ba: {  	v1 =	vld.idx.msk [tilespmem:v1+s18+$0x0], vm13;
	_ =	sdelay $0x3  }
0x1bb: {  	v0 =	vadd.f32 v52, v0  }
0x1bc: {  	v1 =	vadd.f32 v53, v1  }
0x1bd: {  	[tilespmem:s3+$0xFFFFFFD0] =	vst v0  }
0x1be: {  	[tilespmem:s3+$0x50] =	vst v1  }
0x1bf: {  	v0 =	vld [tilespmem:s31+$0x20];
	_ =	sdelay $0x4  }
0x1c0: {  	v54 =	vadd.s32 $0xFFFEC980, v0  }
0x1c1: {  	v55 =	vshll.u32 v54, $0x1  }
0x1c2: {  	v0 =	vand.u32 $0x7F, v0;
	vm14 =	vgt.s32 v54, $0xFFFFFFFF;
	v56 =	vand.u32 $0xFFFFFF00, v55  }
0x1c3: {  	v0 =	vor.u32 v0, v56  }
0x1c4: {  	v1 =	vor.u32 $0x80, v0;
	_ =	sdelay $0x1  }
0x1c5: {  	v57 =	vld [tilespmem:s3+$0xFFFFFFE0]  }
0x1c6: {  	v58 =	vld [tilespmem:s3+$0x60]  }
0x1c7: {  	v0 =	vld.idx.msk [tilespmem:v0+s18+$0x0], vm14  }
0x1c8: {  	v1 =	vld.idx.msk [tilespmem:v1+s18+$0x0], vm14;
	_ =	sdelay $0x3  }
0x1c9: {  	v0 =	vadd.f32 v57, v0  }
0x1ca: {  	v1 =	vadd.f32 v58, v1  }
0x1cb: {  	[tilespmem:s3+$0xFFFFFFE0] =	vst v0  }
0x1cc: {  	[tilespmem:s3+$0x60] =	vst v1  }
0x1cd: {  	v0 =	vld [tilespmem:s31+$0x30];
	_ =	sdelay $0x4  }
0x1ce: {  	v59 =	vadd.s32 $0xFFFEC980, v0  }
0x1cf: {  	v60 =	vshll.u32 v59, $0x1  }
0x1d0: {  	v0 =	vand.u32 $0x7F, v0;
	vm15 =	vgt.s32 v59, $0xFFFFFFFF;
	v61 =	vand.u32 $0xFFFFFF00, v60  }
0x1d1: {  	v0 =	vor.u32 v0, v61  }
0x1d2: {  	v1 =	vor.u32 $0x80, v0;
	_ =	sdelay $0x1  }
0x1d3: {  	v62 =	vld [tilespmem:s3+$0xFFFFFFF0]  }
0x1d4: {  	v63 =	vld [tilespmem:s3+$0x70]  }
0x1d5: {  	v0 =	vld.idx.msk [tilespmem:v0+s18+$0x0], vm15  }
0x1d6: {  	v1 =	vld.idx.msk [tilespmem:v1+s18+$0x0], vm15  }
0x1d7: {  	s0 =	sadd.s32 $0x8, s0  }
0x1d8: {  	p0 =	slt.u32 s0, $0xF8  }
.Ltmp3:
0x1d9: {  	_ = 	snop;
	(pc) =	sbr.rel @p0 .LBB2_8-.Ltmp3, $4  }
0x1da: {  	v0 =	vadd.f32 v62, v0  }
0x1db: {  	v1 =	vadd.f32 v63, v1  }
0x1dc: {  	[tilespmem:s3+$0xFFFFFFF0] =	vst v0  }
0x1dd: {  	s31 =	sadd.s32 $0x80, s31;
	[tilespmem:s3+$0x70] =	vst v1;
	s3 =	sadd.s32 $0x100, s3  }
0x1de: {  	[hbm4b:s11+s16] =	stream.strided.scatter [tilespmem:s25], [sflag:$0x3], $0x2000, s17, s16, $0x38;
	[tilespmem:$0x1FE00] =	vst v63  }
0x1df: {  	_ = 	snop  }
0x1e0: {  	[tilespmem:s18], [sflag:$0x2] =	stream.strided.gather [hbm4b:s12+s16], $0xB700, s17, s16, $0x38;
	[tilespmem:$0x1FE00] =	vst v63  }
0x1e1: {  	_ = 	snop  }
0x1e2: {  	[tilespmem:s26], [sflag:$0x2] =	stream.linear.gather [hbm4b:s13+s4], $0x100, $0x38;
	[tilespmem:$0x1FE00] =	vst v63  }
0x1e3: {  	_ =	swait.ge [sflag:s22], $0xCF00  }
0x1e4: {  	s0 =	simm.s32 $0xFFFFFFF8;
	[sflag:s22] =	ssyncset.done $0x0  }
0x1e5: {  	s3 =	simm.s32 $0x1DE80;
	s31 =	simm.s32 $0x1AE40;
	[sflag:s22] =	ssyncadd.s32 $0xFFFF3100  }
.LBB2_10:
0x1e6: {  	v0 =	vld [tilespmem:s31+$0xFFFFFFC0];
	_ =	sdelay $0x4  }
0x1e7: {  	v1 =	vshll.u32 v0, $0x1  }
0x1e8: {  	vm0 =	vlt.s32 v0, $0x6780;
	v0 =	vand.u32 $0x7F, v0;
	v1 =	vand.u32 $0xFFFFFF00, v1  }
0x1e9: {  	v0 =	vor.u32 v0, v1  }
0x1ea: {  	v1 =	vor.u32 $0x80, v0;
	_ =	sdelay $0x3  }
0x1eb: {  	v0 =	vld.idx.msk [tilespmem:v0+s4+$0x0], vm0  }
0x1ec: {  	v1 =	vld.idx.msk [tilespmem:v1+s4+$0x0], vm0;
	_ =	sdelay $0x3  }
0x1ed: {  	[tilespmem:s3+$0xFFFFFF80] =	vst v0  }
0x1ee: {  	[tilespmem:s3+$0x0] =	vst v1  }
0x1ef: {  	v0 =	vld [tilespmem:s31+$0xFFFFFFD0];
	_ =	sdelay $0x4  }
0x1f0: {  	v57 =	vshll.u32 v0, $0x1  }
0x1f1: {  	vm9 =	vlt.s32 v0, $0x6780;
	v0 =	vand.u32 $0x7F, v0;
	v1 =	vand.u32 $0xFFFFFF00, v57  }
0x1f2: {  	v0 =	vor.u32 v0, v1  }
0x1f3: {  	v1 =	vor.u32 $0x80, v0;
	_ =	sdelay $0x3  }
0x1f4: {  	v0 =	vld.idx.msk [tilespmem:v0+s4+$0x0], vm9  }
0x1f5: {  	v1 =	vld.idx.msk [tilespmem:v1+s4+$0x0], vm9;
	_ =	sdelay $0x3  }
0x1f6: {  	[tilespmem:s3+$0xFFFFFF90] =	vst v0  }
0x1f7: {  	[tilespmem:s3+$0x10] =	vst v1  }
0x1f8: {  	v0 =	vld [tilespmem:s31+$0xFFFFFFE0];
	_ =	sdelay $0x4  }
0x1f9: {  	v58 =	vshll.u32 v0, $0x1  }
0x1fa: {  	vm10 =	vlt.s32 v0, $0x6780;
	v0 =	vand.u32 $0x7F, v0;
	v1 =	vand.u32 $0xFFFFFF00, v58  }
0x1fb: {  	v0 =	vor.u32 v0, v1  }
0x1fc: {  	v1 =	vor.u32 $0x80, v0;
	_ =	sdelay $0x3  }
0x1fd: {  	v0 =	vld.idx.msk [tilespmem:v0+s4+$0x0], vm10  }
0x1fe: {  	v1 =	vld.idx.msk [tilespmem:v1+s4+$0x0], vm10;
	_ =	sdelay $0x3  }
0x1ff: {  	[tilespmem:s3+$0xFFFFFFA0] =	vst v0  }
0x200: {  	[tilespmem:s3+$0x20] =	vst v1  }
0x201: {  	v0 =	vld [tilespmem:s31+$0xFFFFFFF0];
	_ =	sdelay $0x4  }
0x202: {  	v59 =	vshll.u32 v0, $0x1  }
0x203: {  	vm11 =	vlt.s32 v0, $0x6780;
	v0 =	vand.u32 $0x7F, v0;
	v1 =	vand.u32 $0xFFFFFF00, v59  }
0x204: {  	v0 =	vor.u32 v0, v1  }
0x205: {  	v1 =	vor.u32 $0x80, v0;
	_ =	sdelay $0x3  }
0x206: {  	v0 =	vld.idx.msk [tilespmem:v0+s4+$0x0], vm11  }
0x207: {  	v1 =	vld.idx.msk [tilespmem:v1+s4+$0x0], vm11;
	_ =	sdelay $0x3  }
0x208: {  	[tilespmem:s3+$0xFFFFFFB0] =	vst v0  }
0x209: {  	[tilespmem:s3+$0x30] =	vst v1  }
0x20a: {  	v0 =	vld [tilespmem:s31+$0x0];
	_ =	sdelay $0x4  }
0x20b: {  	v60 =	vshll.u32 v0, $0x1  }
0x20c: {  	vm12 =	vlt.s32 v0, $0x6780;
	v0 =	vand.u32 $0x7F, v0;
	v1 =	vand.u32 $0xFFFFFF00, v60  }
0x20d: {  	v0 =	vor.u32 v0, v1  }
0x20e: {  	v1 =	vor.u32 $0x80, v0;
	_ =	sdelay $0x3  }
0x20f: {  	v0 =	vld.idx.msk [tilespmem:v0+s4+$0x0], vm12  }
0x210: {  	v1 =	vld.idx.msk [tilespmem:v1+s4+$0x0], vm12;
	_ =	sdelay $0x3  }
0x211: {  	[tilespmem:s3+$0xFFFFFFC0] =	vst v0  }
0x212: {  	[tilespmem:s3+$0x40] =	vst v1  }
0x213: {  	v0 =	vld [tilespmem:s31+$0x10];
	_ =	sdelay $0x4  }
0x214: {  	v61 =	vshll.u32 v0, $0x1  }
0x215: {  	vm13 =	vlt.s32 v0, $0x6780;
	v0 =	vand.u32 $0x7F, v0;
	v1 =	vand.u32 $0xFFFFFF00, v61  }
0x216: {  	v0 =	vor.u32 v0, v1  }
0x217: {  	v1 =	vor.u32 $0x80, v0;
	_ =	sdelay $0x3  }
0x218: {  	v0 =	vld.idx.msk [tilespmem:v0+s4+$0x0], vm13  }
0x219: {  	v1 =	vld.idx.msk [tilespmem:v1+s4+$0x0], vm13;
	_ =	sdelay $0x3  }
0x21a: {  	[tilespmem:s3+$0xFFFFFFD0] =	vst v0  }
0x21b: {  	[tilespmem:s3+$0x50] =	vst v1  }
0x21c: {  	v0 =	vld [tilespmem:s31+$0x20];
	_ =	sdelay $0x4  }
0x21d: {  	v62 =	vshll.u32 v0, $0x1  }
0x21e: {  	vm14 =	vlt.s32 v0, $0x6780;
	v0 =	vand.u32 $0x7F, v0;
	v1 =	vand.u32 $0xFFFFFF00, v62  }
0x21f: {  	v0 =	vor.u32 v0, v1  }
0x220: {  	v1 =	vor.u32 $0x80, v0;
	_ =	sdelay $0x3  }
0x221: {  	v0 =	vld.idx.msk [tilespmem:v0+s4+$0x0], vm14  }
0x222: {  	v1 =	vld.idx.msk [tilespmem:v1+s4+$0x0], vm14;
	_ =	sdelay $0x3  }
0x223: {  	[tilespmem:s3+$0xFFFFFFE0] =	vst v0  }
0x224: {  	[tilespmem:s3+$0x60] =	vst v1  }
0x225: {  	v0 =	vld [tilespmem:s31+$0x30];
	_ =	sdelay $0x4  }
0x226: {  	v63 =	vshll.u32 v0, $0x1  }
0x227: {  	vm15 =	vlt.s32 v0, $0x6780;
	v0 =	vand.u32 $0x7F, v0;
	v1 =	vand.u32 $0xFFFFFF00, v63  }
0x228: {  	v0 =	vor.u32 v0, v1  }
0x229: {  	v1 =	vor.u32 $0x80, v0;
	_ =	sdelay $0x3  }
0x22a: {  	s0 =	sadd.s32 $0x8, s0;
	v0 =	vld.idx.msk [tilespmem:v0+s4+$0x0], vm15  }
0x22b: {  	p0 =	slt.u32 s0, $0xF8;
	v1 =	vld.idx.msk [tilespmem:v1+s4+$0x0], vm15  }
.Ltmp4:
0x22c: {  	_ = 	snop;
	(pc) =	sbr.rel @p0 .LBB2_10-.Ltmp4, $3  }
0x22d: {  	_ =	sdelay $0x1  }
0x22e: {  	[tilespmem:s3+$0xFFFFFFF0] =	vst v0  }
0x22f: {  	s31 =	sadd.s32 $0x80, s31;
	[tilespmem:s3+$0x70] =	vst v1;
	s3 =	sadd.s32 $0x100, s3  }
0x230: {  	_ =	swait.ge [sflag:s23], $0xB700  }
0x231: {  	[sflag:s23] =	ssyncset.done $0x0  }
0x232: {  	[sflag:s23] =	ssyncadd.s32 $0xFFFF4900  }
0x233: {  	_ =	swait.ge [sflag:s23], $0x100  }
0x234: {  	s0 =	simm.s32 $0xFFFFFFF8;
	[sflag:s23] =	ssyncset.done $0x0  }
0x235: {  	s3 =	simm.s32 $0x1DE80;
	s31 =	simm.s32 $0x1AE40;
	[sflag:s23] =	ssyncadd.s32 $0xFFFFFF00  }
.LBB2_12:
0x236: {  	v0 =	vld [tilespmem:s31+$0xFFFFFFC0];
	_ =	sdelay $0x4  }
0x237: {  	v1 =	vadd.s32 $0xFFFF9880, v0  }
0x238: {  	v2 =	vshll.u32 v1, $0x1  }
0x239: {  	v0 =	vand.u32 $0x7F, v0;
	vm0 =	vgt.s32 v1, $0xFFFFFFFF;
	v27 =	vand.u32 $0xFFFFFF00, v2  }
0x23a: {  	v0 =	vor.u32 v0, v27  }
0x23b: {  	v1 =	vor.u32 $0x80, v0;
	_ =	sdelay $0x1  }
0x23c: {  	v28 =	vld [tilespmem:s3+$0xFFFFFF80]  }
0x23d: {  	v3 =	vld [tilespmem:s3+$0x0]  }
0x23e: {  	v0 =	vld.idx.msk [tilespmem:v0+s18+$0x0], vm0  }
0x23f: {  	v1 =	vld.idx.msk [tilespmem:v1+s18+$0x0], vm0;
	_ =	sdelay $0x3  }
0x240: {  	v0 =	vadd.f32 v28, v0  }
0x241: {  	v1 =	vadd.f32 v3, v1  }
0x242: {  	[tilespmem:s3+$0xFFFFFF80] =	vst v0  }
0x243: {  	[tilespmem:s3+$0x0] =	vst v1  }
0x244: {  	v0 =	vld [tilespmem:s31+$0xFFFFFFD0];
	_ =	sdelay $0x4  }
0x245: {  	v29 =	vadd.s32 $0xFFFF9880, v0  }
0x246: {  	v30 =	vshll.u32 v29, $0x1  }
0x247: {  	v0 =	vand.u32 $0x7F, v0;
	vm9 =	vgt.s32 v29, $0xFFFFFFFF;
	v31 =	vand.u32 $0xFFFFFF00, v30  }
0x248: {  	v0 =	vor.u32 v0, v31  }
0x249: {  	v1 =	vor.u32 $0x80, v0;
	_ =	sdelay $0x1  }
0x24a: {  	v32 =	vld [tilespmem:s3+$0xFFFFFF90]  }
0x24b: {  	v33 =	vld [tilespmem:s3+$0x10]  }
0x24c: {  	v0 =	vld.idx.msk [tilespmem:v0+s18+$0x0], vm9  }
0x24d: {  	v1 =	vld.idx.msk [tilespmem:v1+s18+$0x0], vm9;
	_ =	sdelay $0x3  }
0x24e: {  	v0 =	vadd.f32 v32, v0  }
0x24f: {  	v1 =	vadd.f32 v33, v1  }
0x250: {  	[tilespmem:s3+$0xFFFFFF90] =	vst v0  }
0x251: {  	[tilespmem:s3+$0x10] =	vst v1  }
0x252: {  	v0 =	vld [tilespmem:s31+$0xFFFFFFE0];
	_ =	sdelay $0x4  }
0x253: {  	v34 =	vadd.s32 $0xFFFF9880, v0  }
0x254: {  	v35 =	vshll.u32 v34, $0x1  }
0x255: {  	v0 =	vand.u32 $0x7F, v0;
	vm10 =	vgt.s32 v34, $0xFFFFFFFF;
	v36 =	vand.u32 $0xFFFFFF00, v35  }
0x256: {  	v0 =	vor.u32 v0, v36  }
0x257: {  	v1 =	vor.u32 $0x80, v0;
	_ =	sdelay $0x1  }
0x258: {  	v37 =	vld [tilespmem:s3+$0xFFFFFFA0]  }
0x259: {  	v38 =	vld [tilespmem:s3+$0x20]  }
0x25a: {  	v0 =	vld.idx.msk [tilespmem:v0+s18+$0x0], vm10  }
0x25b: {  	v1 =	vld.idx.msk [tilespmem:v1+s18+$0x0], vm10;
	_ =	sdelay $0x3  }
0x25c: {  	v0 =	vadd.f32 v37, v0  }
0x25d: {  	v1 =	vadd.f32 v38, v1  }
0x25e: {  	[tilespmem:s3+$0xFFFFFFA0] =	vst v0  }
0x25f: {  	[tilespmem:s3+$0x20] =	vst v1  }
0x260: {  	v0 =	vld [tilespmem:s31+$0xFFFFFFF0];
	_ =	sdelay $0x4  }
0x261: {  	v39 =	vadd.s32 $0xFFFF9880, v0  }
0x262: {  	v40 =	vshll.u32 v39, $0x1  }
0x263: {  	v0 =	vand.u32 $0x7F, v0;
	vm11 =	vgt.s32 v39, $0xFFFFFFFF;
	v41 =	vand.u32 $0xFFFFFF00, v40  }
0x264: {  	v0 =	vor.u32 v0, v41  }
0x265: {  	v1 =	vor.u32 $0x80, v0;
	_ =	sdelay $0x1  }
0x266: {  	v42 =	vld [tilespmem:s3+$0xFFFFFFB0]  }
0x267: {  	v43 =	vld [tilespmem:s3+$0x30]  }
0x268: {  	v0 =	vld.idx.msk [tilespmem:v0+s18+$0x0], vm11  }
0x269: {  	v1 =	vld.idx.msk [tilespmem:v1+s18+$0x0], vm11;
	_ =	sdelay $0x3  }
0x26a: {  	v0 =	vadd.f32 v42, v0  }
0x26b: {  	v1 =	vadd.f32 v43, v1  }
0x26c: {  	[tilespmem:s3+$0xFFFFFFB0] =	vst v0  }
0x26d: {  	[tilespmem:s3+$0x30] =	vst v1  }
0x26e: {  	v0 =	vld [tilespmem:s31+$0x0];
	_ =	sdelay $0x4  }
0x26f: {  	v44 =	vadd.s32 $0xFFFF9880, v0  }
0x270: {  	v45 =	vshll.u32 v44, $0x1  }
0x271: {  	v0 =	vand.u32 $0x7F, v0;
	vm12 =	vgt.s32 v44, $0xFFFFFFFF;
	v46 =	vand.u32 $0xFFFFFF00, v45  }
0x272: {  	v0 =	vor.u32 v0, v46  }
0x273: {  	v1 =	vor.u32 $0x80, v0;
	_ =	sdelay $0x1  }
0x274: {  	v47 =	vld [tilespmem:s3+$0xFFFFFFC0]  }
0x275: {  	v48 =	vld [tilespmem:s3+$0x40]  }
0x276: {  	v0 =	vld.idx.msk [tilespmem:v0+s18+$0x0], vm12  }
0x277: {  	v1 =	vld.idx.msk [tilespmem:v1+s18+$0x0], vm12;
	_ =	sdelay $0x3  }
0x278: {  	v0 =	vadd.f32 v47, v0  }
0x279: {  	v1 =	vadd.f32 v48, v1  }
0x27a: {  	[tilespmem:s3+$0xFFFFFFC0] =	vst v0  }
0x27b: {  	[tilespmem:s3+$0x40] =	vst v1  }
0x27c: {  	v0 =	vld [tilespmem:s31+$0x10];
	_ =	sdelay $0x4  }
0x27d: {  	v49 =	vadd.s32 $0xFFFF9880, v0  }
0x27e: {  	v50 =	vshll.u32 v49, $0x1  }
0x27f: {  	v0 =	vand.u32 $0x7F, v0;
	vm13 =	vgt.s32 v49, $0xFFFFFFFF;
	v51 =	vand.u32 $0xFFFFFF00, v50  }
0x280: {  	v0 =	vor.u32 v0, v51  }
0x281: {  	v1 =	vor.u32 $0x80, v0;
	_ =	sdelay $0x1  }
0x282: {  	v52 =	vld [tilespmem:s3+$0xFFFFFFD0]  }
0x283: {  	v53 =	vld [tilespmem:s3+$0x50]  }
0x284: {  	v0 =	vld.idx.msk [tilespmem:v0+s18+$0x0], vm13  }
0x285: {  	v1 =	vld.idx.msk [tilespmem:v1+s18+$0x0], vm13;
	_ =	sdelay $0x3  }
0x286: {  	v0 =	vadd.f32 v52, v0  }
0x287: {  	v1 =	vadd.f32 v53, v1  }
0x288: {  	[tilespmem:s3+$0xFFFFFFD0] =	vst v0  }
0x289: {  	[tilespmem:s3+$0x50] =	vst v1  }
0x28a: {  	v0 =	vld [tilespmem:s31+$0x20];
	_ =	sdelay $0x4  }
0x28b: {  	v54 =	vadd.s32 $0xFFFF9880, v0  }
0x28c: {  	v55 =	vshll.u32 v54, $0x1  }
0x28d: {  	v0 =	vand.u32 $0x7F, v0;
	vm14 =	vgt.s32 v54, $0xFFFFFFFF;
	v56 =	vand.u32 $0xFFFFFF00, v55  }
0x28e: {  	v0 =	vor.u32 v0, v56  }
0x28f: {  	v1 =	vor.u32 $0x80, v0;
	_ =	sdelay $0x1  }
0x290: {  	v57 =	vld [tilespmem:s3+$0xFFFFFFE0]  }
0x291: {  	v58 =	vld [tilespmem:s3+$0x60]  }
0x292: {  	v0 =	vld.idx.msk [tilespmem:v0+s18+$0x0], vm14  }
0x293: {  	v1 =	vld.idx.msk [tilespmem:v1+s18+$0x0], vm14;
	_ =	sdelay $0x3  }
0x294: {  	v0 =	vadd.f32 v57, v0  }
0x295: {  	v1 =	vadd.f32 v58, v1  }
0x296: {  	[tilespmem:s3+$0xFFFFFFE0] =	vst v0  }
0x297: {  	[tilespmem:s3+$0x60] =	vst v1  }
0x298: {  	v0 =	vld [tilespmem:s31+$0x30];
	_ =	sdelay $0x4  }
0x299: {  	v59 =	vadd.s32 $0xFFFF9880, v0  }
0x29a: {  	v60 =	vshll.u32 v59, $0x1  }
0x29b: {  	v0 =	vand.u32 $0x7F, v0;
	vm15 =	vgt.s32 v59, $0xFFFFFFFF;
	v61 =	vand.u32 $0xFFFFFF00, v60  }
0x29c: {  	v0 =	vor.u32 v0, v61  }
0x29d: {  	v1 =	vor.u32 $0x80, v0;
	_ =	sdelay $0x1  }
0x29e: {  	v62 =	vld [tilespmem:s3+$0xFFFFFFF0]  }
0x29f: {  	v63 =	vld [tilespmem:s3+$0x70]  }
0x2a0: {  	v0 =	vld.idx.msk [tilespmem:v0+s18+$0x0], vm15  }
0x2a1: {  	v1 =	vld.idx.msk [tilespmem:v1+s18+$0x0], vm15  }
0x2a2: {  	s0 =	sadd.s32 $0x8, s0  }
0x2a3: {  	p0 =	slt.u32 s0, $0xF8  }
.Ltmp5:
0x2a4: {  	_ = 	snop;
	(pc) =	sbr.rel @p0 .LBB2_12-.Ltmp5, $4  }
0x2a5: {  	v0 =	vadd.f32 v62, v0  }
0x2a6: {  	v1 =	vadd.f32 v63, v1  }
0x2a7: {  	[tilespmem:s3+$0xFFFFFFF0] =	vst v0  }
0x2a8: {  	s31 =	sadd.s32 $0x80, s31;
	[tilespmem:s3+$0x70] =	vst v1;
	s3 =	sadd.s32 $0x100, s3  }
0x2a9: {  	[hbm4b:s14+s16] =	stream.strided.scatter [tilespmem:s28], [sflag:$0x3], $0x2000, s17, s16, $0x38;
	[tilespmem:$0x1FE00] =	vst v63  }
0x2aa: {  	s30 =	sadd.s32 $0x1, s30  }
0x2ab: {  	_ =	swait.ge [sflag:s29], $0x2000;
	p0 =	sne.s32 s30, s15  }
.Ltmp6:
0x2ac: {  	[sflag:s29] =	ssyncset.done $0x0;
	(pc) =	sbr.rel @p0 .LBB2_1-.Ltmp6, $4  }
0x2ad: {  	[sflag:s29] =	ssyncadd.s32 $0xFFFFE000  }
0x2ae: {  	_ =	swait.ge [sflag:s29], $0x2000  }
0x2af: {  	[sflag:s29] =	ssyncset.done $0x0  }
0x2b0: {  	[sflag:s29] =	ssyncadd.s32 $0xFFFFE000  }
0x2b1: {  	_ =	sfence.sel $0x180000  }
0x2b2: {  	[bflag:$0x0] =	sbarrier.arrive $0xFFFF  }
0x2b3: {  	_ =	strace $0x90000047  }
0x2b4: {  	s0 =	stileid.u32;
	[bflag:$0x2] =	sbarrier.arrive $0xFFFF  }
0x2b5: {  	p0 =	sne.s32 s0, $0x0;
	s0 =	rddreg [dreg:$0x7]  }
0x2b6: {  	s0 =	sadd.s32 @!p0 $0x100000, s0  }
0x2b7: {  	[sflag:s0] =	ssyncadd.tile.s32 @!p0 $0x1;
	_ =	shalt  }
.Lfunc_end2:
_tile_overlayer_lowered:
.L_overlay_start_2:
0x2b8: {  	(tag) =	ssettag $0x2  }
0x2b9: {  	s0 =	rddreg [dreg:$0x0];
	s2 =	stileid.u32  }
0x2ba: {  	s1 =	rddreg [dreg:$0x1];
	p0 =	sne.s32 s2, $0x0  }
0x2bb: {  	s3 =	rddreg [dreg:$0x2];
	[bflag:$0x3] =	sbarrier.arrive $0xFFFF;
	s2 =	simm.s32 @!p0 $0x1C04  }
0x2bc: {  	[timem:s3], [sflag:s2] =	dma.local @!p0 [hbm:s0], s1  }
0x2bd: {  	s0 =	simm.s32 @!p0 $0x4  }
0x2be: {  	_ =	swait.ge @!p0 [sflag:s0], s1  }
0x2bf: {  	s1 =	ssub.s32 @!p0 $0x0, s1;
	[sflag:s0] =	ssyncset.done @!p0 $0x0  }
0x2c0: {  	[sflag:s0] =	ssyncadd.s32 @!p0 s1  }
0x2c1: {  	[bflag:$0x3] =	sbarrier.arrive $0xFFFF  }
0x2c2: {  	_ =	shalt  }

</sc_bundles>
